<compile_context>
chip_gen: v7x
topology: tpu7x:2x2x1
jax: 0.10.2.dev20260603
libtpu: 0.0.44.dev20260713+nightly
codegen_flags: <defaults>
</compile_context>

<pallas_src>
import functools
import math

import jax
import jax.numpy as jnp
from jax import lax
from jax.experimental import pallas as pl
from jax.experimental.pallas import tpu as pltpu
from jax.experimental.pallas import tpu_sc as plsc

N = 10000
E = 160000
NC = 2
NS = 16
NW = NC * NS
EPW = E // NW
CH = 128
NFULL = EPW // CH
TAIL = EPW - NFULL * CH
RPT = N // NS
INV = 1.0 / math.sqrt(3.8)
KSOH = 1.14136 * math.exp(2.0) * math.sqrt(3.0)


def _mesh():
    return plsc.VectorSubcoreMesh(core_axis_name="c", subcore_axis_name="s",
                                  num_cores=NC, num_subcores=NS)


def _f32(shape):
    return jax.ShapeDtypeStruct(shape, jnp.float32)


def _zero_rows(rows_ref, nrows, width):
    def body(i, _):
        for j in range(width // 16):
            rows_ref[i, pl.ds(16 * j, 16)] = jnp.zeros((16,), jnp.float32)
        return 0
    lax.fori_loop(0, nrows, body, 0)


def _init_acc(acc, rows_ref, sid, width):
    _zero_rows(rows_ref, CH, width)
    base = sid * RPT
    off = 0
    while off < RPT:
        n = min(CH, RPT - off)
        pltpu.sync_copy(rows_ref.at[pl.ds(0, n)], acc.at[pl.ds(base + off, n)])
        off += n


def _build_p1():
    def body(pos_hbm, src_hbm, dst_hbm, ev_hbm,
             idx_s, idx_d, rows_s, rows_d, idx_st, idx_dt, rows_st, rows_dt,
             sem, sem2):
        c = lax.axis_index("c")
        s = lax.axis_index("s")
        base = (c * NS + s) * EPW

        def chunk(off, n, i_s, i_d, r_s, r_d):
            di = pltpu.async_copy(src_hbm.at[pl.ds(off, n)], i_s, sem)
            dd = pltpu.async_copy(dst_hbm.at[pl.ds(off, n)], i_d, sem2)
            di.wait()
            dd.wait()
            gs = pltpu.async_copy(pos_hbm.at[i_s], r_s, sem)
            gd = pltpu.async_copy(pos_hbm.at[i_d], r_d, sem2)
            gs.wait()
            gd.wait()

            def sub(i, _):
                r_s[i, :] = r_s[i, :] - r_d[i, :]
                return 0
            lax.fori_loop(0, n, sub, 0)
            pltpu.sync_copy(r_s, ev_hbm.at[pl.ds(off, n)])

        def loop(k, _):
            chunk(base + k * CH, CH, idx_s, idx_d, rows_s, rows_d)
            return 0
        lax.fori_loop(0, NFULL, loop, 0)
        chunk(base + NFULL * CH, TAIL, idx_st, idx_dt, rows_st, rows_dt)

    return pl.kernel(
        body,
        compiler_params=pltpu.CompilerParams(use_tc_tiling_on_sc=False),
        out_type=_f32((E, 16)),
        mesh=_mesh(),
        scratch_types=[
            pltpu.VMEM((CH,), jnp.int32), pltpu.VMEM((CH,), jnp.int32),
            pltpu.VMEM((CH, 16), jnp.float32), pltpu.VMEM((CH, 16), jnp.float32),
            pltpu.VMEM((TAIL,), jnp.int32), pltpu.VMEM((TAIL,), jnp.int32),
            pltpu.VMEM((TAIL, 16), jnp.float32), pltpu.VMEM((TAIL, 16), jnp.float32),
            pltpu.SemaphoreType.DMA, pltpu.SemaphoreType.DMA,
        ],
    )


def _build_scatter(D):
    def body(val_hbm, dst_hbm, out_hbm, idx_v, rows_v, idx_t, rows_t, acc,
             sem_i, sem_r):
        c = lax.axis_index("c")
        s = lax.axis_index("s")
        _init_acc(acc, rows_v, s, D)
        plsc.subcore_barrier()
        base = (c * NS + s) * EPW

        def chunk(off, n, i_v, r_v):
            di = pltpu.async_copy(dst_hbm.at[pl.ds(off, n)], i_v, sem_i)
            dr = pltpu.async_copy(val_hbm.at[pl.ds(off, n)], r_v, sem_r)
            di.wait()
            dr.wait()
            pltpu.sync_copy(r_v, acc.at[i_v], add=True)

        def loop(k, _):
            chunk(base + k * CH, CH, idx_v, rows_v)
            return 0
        lax.fori_loop(0, NFULL, loop, 0)
        chunk(base + NFULL * CH, TAIL, idx_t, rows_t)
        plsc.subcore_barrier()
        pltpu.sync_copy(acc.at[pl.ds(s * RPT, RPT)],
                        out_hbm.at[pl.ds(c * N + s * RPT, RPT)])

    return pl.kernel(
        body,
        compiler_params=pltpu.CompilerParams(use_tc_tiling_on_sc=False),
        out_type=_f32((2 * N, D)),
        mesh=_mesh(),
        scratch_types=[
            pltpu.VMEM((CH,), jnp.int32),
            pltpu.VMEM((CH, D), jnp.float32),
            pltpu.VMEM((TAIL,), jnp.int32),
            pltpu.VMEM((TAIL, D), jnp.float32),
            pltpu.VMEM_SHARED((N, D), jnp.float32),
            pltpu.SemaphoreType.DMA, pltpu.SemaphoreType.DMA,
        ],
    )


GCH = 128
GPT = E // NS
GFULL = GPT // GCH
GTAIL = GPT - GFULL * GCH


def _build_p34():
    def body(ea_hbm, src_hbm, dst_hbm, g0_hbm, g1_hbm,
             idx_v, rows_v, idx_t8, rows_t8, idx_t16, rows_t16, acc,
             sem_i, sem_r):
        c = lax.axis_index("c")
        s = lax.axis_index("s")
        _init_acc(acc, rows_v, s, 16)
        plsc.subcore_barrier()
        base = (c * NS + s) * EPW

        def sc_chunk(off, n, i_v, r_v):
            di = pltpu.async_copy(dst_hbm.at[pl.ds(off, n)], i_v, sem_i)
            dr = pltpu.async_copy(ea_hbm.at[pl.ds(off, n)], r_v, sem_r)
            di.wait()
            dr.wait()
            pltpu.sync_copy(r_v, acc.at[i_v], add=True)

        def sloop(k, _):
            sc_chunk(base + k * CH, CH, idx_v, rows_v)
            return 0
        lax.fori_loop(0, NFULL, sloop, 0)
        sc_chunk(base + NFULL * CH, TAIL, idx_t8, rows_t8)
        plsc.subcore_barrier()

        gbase = s * GPT

        def g_chunk(off, n, i_v, r_v):
            pltpu.async_copy(src_hbm.at[pl.ds(off, n)], i_v, sem_i).wait()
            pltpu.async_copy(acc.at[i_v], r_v, sem_r).wait()

            @pl.when(c == 0)
            def _():
                pltpu.sync_copy(r_v, g0_hbm.at[pl.ds(off, n)])

            @pl.when(c == 1)
            def _():
                pltpu.sync_copy(r_v, g1_hbm.at[pl.ds(off, n)])

        def gloop(k, _):
            g_chunk(gbase + k * GCH, GCH, idx_v, rows_v)
            return 0
        lax.fori_loop(0, GFULL, gloop, 0)
        g_chunk(gbase + GFULL * GCH, GTAIL, idx_t16, rows_t16)

    return pl.kernel(
        body,
        compiler_params=pltpu.CompilerParams(use_tc_tiling_on_sc=False),
        out_type=(_f32((E, 16)), _f32((E, 16))),
        mesh=_mesh(),
        scratch_types=[
            pltpu.VMEM((CH,), jnp.int32), pltpu.VMEM((CH, 16), jnp.float32),
            pltpu.VMEM((TAIL,), jnp.int32), pltpu.VMEM((TAIL, 16), jnp.float32),
            pltpu.VMEM((GTAIL,), jnp.int32), pltpu.VMEM((GTAIL, 16), jnp.float32),
            pltpu.VMEM_SHARED((N, 16), jnp.float32),
            pltpu.SemaphoreType.DMA, pltpu.SemaphoreType.DMA,
        ],
    )


def _build_p8():
    def body(y2_hbm, src_hbm, dst_hbm, eb2_hbm, out_hbm,
             idx_v, rows_y, rows_e, idx_t, rows_yt, rows_et, acc, sem):
        c = lax.axis_index("c")
        s = lax.axis_index("s")
        _init_acc(acc, rows_y, s, 16)
        plsc.subcore_barrier()
        base = (c * NS + s) * EPW

        def chunk(off, n, i_v, r_y, r_e):
            pltpu.sync_copy(src_hbm.at[pl.ds(off, n)], i_v)
            pltpu.async_copy(y2_hbm.at[i_v], r_y, sem).wait()
            pltpu.sync_copy(eb2_hbm.at[pl.ds(off, n)], r_e)

            def mul(i, _):
                r_y[i, :] = r_y[i, :] * r_e[i, :]
                return 0
            lax.fori_loop(0, n, mul, 0)
            pltpu.sync_copy(dst_hbm.at[pl.ds(off, n)], i_v)
            pltpu.sync_copy(r_y, acc.at[i_v], add=True)

        def loop(k, _):
            chunk(base + k * CH, CH, idx_v, rows_y, rows_e)
            return 0
        lax.fori_loop(0, NFULL, loop, 0)
        chunk(base + NFULL * CH, TAIL, idx_t, rows_yt, rows_et)
        plsc.subcore_barrier()
        pltpu.sync_copy(acc.at[pl.ds(s * RPT, RPT)],
                        out_hbm.at[pl.ds(c * N + s * RPT, RPT)])

    return pl.kernel(
        body,
        compiler_params=pltpu.CompilerParams(use_tc_tiling_on_sc=False),
        out_type=_f32((2 * N, 16)),
        mesh=_mesh(),
        scratch_types=[
            pltpu.VMEM((CH,), jnp.int32),
            pltpu.VMEM((CH, 16), jnp.float32), pltpu.VMEM((CH, 16), jnp.float32),
            pltpu.VMEM((TAIL,), jnp.int32),
            pltpu.VMEM((TAIL, 16), jnp.float32), pltpu.VMEM((TAIL, 16), jnp.float32),
            pltpu.VMEM_SHARED((N, 16), jnp.float32),
            pltpu.SemaphoreType.DMA,
        ],
    )


BE = 2000


def _sh_factor_tables():
    import numpy as np
    s3 = math.sqrt(3.0)
    s15 = math.sqrt(15.0)
    s5 = math.sqrt(5.0)
    a = math.sqrt(35.0 / 8.0)
    b = math.sqrt(105.0)
    c = math.sqrt(21.0 / 8.0)
    d = math.sqrt(7.0) / 2.0
    e = math.sqrt(105.0) / 2.0
    F = [
        ([], 1., [], 1., [], 1.),
        ([(0, s3)], 0., [], 1., [], 1.),
        ([(1, s3)], 0., [], 1., [], 1.),
        ([(2, s3)], 0., [], 1., [], 1.),
        ([(0, s15)], 0., [(1, 1)], 0., [], 1.),
        ([(1, s15)], 0., [(2, 1)], 0., [], 1.),
        ([(2, s5 / 2 * s3)], -s5 / 2, [(2, s3)], 1., [], 1.),
        ([(0, s15)], 0., [(2, 1)], 0., [], 1.),
        ([(0, s15 / 2), (1, -s15 / 2)], 0., [(0, 1), (1, 1)], 0., [], 1.),
        ([(1, a)], 0., [(0, s3), (1, -1)], 0., [(0, s3), (1, 1)], 0.),
        ([(0, b)], 0., [(1, 1)], 0., [(2, 1)], 0.),
        ([(1, c)], 0., [(2, s5)], -1., [(2, s5)], 1.),
        ([(2, d)], 0., [(2, s5)], -s3, [(2, s5)], s3),
        ([(0, c)], 0., [(2, s5)], -1., [(2, s5)], 1.),
        ([(0, e), (1, -e)], 0., [(0, 1), (1, 1)], 0., [(2, 1)], 0.),
        ([(0, a)], 0., [(0, 1), (1, -s3)], 0., [(0, 1), (1, s3)], 0.),
    ]
    A = np.zeros((3, 16, 16), np.float32)
    B = np.zeros((3, 16), np.float32)
    for col, parts in enumerate(F):
        for k in range(3):
            B[k, col] = parts[2 * k + 1]
            for r, coef in parts[2 * k]:
                A[k, r, col] = coef
    return A, B


_SH_A, _SH_B = _sh_factor_tables()


def _soh_rows():
    import numpy as np
    rows = np.zeros((2, 16), np.float32)
    rows[0, :] = 1e9
    rows[0, :3] = [2.0, 3.0, 4.0]
    rows[1, :3] = KSOH
    return rows


_SOH = _soh_rows()


def _p2_body(ev_ref, w11_ref, w12_ref, w1b_ref, w21_ref, w22_ref, w2b_ref,
             a0_ref, a1_ref, a2_ref, b_ref, soh_ref,
             ea_ref, eb1_ref, eb2_ref):
    ev = ev_ref[...]
    n2 = jnp.sum(ev * ev, axis=1, keepdims=True) + 1e-12
    nb = jnp.sqrt(jnp.broadcast_to(n2, ev.shape))
    u = ev / nb
    ea = ((jnp.dot(u, a0_ref[...], preferred_element_type=jnp.float32, precision=jax.lax.Precision.HIGHEST) + b_ref[0:1, :])
          * (jnp.dot(u, a1_ref[...], preferred_element_type=jnp.float32, precision=jax.lax.Precision.HIGHEST) + b_ref[1:2, :])
          * (jnp.dot(u, a2_ref[...], preferred_element_type=jnp.float32, precision=jax.lax.Precision.HIGHEST) + b_ref[2:3, :]))
    diff = 2.0 * nb - soh_ref[0:1, :]
    m = jnp.abs(diff) < 1.0
    yv = jnp.where(m, jnp.exp(-1.0 / jnp.where(m, 1.0 - diff * diff, 1.0)), 0.0)
    el = yv * soh_ref[1:2, :]
    w11p = jnp.concatenate([w11_ref[...], jnp.zeros((13, 256), jnp.float32)], axis=0)
    h1 = jnp.maximum(jnp.dot(el, w11p, preferred_element_type=jnp.float32), 0.0)
    w = jnp.dot(h1, w12_ref[...], preferred_element_type=jnp.float32)
    eb1 = jnp.dot(ea, w1b_ref[...], preferred_element_type=jnp.float32) * w * INV
    w21p = jnp.concatenate([w21_ref[...], jnp.zeros((13, 256), jnp.float32)], axis=0)
    h2 = jnp.maximum(jnp.dot(el, w21p, preferred_element_type=jnp.float32), 0.0)
    w2 = jnp.dot(h2, w22_ref[...], preferred_element_type=jnp.float32)
    t2 = jnp.dot(ea, w2b_ref[...], preferred_element_type=jnp.float32) * w2
    ea_ref[...] = ea
    eb1_ref[...] = eb1.astype(jnp.bfloat16)
    eb2_ref[...] = jnp.concatenate(
        [t2, jnp.zeros((t2.shape[0], 13), jnp.float32)], axis=1)


def _build_p2():
    full = lambda shape: pl.BlockSpec(shape, lambda i: (0, 0))
    return pl.pallas_call(
        _p2_body,
        compiler_params=pltpu.CompilerParams(needs_layout_passes=False),
        grid=(E // BE,),
        in_specs=[
            pl.BlockSpec((BE, 16), lambda i: (i, 0)),
            full((3, 256)), full((256, 160)), full((16, 160)),
            full((3, 256)), full((256, 3)), full((16, 3)),
            full((16, 16)), full((16, 16)), full((16, 16)),
            full((3, 16)), full((2, 16)),
        ],
        out_specs=[
            pl.BlockSpec((BE, 16), lambda i: (i, 0)),
            pl.BlockSpec((BE, 160), lambda i: (i, 0)),
            pl.BlockSpec((BE, 16), lambda i: (i, 0)),
        ],
        out_shape=[_f32((E, 16)),
                   jax.ShapeDtypeStruct((E, 160), jnp.bfloat16),
                   _f32((E, 16))],
    )


def _p5_body(g0_ref, g1_ref, eb1_ref, w1a_ref, msg_ref):
    sfeat = g0_ref[...] + g1_ref[...]
    msg_ref[...] = jnp.dot(sfeat, w1a_ref[...],
                           preferred_element_type=jnp.float32) \
        * eb1_ref[...].astype(jnp.float32)


def _build_p5():
    return pl.pallas_call(
        _p5_body,
        compiler_params=pltpu.CompilerParams(needs_layout_passes=False),
        grid=(E // BE,),
        in_specs=[
            pl.BlockSpec((BE, 16), lambda i: (i, 0)),
            pl.BlockSpec((BE, 16), lambda i: (i, 0)),
            pl.BlockSpec((BE, 160), lambda i: (i, 0)),
            pl.BlockSpec((16, 160), lambda i: (0, 0)),
        ],
        out_specs=pl.BlockSpec((BE, 160), lambda i: (i, 0)),
        out_shape=_f32((E, 160)),
    )


BN = 2000


def _p7_body(p0_ref, p1_ref, w2a_ref, y2_ref):
    x1 = (p0_ref[...] + p1_ref[...]) * INV
    s_part = jnp.concatenate(
        [jnp.maximum(x1[:, 0:16], 0.0), jnp.abs(x1[:, 16:32])], axis=1)
    g = jnp.concatenate(
        [jnp.maximum(x1[:, 32:40], 0.0), jnp.tanh(x1[:, 40:48]),
         jnp.maximum(x1[:, 48:56], 0.0), jnp.tanh(x1[:, 56:64])], axis=1)
    i0 = lax.broadcasted_iota(jnp.int32, (32, 96), 0)
    i1 = lax.broadcasted_iota(jnp.int32, (32, 96), 1)
    rep = (i1 // 3 == i0).astype(jnp.float32)
    g_exp = jnp.dot(g, rep, preferred_element_type=jnp.float32)
    feat = x1[:, 64:160] * g_exp
    y2 = (jnp.dot(s_part, w2a_ref[0:32, :], preferred_element_type=jnp.float32)
          + jnp.dot(feat, w2a_ref[32:128, :], preferred_element_type=jnp.float32))
    y2_ref[...] = jnp.concatenate(
        [y2, jnp.zeros((y2.shape[0], 13), jnp.float32)], axis=1)


def _build_p7():
    return pl.pallas_call(
        _p7_body,
        compiler_params=pltpu.CompilerParams(needs_layout_passes=False),
        grid=(N // BN,),
        in_specs=[
            pl.BlockSpec((BN, 160), lambda i: (i, 0)),
            pl.BlockSpec((BN, 160), lambda i: (i, 0)),
            pl.BlockSpec((128, 3), lambda i: (0, 0)),
        ],
        out_specs=pl.BlockSpec((BN, 16), lambda i: (i, 0)),
        out_shape=_f32((N, 16)),
    )


def _p9_body(p0_ref, p1_ref, out_ref):
    out_ref[...] = ((p0_ref[...] + p1_ref[...]) * INV)[:, 0:3]


def _build_p9():
    return pl.pallas_call(
        _p9_body,
        compiler_params=pltpu.CompilerParams(needs_layout_passes=False),
        grid=(N // BN,),
        in_specs=[
            pl.BlockSpec((BN, 16), lambda i: (i, 0)),
            pl.BlockSpec((BN, 16), lambda i: (i, 0)),
        ],
        out_specs=pl.BlockSpec((BN, 3), lambda i: (i, 0)),
        out_shape=_f32((N, 3)),
    )


_P1 = _build_p1()
_P2 = _build_p2()
_P34 = _build_p34()
_P5 = _build_p5()
_P6 = _build_scatter(160)
_P7 = _build_p7()
_P8 = _build_p8()
_P9 = _build_p9()


def kernel(position, edge_src, edge_dst, fc1_w1, fc1_w2, W1a, W1b,
           fc2_w1, fc2_w2, W2a, W2b):
    pos_pad = jnp.concatenate(
        [position, jnp.zeros((N, 13), position.dtype)], axis=1)
    src = edge_src.astype(jnp.int32)
    dst = edge_dst.astype(jnp.int32)

    ev = _P1(pos_pad, src, dst)
    ea, eb1, eb2 = _P2(ev, fc1_w1, fc1_w2, W1b, fc2_w1, fc2_w2, W2b,
                       _SH_A[0], _SH_A[1], _SH_A[2], _SH_B, _SOH)
    g0, g1 = _P34(ea, src, dst)
    msg = _P5(g0, g1, eb1, W1a)
    s1 = _P6(msg, dst)
    y2 = _P7(s1[:N], s1[N:], W2a)
    o = _P8(y2, src, dst, eb2)
    return _P9(o[:N], o[N:])

# --- scband reference (transcript-rebuilt; emitter-appended) ---
"""Pipeline reference for scband-update-position-layer-75565654606297 (READ-ONLY COPY).

The authoritative reference and input builder live on the scoring server;
editing this copy changes nothing except your own understanding.
"""

import jax, jax.numpy as jnp
import numpy as np

N_NODES = 10000
N_EDGES = 160000


def _sh(v):
    n = jnp.sqrt(jnp.sum(v * v, axis=-1, keepdims=True) + 1e-12)
    u = v / n
    x = u[:, 0]; y = u[:, 1]; z = u[:, 2]
    l0 = jnp.ones_like(x)
    s3 = 3.0 ** 0.5
    s15 = 15.0 ** 0.5
    s5 = 5.0 ** 0.5
    a = (35.0 / 8.0) ** 0.5
    b = 105.0 ** 0.5
    c = (21.0 / 8.0) ** 0.5
    d = (7.0 ** 0.5) / 2.0
    e = (105.0 ** 0.5) / 2.0
    comps = [l0,
             s3 * x, s3 * y, s3 * z,
             s15 * x * y, s15 * y * z, (s5 / 2.0) * (3 * z * z - 1.0), s15 * x * z, (s15 / 2.0) * (x * x - y * y),
             a * y * (3 * x * x - y * y), b * x * y * z, c * y * (5 * z * z - 1.0), d * (5 * z ** 3 - 3 * z), c * x * (5 * z * z - 1.0), e * (x * x - y * y) * z, a * x * (x * x - 3 * y * y)]
    return jnp.stack(comps, axis=-1)


def _soft_one_hot(dist):
    values = jnp.linspace(0.5, 2.5, 3 + 2)
    step = values[1] - values[0]
    values = values[1:-1]
    diff = (dist[:, None] - values[None, :]) / step
    m = jnp.abs(diff) < 1.0
    y = jnp.where(m, jnp.exp(-1.0 / jnp.where(m, 1.0 - diff * diff, 1.0)), 0.0)
    return 1.14136 * jnp.exp(2.0) * y * (3.0 ** 0.5)


def _fc(x, w1, w2):
    return jax.nn.relu(x @ w1) @ w2


def _gate(x):
    s = jnp.concatenate([jax.nn.relu(x[:, :16]), jnp.abs(x[:, 16:32])], axis=-1)
    g = jnp.concatenate([jax.nn.relu(x[:, 32:40]), jnp.tanh(x[:, 40:48]), jax.nn.relu(x[:, 48:56]), jnp.tanh(x[:, 56:64])], axis=-1)
    feat = x[:, 64:].reshape(-1, 32, 3) * g[:, :, None]
    return jnp.concatenate([s, feat.reshape(-1, 96)], axis=-1)


def setup_inputs(seed: int = 0) -> dict:
    key = jax.random.key(seed)
    ks = jax.random.split(key, 12)
    position = jax.random.normal(ks[0], (N_NODES, 3), dtype=jnp.float32)
    edge_src = jax.random.randint(ks[1], (N_EDGES,), 0, N_NODES, dtype=jnp.int64 if jax.config.jax_enable_x64 else jnp.int32).astype(jnp.int32)
    edge_dst = jax.random.randint(ks[2], (N_EDGES,), 0, N_NODES, dtype=jnp.int32)
    fc1_w1 = jax.random.normal(ks[3], (3, 256), dtype=jnp.float32) * 0.1
    fc1_w2 = jax.random.normal(ks[4], (256, 160), dtype=jnp.float32) * 0.1
    W1a = jax.random.normal(ks[5], (16, 160), dtype=jnp.float32) * 0.1
    W1b = jax.random.normal(ks[6], (16, 160), dtype=jnp.float32) * 0.1
    fc2_w1 = jax.random.normal(ks[7], (3, 256), dtype=jnp.float32) * 0.1
    fc2_w2 = jax.random.normal(ks[8], (256, 3), dtype=jnp.float32) * 0.1
    W2a = jax.random.normal(ks[9], (128, 3), dtype=jnp.float32) * 0.1
    W2b = jax.random.normal(ks[10], (16, 3), dtype=jnp.float32) * 0.1
    return {"position": position, "edge_src": edge_src, "edge_dst": edge_dst,
            "fc1_w1": fc1_w1, "fc1_w2": fc1_w2, "W1a": W1a, "W1b": W1b,
            "fc2_w1": fc2_w1, "fc2_w2": fc2_w2, "W2a": W2a, "W2b": W2b}


def reference(position, edge_src, edge_dst, fc1_w1, fc1_w2, W1a, W1b, fc2_w1, fc2_w2, W2a, W2b):
    n = position.shape[0]
    inv = 1.0 / (3.8 ** 0.5)
    ev = position[edge_src] - position[edge_dst]
    ea = _sh(ev)
    el = _soft_one_hot(jnp.sqrt(jnp.sum(ev * ev, axis=-1) + 1e-12))
    x = jax.ops.segment_sum(ea, edge_dst, num_segments=n) * inv
    w = _fc(el, fc1_w1, fc1_w2)
    msg = (x[edge_src] @ W1a) * (ea @ W1b) * w
    x = jax.ops.segment_sum(msg, edge_dst, num_segments=n) * inv
    x = _gate(x)
    w2 = _fc(el, fc2_w1, fc2_w2)
    msg2 = (x[edge_src] @ W2a) * (ea @ W2b) * w2
    out = jax.ops.segment_sum(msg2, edge_dst, num_segments=n) * inv
    return out

if __name__ == "__main__":
    import jax
    _d = setup_inputs()
    print(jax.jit(kernel)(*tuple(_d.values())))

</pallas_src>

<mosaic_0001>
#map = affine_map<(d0, d1) -> (0, 0)>
#map1 = affine_map<(d0, d1) -> (0)>
module attributes {stable_mosaic.version = 14 : i64} {
  func.func @body(%arg0: i32, %arg1: i32, %arg2: memref<160000x16xf32, #tpu.memory_space<hbm>>, %arg3: memref<160000xi32, #tpu.memory_space<hbm>>, %arg4: memref<160000xi32, #tpu.memory_space<hbm>>, %arg5: memref<160000x16xf32, #tpu.memory_space<hbm>>, %arg6: memref<160000x16xf32, #tpu.memory_space<hbm>>, %arg7: memref<128xi32, #tpu.memory_space<vmem>>, %arg8: memref<128x16xf32, #tpu.memory_space<vmem>>, %arg9: memref<8xi32, #tpu.memory_space<vmem>>, %arg10: memref<8x16xf32, #tpu.memory_space<vmem>>, %arg11: memref<16xi32, #tpu.memory_space<vmem>>, %arg12: memref<16x16xf32, #tpu.memory_space<vmem>>, %arg13: memref<10000x16xf32, #tpu.memory_space<vmem_shared>>, %arg14: memref<!tpu.dma_semaphore, #tpu.memory_space<semaphore_mem>>, %arg15: memref<!tpu.dma_semaphore, #tpu.memory_space<semaphore_mem>>) attributes {dimension_semantics = [#tpu.dimension_semantics<core_parallel>, #tpu.dimension_semantics<subcore_parallel>], iteration_bounds = array<i64: 2, 16>, scalar_prefetch = 0 : i64, scratch_operands = 9 : i64, tpu.core_type = #tpu.core_type<sc_vector_subcore>, window_params = [{transform_indices = #map}, {transform_indices = #map1}, {transform_indices = #map1}, {transform_indices = #map}, {transform_indices = #map}]} {
    %scan3A = arith.constant 0 : i32
    %scan3A_0 = arith.constant 0 : i32
    %scan3A_1 = arith.constant 128 : i32
    %scan3A_2 = arith.addi %scan3A_0, %scan3A_1 : i32
    %scan3A_3 = arith.constant 1 : i32
    %scan3A_4 = scf.for %scan3A_69 = %scan3A_0 to %scan3A_2 step %scan3A_3 iter_args(%scan3A_70 = %scan3A) -> (i32)  : i32 {
      %broadcast_in_dim3A = arith.constant 0.000000e+00 : f32
      %broadcast_in_dim3A_71 = vector.broadcast %broadcast_in_dim3A : f32 to vector<16xf32>
      %swap3A = arith.index_cast %scan3A_69 : i32 to index
      %swap3A_72 = arith.constant 0 : index
      %swap3A_73 = tpu.vector_load %arg8[%swap3A, %swap3A_72] {strides = array<i32>} : memref<128x16xf32, #tpu.memory_space<vmem>>, vector<1x16xf32>,
      %swap3A_74 = vector.shape_cast %swap3A_73 : vector<1x16xf32> to vector<16xf32>
      %swap3A_75 = vector.shape_cast %broadcast_in_dim3A_71 : vector<16xf32> to vector<1x16xf32>
      tpu.vector_store %arg8[%swap3A, %swap3A_72], %swap3A_75 {strides = array<i32>} : memref<128x16xf32, #tpu.memory_space<vmem>>, vector<1x16xf32>,
      %scan3A_76 = arith.constant 0 : i32
      scf.yield %scan3A_76 : i32
    }
    %scan3A_5 = arith.constant 128 : i32
    %mul3A = arith.constant 625 : i32
    %mul3A_6 = arith.muli %arg1, %mul3A : i32
    %add3A = arith.constant 0 : i32
    %add3A_7 = arith.addi %mul3A_6, %add3A : i32
    "tpu.region"() ({
      %run_scoped3A = tpu.sem_alloc : memref<!tpu.dma_semaphore, #tpu.memory_space<semaphore_mem>>
      %dma_start3A_69 = arith.constant 0 : i32
      %dma_start3A_70 = arith.constant 0 : i32
      %dma_start3A_71 = tpu.memref_slice %arg8[%dma_start3A_69, %dma_start3A_70] : memref<128x16xf32, #tpu.memory_space<vmem>> -> memref<128x16xf32, #tpu.memory_space<vmem>>
      %dma_start3A_72 = arith.constant 0 : i32
      %dma_start3A_73 = tpu.memref_slice %arg13[%add3A_7, %dma_start3A_72] : memref<10000x16xf32, #tpu.memory_space<vmem_shared>> -> memref<128x16xf32, #tpu.memory_space<vmem_shared>>
      %dma_start3A_74 = arith.constant 0 : i32
      %dma_start3A_75 = tpu.memref_slice %arg13[%add3A_7, %dma_start3A_74] : memref<10000x16xf32, #tpu.memory_space<vmem_shared>> -> memref<128x16xf32, #tpu.memory_space<vmem_shared>>
      %dma_start3A_76 = arith.constant 0 : i32
      %dma_start3A_77 = arith.constant 0 : i32
      %dma_start3A_78 = tpu.memref_slice %arg8[%dma_start3A_76, %dma_start3A_77] : memref<128x16xf32, #tpu.memory_space<vmem>> -> memref<128x16xf32, #tpu.memory_space<vmem>>
      tpu.enqueue_dma source(%dma_start3A_78 : memref<128x16xf32, #tpu.memory_space<vmem>>) target(%dma_start3A_75 : memref<128x16xf32, #tpu.memory_space<vmem_shared>>) target_semaphore(%run_scoped3A : memref<!tpu.dma_semaphore, #tpu.memory_space<semaphore_mem>>)
      %dma_wait3A_79 = arith.constant 0 : i32
      %dma_wait3A_80 = arith.constant 0 : i32
      %dma_wait3A_81 = tpu.memref_slice %arg8[%dma_wait3A_79, %dma_wait3A_80] : memref<128x16xf32, #tpu.memory_space<vmem>> -> memref<128x16xf32, #tpu.memory_space<vmem>>
      %dma_wait3A_82 = arith.constant 0 : i32
      %dma_wait3A_83 = tpu.memref_slice %arg13[%add3A_7, %dma_wait3A_82] : memref<10000x16xf32, #tpu.memory_space<vmem_shared>> -> memref<128x16xf32, #tpu.memory_space<vmem_shared>>
      %dma_wait3A_84 = arith.constant 0 : i32
      %dma_wait3A_85 = tpu.memref_slice %arg13[%add3A_7, %dma_wait3A_84] : memref<10000x16xf32, #tpu.memory_space<vmem_shared>> -> memref<128x16xf32, #tpu.memory_space<vmem_shared>>
      %dma_wait3A_86 = arith.constant 0 : i32
      %dma_wait3A_87 = arith.constant 0 : i32
      %dma_wait3A_88 = tpu.memref_slice %arg8[%dma_wait3A_86, %dma_wait3A_87] : memref<128x16xf32, #tpu.memory_space<vmem>> -> memref<128x16xf32, #tpu.memory_space<vmem>>
      tpu.wait_dma2 semaphore(%run_scoped3A : memref<!tpu.dma_semaphore, #tpu.memory_space<semaphore_mem>>) src(%dma_wait3A_88 : memref<128x16xf32, #tpu.memory_space<vmem>>) dst(%dma_wait3A_85 : memref<128x16xf32, #tpu.memory_space<vmem_shared>>)
      tpu.yield
    }) : () -> ()
    %add3A_8 = arith.constant 128 : i32
    %add3A_9 = arith.addi %mul3A_6, %add3A_8 : i32
    "tpu.region"() ({
      %run_scoped3A = tpu.sem_alloc : memref<!tpu.dma_semaphore, #tpu.memory_space<semaphore_mem>>
      %dma_start3A_69 = arith.constant 0 : i32
      %dma_start3A_70 = arith.constant 0 : i32
      %dma_start3A_71 = tpu.memref_slice %arg8[%dma_start3A_69, %dma_start3A_70] : memref<128x16xf32, #tpu.memory_space<vmem>> -> memref<128x16xf32, #tpu.memory_space<vmem>>
      %dma_start3A_72 = arith.constant 0 : i32
      %dma_start3A_73 = tpu.memref_slice %arg13[%add3A_9, %dma_start3A_72] : memref<10000x16xf32, #tpu.memory_space<vmem_shared>> -> memref<128x16xf32, #tpu.memory_space<vmem_shared>>
      %dma_start3A_74 = arith.constant 0 : i32
      %dma_start3A_75 = tpu.memref_slice %arg13[%add3A_9, %dma_start3A_74] : memref<10000x16xf32, #tpu.memory_space<vmem_shared>> -> memref<128x16xf32, #tpu.memory_space<vmem_shared>>
      %dma_start3A_76 = arith.constant 0 : i32
      %dma_start3A_77 = arith.constant 0 : i32
      %dma_start3A_78 = tpu.memref_slice %arg8[%dma_start3A_76, %dma_start3A_77] : memref<128x16xf32, #tpu.memory_space<vmem>> -> memref<128x16xf32, #tpu.memory_space<vmem>>
      tpu.enqueue_dma source(%dma_start3A_78 : memref<128x16xf32, #tpu.memory_space<vmem>>) target(%dma_start3A_75 : memref<128x16xf32, #tpu.memory_space<vmem_shared>>) target_semaphore(%run_scoped3A : memref<!tpu.dma_semaphore, #tpu.memory_space<semaphore_mem>>)
      %dma_wait3A_79 = arith.constant 0 : i32
      %dma_wait3A_80 = arith.constant 0 : i32
      %dma_wait3A_81 = tpu.memref_slice %arg8[%dma_wait3A_79, %dma_wait3A_80] : memref<128x16xf32, #tpu.memory_space<vmem>> -> memref<128x16xf32, #tpu.memory_space<vmem>>
      %dma_wait3A_82 = arith.constant 0 : i32
      %dma_wait3A_83 = tpu.memref_slice %arg13[%add3A_9, %dma_wait3A_82] : memref<10000x16xf32, #tpu.memory_space<vmem_shared>> -> memref<128x16xf32, #tpu.memory_space<vmem_shared>>
      %dma_wait3A_84 = arith.constant 0 : i32
      %dma_wait3A_85 = tpu.memref_slice %arg13[%add3A_9, %dma_wait3A_84] : memref<10000x16xf32, #tpu.memory_space<vmem_shared>> -> memref<128x16xf32, #tpu.memory_space<vmem_shared>>
      %dma_wait3A_86 = arith.constant 0 : i32
      %dma_wait3A_87 = arith.constant 0 : i32
      %dma_wait3A_88 = tpu.memref_slice %arg8[%dma_wait3A_86, %dma_wait3A_87] : memref<128x16xf32, #tpu.memory_space<vmem>> -> memref<128x16xf32, #tpu.memory_space<vmem>>
      tpu.wait_dma2 semaphore(%run_scoped3A : memref<!tpu.dma_semaphore, #tpu.memory_space<semaphore_mem>>) src(%dma_wait3A_88 : memref<128x16xf32, #tpu.memory_space<vmem>>) dst(%dma_wait3A_85 : memref<128x16xf32, #tpu.memory_space<vmem_shared>>)
      tpu.yield
    }) : () -> ()
    %add3A_10 = arith.constant 256 : i32
    %add3A_11 = arith.addi %mul3A_6, %add3A_10 : i32
    "tpu.region"() ({
      %run_scoped3A = tpu.sem_alloc : memref<!tpu.dma_semaphore, #tpu.memory_space<semaphore_mem>>
      %dma_start3A_69 = arith.constant 0 : i32
      %dma_start3A_70 = arith.constant 0 : i32
      %dma_start3A_71 = tpu.memref_slice %arg8[%dma_start3A_69, %dma_start3A_70] : memref<128x16xf32, #tpu.memory_space<vmem>> -> memref<128x16xf32, #tpu.memory_space<vmem>>
      %dma_start3A_72 = arith.constant 0 : i32
      %dma_start3A_73 = tpu.memref_slice %arg13[%add3A_11, %dma_start3A_72] : memref<10000x16xf32, #tpu.memory_space<vmem_shared>> -> memref<128x16xf32, #tpu.memory_space<vmem_shared>>
      %dma_start3A_74 = arith.constant 0 : i32
      %dma_start3A_75 = tpu.memref_slice %arg13[%add3A_11, %dma_start3A_74] : memref<10000x16xf32, #tpu.memory_space<vmem_shared>> -> memref<128x16xf32, #tpu.memory_space<vmem_shared>>
      %dma_start3A_76 = arith.constant 0 : i32
      %dma_start3A_77 = arith.constant 0 : i32
      %dma_start3A_78 = tpu.memref_slice %arg8[%dma_start3A_76, %dma_start3A_77] : memref<128x16xf32, #tpu.memory_space<vmem>> -> memref<128x16xf32, #tpu.memory_space<vmem>>
      tpu.enqueue_dma source(%dma_start3A_78 : memref<128x16xf32, #tpu.memory_space<vmem>>) target(%dma_start3A_75 : memref<128x16xf32, #tpu.memory_space<vmem_shared>>) target_semaphore(%run_scoped3A : memref<!tpu.dma_semaphore, #tpu.memory_space<semaphore_mem>>)
      %dma_wait3A_79 = arith.constant 0 : i32
      %dma_wait3A_80 = arith.constant 0 : i32
      %dma_wait3A_81 = tpu.memref_slice %arg8[%dma_wait3A_79, %dma_wait3A_80] : memref<128x16xf32, #tpu.memory_space<vmem>> -> memref<128x16xf32, #tpu.memory_space<vmem>>
      %dma_wait3A_82 = arith.constant 0 : i32
      %dma_wait3A_83 = tpu.memref_slice %arg13[%add3A_11, %dma_wait3A_82] : memref<10000x16xf32, #tpu.memory_space<vmem_shared>> -> memref<128x16xf32, #tpu.memory_space<vmem_shared>>
      %dma_wait3A_84 = arith.constant 0 : i32
      %dma_wait3A_85 = tpu.memref_slice %arg13[%add3A_11, %dma_wait3A_84] : memref<10000x16xf32, #tpu.memory_space<vmem_shared>> -> memref<128x16xf32, #tpu.memory_space<vmem_shared>>
      %dma_wait3A_86 = arith.constant 0 : i32
      %dma_wait3A_87 = arith.constant 0 : i32
      %dma_wait3A_88 = tpu.memref_slice %arg8[%dma_wait3A_86, %dma_wait3A_87] : memref<128x16xf32, #tpu.memory_space<vmem>> -> memref<128x16xf32, #tpu.memory_space<vmem>>
      tpu.wait_dma2 semaphore(%run_scoped3A : memref<!tpu.dma_semaphore, #tpu.memory_space<semaphore_mem>>) src(%dma_wait3A_88 : memref<128x16xf32, #tpu.memory_space<vmem>>) dst(%dma_wait3A_85 : memref<128x16xf32, #tpu.memory_space<vmem_shared>>)
      tpu.yield
    }) : () -> ()
    %add3A_12 = arith.constant 384 : i32
    %add3A_13 = arith.addi %mul3A_6, %add3A_12 : i32
    "tpu.region"() ({
      %run_scoped3A = tpu.sem_alloc : memref<!tpu.dma_semaphore, #tpu.memory_space<semaphore_mem>>
      %dma_start3A_69 = arith.constant 0 : i32
      %dma_start3A_70 = arith.constant 0 : i32
      %dma_start3A_71 = tpu.memref_slice %arg8[%dma_start3A_69, %dma_start3A_70] : memref<128x16xf32, #tpu.memory_space<vmem>> -> memref<128x16xf32, #tpu.memory_space<vmem>>
      %dma_start3A_72 = arith.constant 0 : i32
      %dma_start3A_73 = tpu.memref_slice %arg13[%add3A_13, %dma_start3A_72] : memref<10000x16xf32, #tpu.memory_space<vmem_shared>> -> memref<128x16xf32, #tpu.memory_space<vmem_shared>>
      %dma_start3A_74 = arith.constant 0 : i32
      %dma_start3A_75 = tpu.memref_slice %arg13[%add3A_13, %dma_start3A_74] : memref<10000x16xf32, #tpu.memory_space<vmem_shared>> -> memref<128x16xf32, #tpu.memory_space<vmem_shared>>
      %dma_start3A_76 = arith.constant 0 : i32
      %dma_start3A_77 = arith.constant 0 : i32
      %dma_start3A_78 = tpu.memref_slice %arg8[%dma_start3A_76, %dma_start3A_77] : memref<128x16xf32, #tpu.memory_space<vmem>> -> memref<128x16xf32, #tpu.memory_space<vmem>>
      tpu.enqueue_dma source(%dma_start3A_78 : memref<128x16xf32, #tpu.memory_space<vmem>>) target(%dma_start3A_75 : memref<128x16xf32, #tpu.memory_space<vmem_shared>>) target_semaphore(%run_scoped3A : memref<!tpu.dma_semaphore, #tpu.memory_space<semaphore_mem>>)
      %dma_wait3A_79 = arith.constant 0 : i32
      %dma_wait3A_80 = arith.constant 0 : i32
      %dma_wait3A_81 = tpu.memref_slice %arg8[%dma_wait3A_79, %dma_wait3A_80] : memref<128x16xf32, #tpu.memory_space<vmem>> -> memref<128x16xf32, #tpu.memory_space<vmem>>
      %dma_wait3A_82 = arith.constant 0 : i32
      %dma_wait3A_83 = tpu.memref_slice %arg13[%add3A_13, %dma_wait3A_82] : memref<10000x16xf32, #tpu.memory_space<vmem_shared>> -> memref<128x16xf32, #tpu.memory_space<vmem_shared>>
      %dma_wait3A_84 = arith.constant 0 : i32
      %dma_wait3A_85 = tpu.memref_slice %arg13[%add3A_13, %dma_wait3A_84] : memref<10000x16xf32, #tpu.memory_space<vmem_shared>> -> memref<128x16xf32, #tpu.memory_space<vmem_shared>>
      %dma_wait3A_86 = arith.constant 0 : i32
      %dma_wait3A_87 = arith.constant 0 : i32
      %dma_wait3A_88 = tpu.memref_slice %arg8[%dma_wait3A_86, %dma_wait3A_87] : memref<128x16xf32, #tpu.memory_space<vmem>> -> memref<128x16xf32, #tpu.memory_space<vmem>>
      tpu.wait_dma2 semaphore(%run_scoped3A : memref<!tpu.dma_semaphore, #tpu.memory_space<semaphore_mem>>) src(%dma_wait3A_88 : memref<128x16xf32, #tpu.memory_space<vmem>>) dst(%dma_wait3A_85 : memref<128x16xf32, #tpu.memory_space<vmem_shared>>)
      tpu.yield
    }) : () -> ()
    %add3A_14 = arith.constant 512 : i32
    %add3A_15 = arith.addi %mul3A_6, %add3A_14 : i32
    "tpu.region"() ({
      %run_scoped3A = tpu.sem_alloc : memref<!tpu.dma_semaphore, #tpu.memory_space<semaphore_mem>>
      %dma_start3A_69 = arith.constant 0 : i32
      %dma_start3A_70 = arith.constant 0 : i32
      %dma_start3A_71 = tpu.memref_slice %arg8[%dma_start3A_69, %dma_start3A_70] : memref<128x16xf32, #tpu.memory_space<vmem>> -> memref<113x16xf32, #tpu.memory_space<vmem>>
      %dma_start3A_72 = arith.constant 0 : i32
      %dma_start3A_73 = tpu.memref_slice %arg13[%add3A_15, %dma_start3A_72] : memref<10000x16xf32, #tpu.memory_space<vmem_shared>> -> memref<113x16xf32, #tpu.memory_space<vmem_shared>>
      %dma_start3A_74 = arith.constant 0 : i32
      %dma_start3A_75 = tpu.memref_slice %arg13[%add3A_15, %dma_start3A_74] : memref<10000x16xf32, #tpu.memory_space<vmem_shared>> -> memref<113x16xf32, #tpu.memory_space<vmem_shared>>
      %dma_start3A_76 = arith.constant 0 : i32
      %dma_start3A_77 = arith.constant 0 : i32
      %dma_start3A_78 = tpu.memref_slice %arg8[%dma_start3A_76, %dma_start3A_77] : memref<128x16xf32, #tpu.memory_space<vmem>> -> memref<113x16xf32, #tpu.memory_space<vmem>>
      tpu.enqueue_dma source(%dma_start3A_78 : memref<113x16xf32, #tpu.memory_space<vmem>>) target(%dma_start3A_75 : memref<113x16xf32, #tpu.memory_space<vmem_shared>>) target_semaphore(%run_scoped3A : memref<!tpu.dma_semaphore, #tpu.memory_space<semaphore_mem>>)
      %dma_wait3A_79 = arith.constant 0 : i32
      %dma_wait3A_80 = arith.constant 0 : i32
      %dma_wait3A_81 = tpu.memref_slice %arg8[%dma_wait3A_79, %dma_wait3A_80] : memref<128x16xf32, #tpu.memory_space<vmem>> -> memref<113x16xf32, #tpu.memory_space<vmem>>
      %dma_wait3A_82 = arith.constant 0 : i32
      %dma_wait3A_83 = tpu.memref_slice %arg13[%add3A_15, %dma_wait3A_82] : memref<10000x16xf32, #tpu.memory_space<vmem_shared>> -> memref<113x16xf32, #tpu.memory_space<vmem_shared>>
      %dma_wait3A_84 = arith.constant 0 : i32
      %dma_wait3A_85 = tpu.memref_slice %arg13[%add3A_15, %dma_wait3A_84] : memref<10000x16xf32, #tpu.memory_space<vmem_shared>> -> memref<113x16xf32, #tpu.memory_space<vmem_shared>>
      %dma_wait3A_86 = arith.constant 0 : i32
      %dma_wait3A_87 = arith.constant 0 : i32
      %dma_wait3A_88 = tpu.memref_slice %arg8[%dma_wait3A_86, %dma_wait3A_87] : memref<128x16xf32, #tpu.memory_space<vmem>> -> memref<113x16xf32, #tpu.memory_space<vmem>>
      tpu.wait_dma2 semaphore(%run_scoped3A : memref<!tpu.dma_semaphore, #tpu.memory_space<semaphore_mem>>) src(%dma_wait3A_88 : memref<113x16xf32, #tpu.memory_space<vmem>>) dst(%dma_wait3A_85 : memref<113x16xf32, #tpu.memory_space<vmem_shared>>)
      tpu.yield
    }) : () -> ()
    %barrier3A = arith.constant 0 : index
    tpu.barrier barrier_id(%barrier3A)
    %mul3A_16 = arith.constant 16 : i32
    %mul3A_17 = arith.muli %arg0, %mul3A_16 : i32
    %add3A_18 = arith.addi %mul3A_17, %arg1 : i32
    %mul3A_19 = arith.constant 5000 : i32
    %mul3A_20 = arith.muli %add3A_18, %mul3A_19 : i32
    %scan3A_21 = arith.constant 0 : i32
    %scan3A_22 = arith.constant 0 : i32
    %scan3A_23 = arith.constant 39 : i32
    %scan3A_24 = arith.addi %scan3A_22, %scan3A_23 : i32
    %scan3A_25 = arith.constant 1 : i32
    %scan3A_26 = scf.for %scan3A_69 = %scan3A_22 to %scan3A_24 step %scan3A_25 iter_args(%scan3A_70 = %scan3A_21) -> (i32)  : i32 {
      %mul3A_71 = arith.constant 128 : i32
      %mul3A_72 = arith.muli %scan3A_69, %mul3A_71 : i32
      %add3A_73 = arith.addi %mul3A_20, %mul3A_72 : i32
      %dma_start3A_74 = tpu.memref_slice %arg4[%add3A_73] : memref<160000xi32, #tpu.memory_space<hbm>> -> memref<128xi32, #tpu.memory_space<hbm>>
      %dma_start3A_75 = tpu.memref_slice %arg4[%add3A_73] : memref<160000xi32, #tpu.memory_space<hbm>> -> memref<128xi32, #tpu.memory_space<hbm>>
      tpu.enqueue_dma source(%dma_start3A_75 : memref<128xi32, #tpu.memory_space<hbm>>) target(%arg7 : memref<128xi32, #tpu.memory_space<vmem>>) target_semaphore(%arg14 : memref<!tpu.dma_semaphore, #tpu.memory_space<semaphore_mem>>)
      %dma_start3A_76 = arith.constant 0 : i32
      %dma_start3A_77 = tpu.memref_slice %arg2[%add3A_73, %dma_start3A_76] : memref<160000x16xf32, #tpu.memory_space<hbm>> -> memref<128x16xf32, #tpu.memory_space<hbm>>
      %dma_start3A_78 = arith.constant 0 : i32
      %dma_start3A_79 = tpu.memref_slice %arg2[%add3A_73, %dma_start3A_78] : memref<160000x16xf32, #tpu.memory_space<hbm>> -> memref<128x16xf32, #tpu.memory_space<hbm>>
      tpu.enqueue_dma source(%dma_start3A_79 : memref<128x16xf32, #tpu.memory_space<hbm>>) target(%arg8 : memref<128x16xf32, #tpu.memory_space<vmem>>) target_semaphore(%arg15 : memref<!tpu.dma_semaphore, #tpu.memory_space<semaphore_mem>>)
      %dma_wait3A_80 = tpu.memref_slice %arg4[%add3A_73] : memref<160000xi32, #tpu.memory_space<hbm>> -> memref<128xi32, #tpu.memory_space<hbm>>
      %dma_wait3A_81 = tpu.memref_slice %arg4[%add3A_73] : memref<160000xi32, #tpu.memory_space<hbm>> -> memref<128xi32, #tpu.memory_space<hbm>>
      tpu.wait_dma2 semaphore(%arg14 : memref<!tpu.dma_semaphore, #tpu.memory_space<semaphore_mem>>) src(%dma_wait3A_81 : memref<128xi32, #tpu.memory_space<hbm>>) dst(%arg7 : memref<128xi32, #tpu.memory_space<vmem>>)
      %dma_wait3A_82 = arith.constant 0 : i32
      %dma_wait3A_83 = tpu.memref_slice %arg2[%add3A_73, %dma_wait3A_82] : memref<160000x16xf32, #tpu.memory_space<hbm>> -> memref<128x16xf32, #tpu.memory_space<hbm>>
      %dma_wait3A_84 = arith.constant 0 : i32
      %dma_wait3A_85 = tpu.memref_slice %arg2[%add3A_73, %dma_wait3A_84] : memref<160000x16xf32, #tpu.memory_space<hbm>> -> memref<128x16xf32, #tpu.memory_space<hbm>>
      tpu.wait_dma2 semaphore(%arg15 : memref<!tpu.dma_semaphore, #tpu.memory_space<semaphore_mem>>) src(%dma_wait3A_85 : memref<128x16xf32, #tpu.memory_space<hbm>>) dst(%arg8 : memref<128x16xf32, #tpu.memory_space<vmem>>)
      "tpu.region"() ({
        %run_scoped3A = tpu.sem_alloc : memref<!tpu.dma_semaphore, #tpu.memory_space<semaphore_mem>>
        %dma_start3A_87 = arith.constant 0 : i32
        %dma_start3A_88 = arith.constant 0 : i32
        %dma_start3A_89 = tpu.memref_slice %arg13[%dma_start3A_87, %dma_start3A_88] : memref<10000x16xf32, #tpu.memory_space<vmem_shared>> -> memref<10000x16xf32, #tpu.memory_space<vmem_shared>>
        tpu.enqueue_indirect_dma source(%arg8 : memref<128x16xf32, #tpu.memory_space<vmem>>) target(%dma_start3A_89 : memref<10000x16xf32, #tpu.memory_space<vmem_shared>>) offsets(%arg7 : memref<128xi32, #tpu.memory_space<vmem>>) semaphore(%run_scoped3A : memref<!tpu.dma_semaphore, #tpu.memory_space<semaphore_mem>>) {add = true}
        %dma_wait3A_90 = arith.constant 0 : i32
        %dma_wait3A_91 = arith.constant 0 : i32
        %dma_wait3A_92 = tpu.memref_slice %arg13[%dma_wait3A_90, %dma_wait3A_91] : memref<10000x16xf32, #tpu.memory_space<vmem_shared>> -> memref<10000x16xf32, #tpu.memory_space<vmem_shared>>
        tpu.wait_indirect_dma semaphore(%run_scoped3A : memref<!tpu.dma_semaphore, #tpu.memory_space<semaphore_mem>>) src(%arg8 : memref<128x16xf32, #tpu.memory_space<vmem>>) dst(%dma_wait3A_92 : memref<10000x16xf32, #tpu.memory_space<vmem_shared>>)
        tpu.yield
      }) : () -> ()
      %scan3A_86 = arith.constant 0 : i32
      scf.yield %scan3A_86 : i32
    }
    %scan3A_27 = arith.constant 39 : i32
    %add3A_28 = arith.constant 4992 : i32
    %add3A_29 = arith.addi %mul3A_20, %add3A_28 : i32
    %dma_start3A = tpu.memref_slice %arg4[%add3A_29] : memref<160000xi32, #tpu.memory_space<hbm>> -> memref<8xi32, #tpu.memory_space<hbm>>
    %dma_start3A_30 = tpu.memref_slice %arg4[%add3A_29] : memref<160000xi32, #tpu.memory_space<hbm>> -> memref<8xi32, #tpu.memory_space<hbm>>
    tpu.enqueue_dma source(%dma_start3A_30 : memref<8xi32, #tpu.memory_space<hbm>>) target(%arg9 : memref<8xi32, #tpu.memory_space<vmem>>) target_semaphore(%arg14 : memref<!tpu.dma_semaphore, #tpu.memory_space<semaphore_mem>>)
    %dma_start3A_31 = arith.constant 0 : i32
    %dma_start3A_32 = tpu.memref_slice %arg2[%add3A_29, %dma_start3A_31] : memref<160000x16xf32, #tpu.memory_space<hbm>> -> memref<8x16xf32, #tpu.memory_space<hbm>>
    %dma_start3A_33 = arith.constant 0 : i32
    %dma_start3A_34 = tpu.memref_slice %arg2[%add3A_29, %dma_start3A_33] : memref<160000x16xf32, #tpu.memory_space<hbm>> -> memref<8x16xf32, #tpu.memory_space<hbm>>
    tpu.enqueue_dma source(%dma_start3A_34 : memref<8x16xf32, #tpu.memory_space<hbm>>) target(%arg10 : memref<8x16xf32, #tpu.memory_space<vmem>>) target_semaphore(%arg15 : memref<!tpu.dma_semaphore, #tpu.memory_space<semaphore_mem>>)
    %dma_wait3A = tpu.memref_slice %arg4[%add3A_29] : memref<160000xi32, #tpu.memory_space<hbm>> -> memref<8xi32, #tpu.memory_space<hbm>>
    %dma_wait3A_35 = tpu.memref_slice %arg4[%add3A_29] : memref<160000xi32, #tpu.memory_space<hbm>> -> memref<8xi32, #tpu.memory_space<hbm>>
    tpu.wait_dma2 semaphore(%arg14 : memref<!tpu.dma_semaphore, #tpu.memory_space<semaphore_mem>>) src(%dma_wait3A_35 : memref<8xi32, #tpu.memory_space<hbm>>) dst(%arg9 : memref<8xi32, #tpu.memory_space<vmem>>)
    %dma_wait3A_36 = arith.constant 0 : i32
    %dma_wait3A_37 = tpu.memref_slice %arg2[%add3A_29, %dma_wait3A_36] : memref<160000x16xf32, #tpu.memory_space<hbm>> -> memref<8x16xf32, #tpu.memory_space<hbm>>
    %dma_wait3A_38 = arith.constant 0 : i32
    %dma_wait3A_39 = tpu.memref_slice %arg2[%add3A_29, %dma_wait3A_38] : memref<160000x16xf32, #tpu.memory_space<hbm>> -> memref<8x16xf32, #tpu.memory_space<hbm>>
    tpu.wait_dma2 semaphore(%arg15 : memref<!tpu.dma_semaphore, #tpu.memory_space<semaphore_mem>>) src(%dma_wait3A_39 : memref<8x16xf32, #tpu.memory_space<hbm>>) dst(%arg10 : memref<8x16xf32, #tpu.memory_space<vmem>>)
    "tpu.region"() ({
      %run_scoped3A = tpu.sem_alloc : memref<!tpu.dma_semaphore, #tpu.memory_space<semaphore_mem>>
      %dma_start3A_69 = arith.constant 0 : i32
      %dma_start3A_70 = arith.constant 0 : i32
      %dma_start3A_71 = tpu.memref_slice %arg13[%dma_start3A_69, %dma_start3A_70] : memref<10000x16xf32, #tpu.memory_space<vmem_shared>> -> memref<10000x16xf32, #tpu.memory_space<vmem_shared>>
      tpu.enqueue_indirect_dma source(%arg10 : memref<8x16xf32, #tpu.memory_space<vmem>>) target(%dma_start3A_71 : memref<10000x16xf32, #tpu.memory_space<vmem_shared>>) offsets(%arg9 : memref<8xi32, #tpu.memory_space<vmem>>) semaphore(%run_scoped3A : memref<!tpu.dma_semaphore, #tpu.memory_space<semaphore_mem>>) {add = true}
      %dma_wait3A_72 = arith.constant 0 : i32
      %dma_wait3A_73 = arith.constant 0 : i32
      %dma_wait3A_74 = tpu.memref_slice %arg13[%dma_wait3A_72, %dma_wait3A_73] : memref<10000x16xf32, #tpu.memory_space<vmem_shared>> -> memref<10000x16xf32, #tpu.memory_space<vmem_shared>>
      tpu.wait_indirect_dma semaphore(%run_scoped3A : memref<!tpu.dma_semaphore, #tpu.memory_space<semaphore_mem>>) src(%arg10 : memref<8x16xf32, #tpu.memory_space<vmem>>) dst(%dma_wait3A_74 : memref<10000x16xf32, #tpu.memory_space<vmem_shared>>)
      tpu.yield
    }) : () -> ()
    %barrier3A_40 = arith.constant 0 : index
    tpu.barrier barrier_id(%barrier3A_40)
    %mul3A_41 = arith.constant 10000 : i32
    %mul3A_42 = arith.muli %arg1, %mul3A_41 : i32
    %scan3A_43 = arith.constant 0 : i32
    %scan3A_44 = arith.constant 0 : i32
    %scan3A_45 = arith.constant 78 : i32
    %scan3A_46 = arith.addi %scan3A_44, %scan3A_45 : i32
    %scan3A_47 = arith.constant 1 : i32
    %scan3A_48 = scf.for %scan3A_69 = %scan3A_44 to %scan3A_46 step %scan3A_47 iter_args(%scan3A_70 = %scan3A_43) -> (i32)  : i32 {
      %mul3A_71 = arith.constant 128 : i32
      %mul3A_72 = arith.muli %scan3A_69, %mul3A_71 : i32
      %add3A_73 = arith.addi %mul3A_42, %mul3A_72 : i32
      %dma_start3A_74 = tpu.memref_slice %arg3[%add3A_73] : memref<160000xi32, #tpu.memory_space<hbm>> -> memref<128xi32, #tpu.memory_space<hbm>>
      %dma_start3A_75 = tpu.memref_slice %arg3[%add3A_73] : memref<160000xi32, #tpu.memory_space<hbm>> -> memref<128xi32, #tpu.memory_space<hbm>>
      tpu.enqueue_dma source(%dma_start3A_75 : memref<128xi32, #tpu.memory_space<hbm>>) target(%arg7 : memref<128xi32, #tpu.memory_space<vmem>>) target_semaphore(%arg14 : memref<!tpu.dma_semaphore, #tpu.memory_space<semaphore_mem>>)
      %dma_wait3A_76 = tpu.memref_slice %arg3[%add3A_73] : memref<160000xi32, #tpu.memory_space<hbm>> -> memref<128xi32, #tpu.memory_space<hbm>>
      %dma_wait3A_77 = tpu.memref_slice %arg3[%add3A_73] : memref<160000xi32, #tpu.memory_space<hbm>> -> memref<128xi32, #tpu.memory_space<hbm>>
      tpu.wait_dma2 semaphore(%arg14 : memref<!tpu.dma_semaphore, #tpu.memory_space<semaphore_mem>>) src(%dma_wait3A_77 : memref<128xi32, #tpu.memory_space<hbm>>) dst(%arg7 : memref<128xi32, #tpu.memory_space<vmem>>)
      %dma_start3A_78 = arith.constant 0 : i32
      %dma_start3A_79 = arith.constant 0 : i32
      %dma_start3A_80 = tpu.memref_slice %arg13[%dma_start3A_78, %dma_start3A_79] : memref<10000x16xf32, #tpu.memory_space<vmem_shared>> -> memref<10000x16xf32, #tpu.memory_space<vmem_shared>>
      tpu.enqueue_indirect_dma source(%dma_start3A_80 : memref<10000x16xf32, #tpu.memory_space<vmem_shared>>) target(%arg8 : memref<128x16xf32, #tpu.memory_space<vmem>>) offsets(%arg7 : memref<128xi32, #tpu.memory_space<vmem>>) semaphore(%arg15 : memref<!tpu.dma_semaphore, #tpu.memory_space<semaphore_mem>>)
      %dma_wait3A_81 = arith.constant 0 : i32
      %dma_wait3A_82 = arith.constant 0 : i32
      %dma_wait3A_83 = tpu.memref_slice %arg13[%dma_wait3A_81, %dma_wait3A_82] : memref<10000x16xf32, #tpu.memory_space<vmem_shared>> -> memref<10000x16xf32, #tpu.memory_space<vmem_shared>>
      tpu.wait_indirect_dma semaphore(%arg15 : memref<!tpu.dma_semaphore, #tpu.memory_space<semaphore_mem>>) src(%dma_wait3A_83 : memref<10000x16xf32, #tpu.memory_space<vmem_shared>>) dst(%arg8 : memref<128x16xf32, #tpu.memory_space<vmem>>)
      %eq3A_84 = arith.constant 0 : i32
      %eq3A_85 = arith.cmpi eq, %arg0, %eq3A_84 : i32
      %convert_element_type3A_86 = arith.extui %eq3A_85 : i1 to i32
      %cond3A_87 = arith.constant 0 : i32
      %cond3A_88 = arith.cmpi ne, %convert_element_type3A_86, %cond3A_87 : i32
      scf.if %cond3A_88 {
        "tpu.region"() ({
          %run_scoped3A = tpu.sem_alloc : memref<!tpu.dma_semaphore, #tpu.memory_space<semaphore_mem>>
          %dma_start3A_95 = arith.constant 0 : i32
          %dma_start3A_96 = tpu.memref_slice %arg5[%add3A_73, %dma_start3A_95] : memref<160000x16xf32, #tpu.memory_space<hbm>> -> memref<128x16xf32, #tpu.memory_space<hbm>>
          %dma_start3A_97 = arith.constant 0 : i32
          %dma_start3A_98 = tpu.memref_slice %arg5[%add3A_73, %dma_start3A_97] : memref<160000x16xf32, #tpu.memory_space<hbm>> -> memref<128x16xf32, #tpu.memory_space<hbm>>
          tpu.enqueue_dma source(%arg8 : memref<128x16xf32, #tpu.memory_space<vmem>>) target(%dma_start3A_98 : memref<128x16xf32, #tpu.memory_space<hbm>>) target_semaphore(%run_scoped3A : memref<!tpu.dma_semaphore, #tpu.memory_space<semaphore_mem>>)
          %dma_wait3A_99 = arith.constant 0 : i32
          %dma_wait3A_100 = tpu.memref_slice %arg5[%add3A_73, %dma_wait3A_99] : memref<160000x16xf32, #tpu.memory_space<hbm>> -> memref<128x16xf32, #tpu.memory_space<hbm>>
          %dma_wait3A_101 = arith.constant 0 : i32
          %dma_wait3A_102 = tpu.memref_slice %arg5[%add3A_73, %dma_wait3A_101] : memref<160000x16xf32, #tpu.memory_space<hbm>> -> memref<128x16xf32, #tpu.memory_space<hbm>>
          tpu.wait_dma2 semaphore(%run_scoped3A : memref<!tpu.dma_semaphore, #tpu.memory_space<semaphore_mem>>) src(%arg8 : memref<128x16xf32, #tpu.memory_space<vmem>>) dst(%dma_wait3A_102 : memref<128x16xf32, #tpu.memory_space<hbm>>)
          tpu.yield
        }) : () -> ()
      } else {
      }
      %eq3A_89 = arith.constant 1 : i32
      %eq3A_90 = arith.cmpi eq, %arg0, %eq3A_89 : i32
      %convert_element_type3A_91 = arith.extui %eq3A_90 : i1 to i32
      %cond3A_92 = arith.constant 0 : i32
      %cond3A_93 = arith.cmpi ne, %convert_element_type3A_91, %cond3A_92 : i32
      scf.if %cond3A_93 {
        "tpu.region"() ({
          %run_scoped3A = tpu.sem_alloc : memref<!tpu.dma_semaphore, #tpu.memory_space<semaphore_mem>>
          %dma_start3A_95 = arith.constant 0 : i32
          %dma_start3A_96 = tpu.memref_slice %arg6[%add3A_73, %dma_start3A_95] : memref<160000x16xf32, #tpu.memory_space<hbm>> -> memref<128x16xf32, #tpu.memory_space<hbm>>
          %dma_start3A_97 = arith.constant 0 : i32
          %dma_start3A_98 = tpu.memref_slice %arg6[%add3A_73, %dma_start3A_97] : memref<160000x16xf32, #tpu.memory_space<hbm>> -> memref<128x16xf32, #tpu.memory_space<hbm>>
          tpu.enqueue_dma source(%arg8 : memref<128x16xf32, #tpu.memory_space<vmem>>) target(%dma_start3A_98 : memref<128x16xf32, #tpu.memory_space<hbm>>) target_semaphore(%run_scoped3A : memref<!tpu.dma_semaphore, #tpu.memory_space<semaphore_mem>>)
          %dma_wait3A_99 = arith.constant 0 : i32
          %dma_wait3A_100 = tpu.memref_slice %arg6[%add3A_73, %dma_wait3A_99] : memref<160000x16xf32, #tpu.memory_space<hbm>> -> memref<128x16xf32, #tpu.memory_space<hbm>>
          %dma_wait3A_101 = arith.constant 0 : i32
          %dma_wait3A_102 = tpu.memref_slice %arg6[%add3A_73, %dma_wait3A_101] : memref<160000x16xf32, #tpu.memory_space<hbm>> -> memref<128x16xf32, #tpu.memory_space<hbm>>
          tpu.wait_dma2 semaphore(%run_scoped3A : memref<!tpu.dma_semaphore, #tpu.memory_space<semaphore_mem>>) src(%arg8 : memref<128x16xf32, #tpu.memory_space<vmem>>) dst(%dma_wait3A_102 : memref<128x16xf32, #tpu.memory_space<hbm>>)
          tpu.yield
        }) : () -> ()
      } else {
      }
      %scan3A_94 = arith.constant 0 : i32
      scf.yield %scan3A_94 : i32
    }
    %scan3A_49 = arith.constant 78 : i32
    %add3A_50 = arith.constant 9984 : i32
    %add3A_51 = arith.addi %mul3A_42, %add3A_50 : i32
    %dma_start3A_52 = tpu.memref_slice %arg3[%add3A_51] : memref<160000xi32, #tpu.memory_space<hbm>> -> memref<16xi32, #tpu.memory_space<hbm>>
    %dma_start3A_53 = tpu.memref_slice %arg3[%add3A_51] : memref<160000xi32, #tpu.memory_space<hbm>> -> memref<16xi32, #tpu.memory_space<hbm>>
    tpu.enqueue_dma source(%dma_start3A_53 : memref<16xi32, #tpu.memory_space<hbm>>) target(%arg11 : memref<16xi32, #tpu.memory_space<vmem>>) target_semaphore(%arg14 : memref<!tpu.dma_semaphore, #tpu.memory_space<semaphore_mem>>)
    %dma_wait3A_54 = tpu.memref_slice %arg3[%add3A_51] : memref<160000xi32, #tpu.memory_space<hbm>> -> memref<16xi32, #tpu.memory_space<hbm>>
    %dma_wait3A_55 = tpu.memref_slice %arg3[%add3A_51] : memref<160000xi32, #tpu.memory_space<hbm>> -> memref<16xi32, #tpu.memory_space<hbm>>
    tpu.wait_dma2 semaphore(%arg14 : memref<!tpu.dma_semaphore, #tpu.memory_space<semaphore_mem>>) src(%dma_wait3A_55 : memref<16xi32, #tpu.memory_space<hbm>>) dst(%arg11 : memref<16xi32, #tpu.memory_space<vmem>>)
    %dma_start3A_56 = arith.constant 0 : i32
    %dma_start3A_57 = arith.constant 0 : i32
    %dma_start3A_58 = tpu.memref_slice %arg13[%dma_start3A_56, %dma_start3A_57] : memref<10000x16xf32, #tpu.memory_space<vmem_shared>> -> memref<10000x16xf32, #tpu.memory_space<vmem_shared>>
    tpu.enqueue_indirect_dma source(%dma_start3A_58 : memref<10000x16xf32, #tpu.memory_space<vmem_shared>>) target(%arg12 : memref<16x16xf32, #tpu.memory_space<vmem>>) offsets(%arg11 : memref<16xi32, #tpu.memory_space<vmem>>) semaphore(%arg15 : memref<!tpu.dma_semaphore, #tpu.memory_space<semaphore_mem>>)
    %dma_wait3A_59 = arith.constant 0 : i32
    %dma_wait3A_60 = arith.constant 0 : i32
    %dma_wait3A_61 = tpu.memref_slice %arg13[%dma_wait3A_59, %dma_wait3A_60] : memref<10000x16xf32, #tpu.memory_space<vmem_shared>> -> memref<10000x16xf32, #tpu.memory_space<vmem_shared>>
    tpu.wait_indirect_dma semaphore(%arg15 : memref<!tpu.dma_semaphore, #tpu.memory_space<semaphore_mem>>) src(%dma_wait3A_61 : memref<10000x16xf32, #tpu.memory_space<vmem_shared>>) dst(%arg12 : memref<16x16xf32, #tpu.memory_space<vmem>>)
    %eq3A = arith.constant 0 : i32
    %eq3A_62 = arith.cmpi eq, %arg0, %eq3A : i32
    %convert_element_type3A = arith.extui %eq3A_62 : i1 to i32
    %cond3A = arith.constant 0 : i32
    %cond3A_63 = arith.cmpi ne, %convert_element_type3A, %cond3A : i32
    scf.if %cond3A_63 {
      "tpu.region"() ({
        %run_scoped3A = tpu.sem_alloc : memref<!tpu.dma_semaphore, #tpu.memory_space<semaphore_mem>>
        %dma_start3A_69 = arith.constant 0 : i32
        %dma_start3A_70 = tpu.memref_slice %arg5[%add3A_51, %dma_start3A_69] : memref<160000x16xf32, #tpu.memory_space<hbm>> -> memref<16x16xf32, #tpu.memory_space<hbm>>
        %dma_start3A_71 = arith.constant 0 : i32
        %dma_start3A_72 = tpu.memref_slice %arg5[%add3A_51, %dma_start3A_71] : memref<160000x16xf32, #tpu.memory_space<hbm>> -> memref<16x16xf32, #tpu.memory_space<hbm>>
        tpu.enqueue_dma source(%arg12 : memref<16x16xf32, #tpu.memory_space<vmem>>) target(%dma_start3A_72 : memref<16x16xf32, #tpu.memory_space<hbm>>) target_semaphore(%run_scoped3A : memref<!tpu.dma_semaphore, #tpu.memory_space<semaphore_mem>>)
        %dma_wait3A_73 = arith.constant 0 : i32
        %dma_wait3A_74 = tpu.memref_slice %arg5[%add3A_51, %dma_wait3A_73] : memref<160000x16xf32, #tpu.memory_space<hbm>> -> memref<16x16xf32, #tpu.memory_space<hbm>>
        %dma_wait3A_75 = arith.constant 0 : i32
        %dma_wait3A_76 = tpu.memref_slice %arg5[%add3A_51, %dma_wait3A_75] : memref<160000x16xf32, #tpu.memory_space<hbm>> -> memref<16x16xf32, #tpu.memory_space<hbm>>
        tpu.wait_dma2 semaphore(%run_scoped3A : memref<!tpu.dma_semaphore, #tpu.memory_space<semaphore_mem>>) src(%arg12 : memref<16x16xf32, #tpu.memory_space<vmem>>) dst(%dma_wait3A_76 : memref<16x16xf32, #tpu.memory_space<hbm>>)
        tpu.yield
      }) : () -> ()
    } else {
    }
    %eq3A_64 = arith.constant 1 : i32
    %eq3A_65 = arith.cmpi eq, %arg0, %eq3A_64 : i32
    %convert_element_type3A_66 = arith.extui %eq3A_65 : i1 to i32
    %cond3A_67 = arith.constant 0 : i32
    %cond3A_68 = arith.cmpi ne, %convert_element_type3A_66, %cond3A_67 : i32
    scf.if %cond3A_68 {
      "tpu.region"() ({
        %run_scoped3A = tpu.sem_alloc : memref<!tpu.dma_semaphore, #tpu.memory_space<semaphore_mem>>
        %dma_start3A_69 = arith.constant 0 : i32
        %dma_start3A_70 = tpu.memref_slice %arg6[%add3A_51, %dma_start3A_69] : memref<160000x16xf32, #tpu.memory_space<hbm>> -> memref<16x16xf32, #tpu.memory_space<hbm>>
        %dma_start3A_71 = arith.constant 0 : i32
        %dma_start3A_72 = tpu.memref_slice %arg6[%add3A_51, %dma_start3A_71] : memref<160000x16xf32, #tpu.memory_space<hbm>> -> memref<16x16xf32, #tpu.memory_space<hbm>>
        tpu.enqueue_dma source(%arg12 : memref<16x16xf32, #tpu.memory_space<vmem>>) target(%dma_start3A_72 : memref<16x16xf32, #tpu.memory_space<hbm>>) target_semaphore(%run_scoped3A : memref<!tpu.dma_semaphore, #tpu.memory_space<semaphore_mem>>)
        %dma_wait3A_73 = arith.constant 0 : i32
        %dma_wait3A_74 = tpu.memref_slice %arg6[%add3A_51, %dma_wait3A_73] : memref<160000x16xf32, #tpu.memory_space<hbm>> -> memref<16x16xf32, #tpu.memory_space<hbm>>
        %dma_wait3A_75 = arith.constant 0 : i32
        %dma_wait3A_76 = tpu.memref_slice %arg6[%add3A_51, %dma_wait3A_75] : memref<160000x16xf32, #tpu.memory_space<hbm>> -> memref<16x16xf32, #tpu.memory_space<hbm>>
        tpu.wait_dma2 semaphore(%run_scoped3A : memref<!tpu.dma_semaphore, #tpu.memory_space<semaphore_mem>>) src(%arg12 : memref<16x16xf32, #tpu.memory_space<vmem>>) dst(%dma_wait3A_76 : memref<16x16xf32, #tpu.memory_space<hbm>>)
        tpu.yield
      }) : () -> ()
    } else {
    }
    return
  }
}

#map = affine_map<(d0, d1) -> (0, 0)>
#map1 = affine_map<(d0, d1) -> (0)>
module attributes {stable_mosaic.version = 14 : i64} {
  func.func @body(%arg0: i32, %arg1: i32, %arg2: memref<160000x160xf32, #tpu.memory_space<hbm>>, %arg3: memref<160000xi32, #tpu.memory_space<hbm>>, %arg4: memref<20000x160xf32, #tpu.memory_space<hbm>>, %arg5: memref<128xi32, #tpu.memory_space<vmem>>, %arg6: memref<128x160xf32, #tpu.memory_space<vmem>>, %arg7: memref<8xi32, #tpu.memory_space<vmem>>, %arg8: memref<8x160xf32, #tpu.memory_space<vmem>>, %arg9: memref<10000x160xf32, #tpu.memory_space<vmem_shared>>, %arg10: memref<!tpu.dma_semaphore, #tpu.memory_space<semaphore_mem>>, %arg11: memref<!tpu.dma_semaphore, #tpu.memory_space<semaphore_mem>>) attributes {dimension_semantics = [#tpu.dimension_semantics<core_parallel>, #tpu.dimension_semantics<subcore_parallel>], iteration_bounds = array<i64: 2, 16>, scalar_prefetch = 0 : i64, scratch_operands = 7 : i64, tpu.core_type = #tpu.core_type<sc_vector_subcore>, window_params = [{transform_indices = #map}, {transform_indices = #map1}, {transform_indices = #map}]} {
    %scan3A = arith.constant 0 : i32
    %scan3A_0 = arith.constant 0 : i32
    %scan3A_1 = arith.constant 128 : i32
    %scan3A_2 = arith.addi %scan3A_0, %scan3A_1 : i32
    %scan3A_3 = arith.constant 1 : i32
    %scan3A_4 = scf.for %scan3A_48 = %scan3A_0 to %scan3A_2 step %scan3A_3 iter_args(%scan3A_49 = %scan3A) -> (i32)  : i32 {
      %broadcast_in_dim3A = arith.constant 0.000000e+00 : f32
      %broadcast_in_dim3A_50 = vector.broadcast %broadcast_in_dim3A : f32 to vector<16xf32>
      %swap3A = arith.index_cast %scan3A_48 : i32 to index
      %swap3A_51 = arith.constant 0 : index
      %swap3A_52 = tpu.vector_load %arg6[%swap3A, %swap3A_51] {strides = array<i32>} : memref<128x160xf32, #tpu.memory_space<vmem>>, vector<1x16xf32>,
      %swap3A_53 = vector.shape_cast %swap3A_52 : vector<1x16xf32> to vector<16xf32>
      %swap3A_54 = vector.shape_cast %broadcast_in_dim3A_50 : vector<16xf32> to vector<1x16xf32>
      tpu.vector_store %arg6[%swap3A, %swap3A_51], %swap3A_54 {strides = array<i32>} : memref<128x160xf32, #tpu.memory_space<vmem>>, vector<1x16xf32>,
      %broadcast_in_dim3A_55 = arith.constant 0.000000e+00 : f32
      %broadcast_in_dim3A_56 = vector.broadcast %broadcast_in_dim3A_55 : f32 to vector<16xf32>
      %swap3A_57 = arith.index_cast %scan3A_48 : i32 to index
      %swap3A_58 = arith.constant 16 : index
      %swap3A_59 = tpu.vector_load %arg6[%swap3A_57, %swap3A_58] {strides = array<i32>} : memref<128x160xf32, #tpu.memory_space<vmem>>, vector<1x16xf32>,
      %swap3A_60 = vector.shape_cast %swap3A_59 : vector<1x16xf32> to vector<16xf32>
      %swap3A_61 = vector.shape_cast %broadcast_in_dim3A_56 : vector<16xf32> to vector<1x16xf32>
      tpu.vector_store %arg6[%swap3A_57, %swap3A_58], %swap3A_61 {strides = array<i32>} : memref<128x160xf32, #tpu.memory_space<vmem>>, vector<1x16xf32>,
      %broadcast_in_dim3A_62 = arith.constant 0.000000e+00 : f32
      %broadcast_in_dim3A_63 = vector.broadcast %broadcast_in_dim3A_62 : f32 to vector<16xf32>
      %swap3A_64 = arith.index_cast %scan3A_48 : i32 to index
      %swap3A_65 = arith.constant 32 : index
      %swap3A_66 = tpu.vector_load %arg6[%swap3A_64, %swap3A_65] {strides = array<i32>} : memref<128x160xf32, #tpu.memory_space<vmem>>, vector<1x16xf32>,
      %swap3A_67 = vector.shape_cast %swap3A_66 : vector<1x16xf32> to vector<16xf32>
      %swap3A_68 = vector.shape_cast %broadcast_in_dim3A_63 : vector<16xf32> to vector<1x16xf32>
      tpu.vector_store %arg6[%swap3A_64, %swap3A_65], %swap3A_68 {strides = array<i32>} : memref<128x160xf32, #tpu.memory_space<vmem>>, vector<1x16xf32>,
      %broadcast_in_dim3A_69 = arith.constant 0.000000e+00 : f32
      %broadcast_in_dim3A_70 = vector.broadcast %broadcast_in_dim3A_69 : f32 to vector<16xf32>
      %swap3A_71 = arith.index_cast %scan3A_48 : i32 to index
      %swap3A_72 = arith.constant 48 : index
      %swap3A_73 = tpu.vector_load %arg6[%swap3A_71, %swap3A_72] {strides = array<i32>} : memref<128x160xf32, #tpu.memory_space<vmem>>, vector<1x16xf32>,
      %swap3A_74 = vector.shape_cast %swap3A_73 : vector<1x16xf32> to vector<16xf32>
      %swap3A_75 = vector.shape_cast %broadcast_in_dim3A_70 : vector<16xf32> to vector<1x16xf32>
      tpu.vector_store %arg6[%swap3A_71, %swap3A_72], %swap3A_75 {strides = array<i32>} : memref<128x160xf32, #tpu.memory_space<vmem>>, vector<1x16xf32>,
      %broadcast_in_dim3A_76 = arith.constant 0.000000e+00 : f32
      %broadcast_in_dim3A_77 = vector.broadcast %broadcast_in_dim3A_76 : f32 to vector<16xf32>
      %swap3A_78 = arith.index_cast %scan3A_48 : i32 to index
      %swap3A_79 = arith.constant 64 : index
      %swap3A_80 = tpu.vector_load %arg6[%swap3A_78, %swap3A_79] {strides = array<i32>} : memref<128x160xf32, #tpu.memory_space<vmem>>, vector<1x16xf32>,
      %swap3A_81 = vector.shape_cast %swap3A_80 : vector<1x16xf32> to vector<16xf32>
      %swap3A_82 = vector.shape_cast %broadcast_in_dim3A_77 : vector<16xf32> to vector<1x16xf32>
      tpu.vector_store %arg6[%swap3A_78, %swap3A_79], %swap3A_82 {strides = array<i32>} : memref<128x160xf32, #tpu.memory_space<vmem>>, vector<1x16xf32>,
      %broadcast_in_dim3A_83 = arith.constant 0.000000e+00 : f32
      %broadcast_in_dim3A_84 = vector.broadcast %broadcast_in_dim3A_83 : f32 to vector<16xf32>
      %swap3A_85 = arith.index_cast %scan3A_48 : i32 to index
      %swap3A_86 = arith.constant 80 : index
      %swap3A_87 = tpu.vector_load %arg6[%swap3A_85, %swap3A_86] {strides = array<i32>} : memref<128x160xf32, #tpu.memory_space<vmem>>, vector<1x16xf32>,
      %swap3A_88 = vector.shape_cast %swap3A_87 : vector<1x16xf32> to vector<16xf32>
      %swap3A_89 = vector.shape_cast %broadcast_in_dim3A_84 : vector<16xf32> to vector<1x16xf32>
      tpu.vector_store %arg6[%swap3A_85, %swap3A_86], %swap3A_89 {strides = array<i32>} : memref<128x160xf32, #tpu.memory_space<vmem>>, vector<1x16xf32>,
      %broadcast_in_dim3A_90 = arith.constant 0.000000e+00 : f32
      %broadcast_in_dim3A_91 = vector.broadcast %broadcast_in_dim3A_90 : f32 to vector<16xf32>
      %swap3A_92 = arith.index_cast %scan3A_48 : i32 to index
      %swap3A_93 = arith.constant 96 : index
      %swap3A_94 = tpu.vector_load %arg6[%swap3A_92, %swap3A_93] {strides = array<i32>} : memref<128x160xf32, #tpu.memory_space<vmem>>, vector<1x16xf32>,
      %swap3A_95 = vector.shape_cast %swap3A_94 : vector<1x16xf32> to vector<16xf32>
      %swap3A_96 = vector.shape_cast %broadcast_in_dim3A_91 : vector<16xf32> to vector<1x16xf32>
      tpu.vector_store %arg6[%swap3A_92, %swap3A_93], %swap3A_96 {strides = array<i32>} : memref<128x160xf32, #tpu.memory_space<vmem>>, vector<1x16xf32>,
      %broadcast_in_dim3A_97 = arith.constant 0.000000e+00 : f32
      %broadcast_in_dim3A_98 = vector.broadcast %broadcast_in_dim3A_97 : f32 to vector<16xf32>
      %swap3A_99 = arith.index_cast %scan3A_48 : i32 to index
      %swap3A_100 = arith.constant 112 : index
      %swap3A_101 = tpu.vector_load %arg6[%swap3A_99, %swap3A_100] {strides = array<i32>} : memref<128x160xf32, #tpu.memory_space<vmem>>, vector<1x16xf32>,
      %swap3A_102 = vector.shape_cast %swap3A_101 : vector<1x16xf32> to vector<16xf32>
      %swap3A_103 = vector.shape_cast %broadcast_in_dim3A_98 : vector<16xf32> to vector<1x16xf32>
      tpu.vector_store %arg6[%swap3A_99, %swap3A_100], %swap3A_103 {strides = array<i32>} : memref<128x160xf32, #tpu.memory_space<vmem>>, vector<1x16xf32>,
      %broadcast_in_dim3A_104 = arith.constant 0.000000e+00 : f32
      %broadcast_in_dim3A_105 = vector.broadcast %broadcast_in_dim3A_104 : f32 to vector<16xf32>
      %swap3A_106 = arith.index_cast %scan3A_48 : i32 to index
      %swap3A_107 = arith.constant 128 : index
      %swap3A_108 = tpu.vector_load %arg6[%swap3A_106, %swap3A_107] {strides = array<i32>} : memref<128x160xf32, #tpu.memory_space<vmem>>, vector<1x16xf32>,
      %swap3A_109 = vector.shape_cast %swap3A_108 : vector<1x16xf32> to vector<16xf32>
      %swap3A_110 = vector.shape_cast %broadcast_in_dim3A_105 : vector<16xf32> to vector<1x16xf32>
      tpu.vector_store %arg6[%swap3A_106, %swap3A_107], %swap3A_110 {strides = array<i32>} : memref<128x160xf32, #tpu.memory_space<vmem>>, vector<1x16xf32>,
      %broadcast_in_dim3A_111 = arith.constant 0.000000e+00 : f32
      %broadcast_in_dim3A_112 = vector.broadcast %broadcast_in_dim3A_111 : f32 to vector<16xf32>
      %swap3A_113 = arith.index_cast %scan3A_48 : i32 to index
      %swap3A_114 = arith.constant 144 : index
      %swap3A_115 = tpu.vector_load %arg6[%swap3A_113, %swap3A_114] {strides = array<i32>} : memref<128x160xf32, #tpu.memory_space<vmem>>, vector<1x16xf32>,
      %swap3A_116 = vector.shape_cast %swap3A_115 : vector<1x16xf32> to vector<16xf32>
      %swap3A_117 = vector.shape_cast %broadcast_in_dim3A_112 : vector<16xf32> to vector<1x16xf32>
      tpu.vector_store %arg6[%swap3A_113, %swap3A_114], %swap3A_117 {strides = array<i32>} : memref<128x160xf32, #tpu.memory_space<vmem>>, vector<1x16xf32>,
      %scan3A_118 = arith.constant 0 : i32
      scf.yield %scan3A_118 : i32
    }
    %scan3A_5 = arith.constant 128 : i32
    %mul3A = arith.constant 625 : i32
    %mul3A_6 = arith.muli %arg1, %mul3A : i32
    %add3A = arith.constant 0 : i32
    %add3A_7 = arith.addi %mul3A_6, %add3A : i32
    "tpu.region"() ({
      %run_scoped3A = tpu.sem_alloc : memref<!tpu.dma_semaphore, #tpu.memory_space<semaphore_mem>>
      %dma_start3A_48 = arith.constant 0 : i32
      %dma_start3A_49 = arith.constant 0 : i32
      %dma_start3A_50 = tpu.memref_slice %arg6[%dma_start3A_48, %dma_start3A_49] : memref<128x160xf32, #tpu.memory_space<vmem>> -> memref<128x160xf32, #tpu.memory_space<vmem>>
      %dma_start3A_51 = arith.constant 0 : i32
      %dma_start3A_52 = tpu.memref_slice %arg9[%add3A_7, %dma_start3A_51] : memref<10000x160xf32, #tpu.memory_space<vmem_shared>> -> memref<128x160xf32, #tpu.memory_space<vmem_shared>>
      %dma_start3A_53 = arith.constant 0 : i32
      %dma_start3A_54 = tpu.memref_slice %arg9[%add3A_7, %dma_start3A_53] : memref<10000x160xf32, #tpu.memory_space<vmem_shared>> -> memref<128x160xf32, #tpu.memory_space<vmem_shared>>
      %dma_start3A_55 = arith.constant 0 : i32
      %dma_start3A_56 = arith.constant 0 : i32
      %dma_start3A_57 = tpu.memref_slice %arg6[%dma_start3A_55, %dma_start3A_56] : memref<128x160xf32, #tpu.memory_space<vmem>> -> memref<128x160xf32, #tpu.memory_space<vmem>>
      tpu.enqueue_dma source(%dma_start3A_57 : memref<128x160xf32, #tpu.memory_space<vmem>>) target(%dma_start3A_54 : memref<128x160xf32, #tpu.memory_space<vmem_shared>>) target_semaphore(%run_scoped3A : memref<!tpu.dma_semaphore, #tpu.memory_space<semaphore_mem>>)
      %dma_wait3A_58 = arith.constant 0 : i32
      %dma_wait3A_59 = arith.constant 0 : i32
      %dma_wait3A_60 = tpu.memref_slice %arg6[%dma_wait3A_58, %dma_wait3A_59] : memref<128x160xf32, #tpu.memory_space<vmem>> -> memref<128x160xf32, #tpu.memory_space<vmem>>
      %dma_wait3A_61 = arith.constant 0 : i32
      %dma_wait3A_62 = tpu.memref_slice %arg9[%add3A_7, %dma_wait3A_61] : memref<10000x160xf32, #tpu.memory_space<vmem_shared>> -> memref<128x160xf32, #tpu.memory_space<vmem_shared>>
      %dma_wait3A_63 = arith.constant 0 : i32
      %dma_wait3A_64 = tpu.memref_slice %arg9[%add3A_7, %dma_wait3A_63] : memref<10000x160xf32, #tpu.memory_space<vmem_shared>> -> memref<128x160xf32, #tpu.memory_space<vmem_shared>>
      %dma_wait3A_65 = arith.constant 0 : i32
      %dma_wait3A_66 = arith.constant 0 : i32
      %dma_wait3A_67 = tpu.memref_slice %arg6[%dma_wait3A_65, %dma_wait3A_66] : memref<128x160xf32, #tpu.memory_space<vmem>> -> memref<128x160xf32, #tpu.memory_space<vmem>>
      tpu.wait_dma2 semaphore(%run_scoped3A : memref<!tpu.dma_semaphore, #tpu.memory_space<semaphore_mem>>) src(%dma_wait3A_67 : memref<128x160xf32, #tpu.memory_space<vmem>>) dst(%dma_wait3A_64 : memref<128x160xf32, #tpu.memory_space<vmem_shared>>)
      tpu.yield
    }) : () -> ()
    %add3A_8 = arith.constant 128 : i32
    %add3A_9 = arith.addi %mul3A_6, %add3A_8 : i32
    "tpu.region"() ({
      %run_scoped3A = tpu.sem_alloc : memref<!tpu.dma_semaphore, #tpu.memory_space<semaphore_mem>>
      %dma_start3A_48 = arith.constant 0 : i32
      %dma_start3A_49 = arith.constant 0 : i32
      %dma_start3A_50 = tpu.memref_slice %arg6[%dma_start3A_48, %dma_start3A_49] : memref<128x160xf32, #tpu.memory_space<vmem>> -> memref<128x160xf32, #tpu.memory_space<vmem>>
      %dma_start3A_51 = arith.constant 0 : i32
      %dma_start3A_52 = tpu.memref_slice %arg9[%add3A_9, %dma_start3A_51] : memref<10000x160xf32, #tpu.memory_space<vmem_shared>> -> memref<128x160xf32, #tpu.memory_space<vmem_shared>>
      %dma_start3A_53 = arith.constant 0 : i32
      %dma_start3A_54 = tpu.memref_slice %arg9[%add3A_9, %dma_start3A_53] : memref<10000x160xf32, #tpu.memory_space<vmem_shared>> -> memref<128x160xf32, #tpu.memory_space<vmem_shared>>
      %dma_start3A_55 = arith.constant 0 : i32
      %dma_start3A_56 = arith.constant 0 : i32
      %dma_start3A_57 = tpu.memref_slice %arg6[%dma_start3A_55, %dma_start3A_56] : memref<128x160xf32, #tpu.memory_space<vmem>> -> memref<128x160xf32, #tpu.memory_space<vmem>>
      tpu.enqueue_dma source(%dma_start3A_57 : memref<128x160xf32, #tpu.memory_space<vmem>>) target(%dma_start3A_54 : memref<128x160xf32, #tpu.memory_space<vmem_shared>>) target_semaphore(%run_scoped3A : memref<!tpu.dma_semaphore, #tpu.memory_space<semaphore_mem>>)
      %dma_wait3A_58 = arith.constant 0 : i32
      %dma_wait3A_59 = arith.constant 0 : i32
      %dma_wait3A_60 = tpu.memref_slice %arg6[%dma_wait3A_58, %dma_wait3A_59] : memref<128x160xf32, #tpu.memory_space<vmem>> -> memref<128x160xf32, #tpu.memory_space<vmem>>
      %dma_wait3A_61 = arith.constant 0 : i32
      %dma_wait3A_62 = tpu.memref_slice %arg9[%add3A_9, %dma_wait3A_61] : memref<10000x160xf32, #tpu.memory_space<vmem_shared>> -> memref<128x160xf32, #tpu.memory_space<vmem_shared>>
      %dma_wait3A_63 = arith.constant 0 : i32
      %dma_wait3A_64 = tpu.memref_slice %arg9[%add3A_9, %dma_wait3A_63] : memref<10000x160xf32, #tpu.memory_space<vmem_shared>> -> memref<128x160xf32, #tpu.memory_space<vmem_shared>>
      %dma_wait3A_65 = arith.constant 0 : i32
      %dma_wait3A_66 = arith.constant 0 : i32
      %dma_wait3A_67 = tpu.memref_slice %arg6[%dma_wait3A_65, %dma_wait3A_66] : memref<128x160xf32, #tpu.memory_space<vmem>> -> memref<128x160xf32, #tpu.memory_space<vmem>>
      tpu.wait_dma2 semaphore(%run_scoped3A : memref<!tpu.dma_semaphore, #tpu.memory_space<semaphore_mem>>) src(%dma_wait3A_67 : memref<128x160xf32, #tpu.memory_space<vmem>>) dst(%dma_wait3A_64 : memref<128x160xf32, #tpu.memory_space<vmem_shared>>)
      tpu.yield
    }) : () -> ()
    %add3A_10 = arith.constant 256 : i32
    %add3A_11 = arith.addi %mul3A_6, %add3A_10 : i32
    "tpu.region"() ({
      %run_scoped3A = tpu.sem_alloc : memref<!tpu.dma_semaphore, #tpu.memory_space<semaphore_mem>>
      %dma_start3A_48 = arith.constant 0 : i32
      %dma_start3A_49 = arith.constant 0 : i32
      %dma_start3A_50 = tpu.memref_slice %arg6[%dma_start3A_48, %dma_start3A_49] : memref<128x160xf32, #tpu.memory_space<vmem>> -> memref<128x160xf32, #tpu.memory_space<vmem>>
      %dma_start3A_51 = arith.constant 0 : i32
      %dma_start3A_52 = tpu.memref_slice %arg9[%add3A_11, %dma_start3A_51] : memref<10000x160xf32, #tpu.memory_space<vmem_shared>> -> memref<128x160xf32, #tpu.memory_space<vmem_shared>>
      %dma_start3A_53 = arith.constant 0 : i32
      %dma_start3A_54 = tpu.memref_slice %arg9[%add3A_11, %dma_start3A_53] : memref<10000x160xf32, #tpu.memory_space<vmem_shared>> -> memref<128x160xf32, #tpu.memory_space<vmem_shared>>
      %dma_start3A_55 = arith.constant 0 : i32
      %dma_start3A_56 = arith.constant 0 : i32
      %dma_start3A_57 = tpu.memref_slice %arg6[%dma_start3A_55, %dma_start3A_56] : memref<128x160xf32, #tpu.memory_space<vmem>> -> memref<128x160xf32, #tpu.memory_space<vmem>>
      tpu.enqueue_dma source(%dma_start3A_57 : memref<128x160xf32, #tpu.memory_space<vmem>>) target(%dma_start3A_54 : memref<128x160xf32, #tpu.memory_space<vmem_shared>>) target_semaphore(%run_scoped3A : memref<!tpu.dma_semaphore, #tpu.memory_space<semaphore_mem>>)
      %dma_wait3A_58 = arith.constant 0 : i32
      %dma_wait3A_59 = arith.constant 0 : i32
      %dma_wait3A_60 = tpu.memref_slice %arg6[%dma_wait3A_58, %dma_wait3A_59] : memref<128x160xf32, #tpu.memory_space<vmem>> -> memref<128x160xf32, #tpu.memory_space<vmem>>
      %dma_wait3A_61 = arith.constant 0 : i32
      %dma_wait3A_62 = tpu.memref_slice %arg9[%add3A_11, %dma_wait3A_61] : memref<10000x160xf32, #tpu.memory_space<vmem_shared>> -> memref<128x160xf32, #tpu.memory_space<vmem_shared>>
      %dma_wait3A_63 = arith.constant 0 : i32
      %dma_wait3A_64 = tpu.memref_slice %arg9[%add3A_11, %dma_wait3A_63] : memref<10000x160xf32, #tpu.memory_space<vmem_shared>> -> memref<128x160xf32, #tpu.memory_space<vmem_shared>>
      %dma_wait3A_65 = arith.constant 0 : i32
      %dma_wait3A_66 = arith.constant 0 : i32
      %dma_wait3A_67 = tpu.memref_slice %arg6[%dma_wait3A_65, %dma_wait3A_66] : memref<128x160xf32, #tpu.memory_space<vmem>> -> memref<128x160xf32, #tpu.memory_space<vmem>>
      tpu.wait_dma2 semaphore(%run_scoped3A : memref<!tpu.dma_semaphore, #tpu.memory_space<semaphore_mem>>) src(%dma_wait3A_67 : memref<128x160xf32, #tpu.memory_space<vmem>>) dst(%dma_wait3A_64 : memref<128x160xf32, #tpu.memory_space<vmem_shared>>)
      tpu.yield
    }) : () -> ()
    %add3A_12 = arith.constant 384 : i32
    %add3A_13 = arith.addi %mul3A_6, %add3A_12 : i32
    "tpu.region"() ({
      %run_scoped3A = tpu.sem_alloc : memref<!tpu.dma_semaphore, #tpu.memory_space<semaphore_mem>>
      %dma_start3A_48 = arith.constant 0 : i32
      %dma_start3A_49 = arith.constant 0 : i32
      %dma_start3A_50 = tpu.memref_slice %arg6[%dma_start3A_48, %dma_start3A_49] : memref<128x160xf32, #tpu.memory_space<vmem>> -> memref<128x160xf32, #tpu.memory_space<vmem>>
      %dma_start3A_51 = arith.constant 0 : i32
      %dma_start3A_52 = tpu.memref_slice %arg9[%add3A_13, %dma_start3A_51] : memref<10000x160xf32, #tpu.memory_space<vmem_shared>> -> memref<128x160xf32, #tpu.memory_space<vmem_shared>>
      %dma_start3A_53 = arith.constant 0 : i32
      %dma_start3A_54 = tpu.memref_slice %arg9[%add3A_13, %dma_start3A_53] : memref<10000x160xf32, #tpu.memory_space<vmem_shared>> -> memref<128x160xf32, #tpu.memory_space<vmem_shared>>
      %dma_start3A_55 = arith.constant 0 : i32
      %dma_start3A_56 = arith.constant 0 : i32
      %dma_start3A_57 = tpu.memref_slice %arg6[%dma_start3A_55, %dma_start3A_56] : memref<128x160xf32, #tpu.memory_space<vmem>> -> memref<128x160xf32, #tpu.memory_space<vmem>>
      tpu.enqueue_dma source(%dma_start3A_57 : memref<128x160xf32, #tpu.memory_space<vmem>>) target(%dma_start3A_54 : memref<128x160xf32, #tpu.memory_space<vmem_shared>>) target_semaphore(%run_scoped3A : memref<!tpu.dma_semaphore, #tpu.memory_space<semaphore_mem>>)
      %dma_wait3A_58 = arith.constant 0 : i32
      %dma_wait3A_59 = arith.constant 0 : i32
      %dma_wait3A_60 = tpu.memref_slice %arg6[%dma_wait3A_58, %dma_wait3A_59] : memref<128x160xf32, #tpu.memory_space<vmem>> -> memref<128x160xf32, #tpu.memory_space<vmem>>
      %dma_wait3A_61 = arith.constant 0 : i32
      %dma_wait3A_62 = tpu.memref_slice %arg9[%add3A_13, %dma_wait3A_61] : memref<10000x160xf32, #tpu.memory_space<vmem_shared>> -> memref<128x160xf32, #tpu.memory_space<vmem_shared>>
      %dma_wait3A_63 = arith.constant 0 : i32
      %dma_wait3A_64 = tpu.memref_slice %arg9[%add3A_13, %dma_wait3A_63] : memref<10000x160xf32, #tpu.memory_space<vmem_shared>> -> memref<128x160xf32, #tpu.memory_space<vmem_shared>>
      %dma_wait3A_65 = arith.constant 0 : i32
      %dma_wait3A_66 = arith.constant 0 : i32
      %dma_wait3A_67 = tpu.memref_slice %arg6[%dma_wait3A_65, %dma_wait3A_66] : memref<128x160xf32, #tpu.memory_space<vmem>> -> memref<128x160xf32, #tpu.memory_space<vmem>>
      tpu.wait_dma2 semaphore(%run_scoped3A : memref<!tpu.dma_semaphore, #tpu.memory_space<semaphore_mem>>) src(%dma_wait3A_67 : memref<128x160xf32, #tpu.memory_space<vmem>>) dst(%dma_wait3A_64 : memref<128x160xf32, #tpu.memory_space<vmem_shared>>)
      tpu.yield
    }) : () -> ()
    %add3A_14 = arith.constant 512 : i32
    %add3A_15 = arith.addi %mul3A_6, %add3A_14 : i32
    "tpu.region"() ({
      %run_scoped3A = tpu.sem_alloc : memref<!tpu.dma_semaphore, #tpu.memory_space<semaphore_mem>>
      %dma_start3A_48 = arith.constant 0 : i32
      %dma_start3A_49 = arith.constant 0 : i32
      %dma_start3A_50 = tpu.memref_slice %arg6[%dma_start3A_48, %dma_start3A_49] : memref<128x160xf32, #tpu.memory_space<vmem>> -> memref<113x160xf32, #tpu.memory_space<vmem>>
      %dma_start3A_51 = arith.constant 0 : i32
      %dma_start3A_52 = tpu.memref_slice %arg9[%add3A_15, %dma_start3A_51] : memref<10000x160xf32, #tpu.memory_space<vmem_shared>> -> memref<113x160xf32, #tpu.memory_space<vmem_shared>>
      %dma_start3A_53 = arith.constant 0 : i32
      %dma_start3A_54 = tpu.memref_slice %arg9[%add3A_15, %dma_start3A_53] : memref<10000x160xf32, #tpu.memory_space<vmem_shared>> -> memref<113x160xf32, #tpu.memory_space<vmem_shared>>
      %dma_start3A_55 = arith.constant 0 : i32
      %dma_start3A_56 = arith.constant 0 : i32
      %dma_start3A_57 = tpu.memref_slice %arg6[%dma_start3A_55, %dma_start3A_56] : memref<128x160xf32, #tpu.memory_space<vmem>> -> memref<113x160xf32, #tpu.memory_space<vmem>>
      tpu.enqueue_dma source(%dma_start3A_57 : memref<113x160xf32, #tpu.memory_space<vmem>>) target(%dma_start3A_54 : memref<113x160xf32, #tpu.memory_space<vmem_shared>>) target_semaphore(%run_scoped3A : memref<!tpu.dma_semaphore, #tpu.memory_space<semaphore_mem>>)
      %dma_wait3A_58 = arith.constant 0 : i32
      %dma_wait3A_59 = arith.constant 0 : i32
      %dma_wait3A_60 = tpu.memref_slice %arg6[%dma_wait3A_58, %dma_wait3A_59] : memref<128x160xf32, #tpu.memory_space<vmem>> -> memref<113x160xf32, #tpu.memory_space<vmem>>
      %dma_wait3A_61 = arith.constant 0 : i32
      %dma_wait3A_62 = tpu.memref_slice %arg9[%add3A_15, %dma_wait3A_61] : memref<10000x160xf32, #tpu.memory_space<vmem_shared>> -> memref<113x160xf32, #tpu.memory_space<vmem_shared>>
      %dma_wait3A_63 = arith.constant 0 : i32
      %dma_wait3A_64 = tpu.memref_slice %arg9[%add3A_15, %dma_wait3A_63] : memref<10000x160xf32, #tpu.memory_space<vmem_shared>> -> memref<113x160xf32, #tpu.memory_space<vmem_shared>>
      %dma_wait3A_65 = arith.constant 0 : i32
      %dma_wait3A_66 = arith.constant 0 : i32
      %dma_wait3A_67 = tpu.memref_slice %arg6[%dma_wait3A_65, %dma_wait3A_66] : memref<128x160xf32, #tpu.memory_space<vmem>> -> memref<113x160xf32, #tpu.memory_space<vmem>>
      tpu.wait_dma2 semaphore(%run_scoped3A : memref<!tpu.dma_semaphore, #tpu.memory_space<semaphore_mem>>) src(%dma_wait3A_67 : memref<113x160xf32, #tpu.memory_space<vmem>>) dst(%dma_wait3A_64 : memref<113x160xf32, #tpu.memory_space<vmem_shared>>)
      tpu.yield
    }) : () -> ()
    %barrier3A = arith.constant 0 : index
    tpu.barrier barrier_id(%barrier3A)
    %mul3A_16 = arith.constant 16 : i32
    %mul3A_17 = arith.muli %arg0, %mul3A_16 : i32
    %add3A_18 = arith.addi %mul3A_17, %arg1 : i32
    %mul3A_19 = arith.constant 5000 : i32
    %mul3A_20 = arith.muli %add3A_18, %mul3A_19 : i32
    %scan3A_21 = arith.constant 0 : i32
    %scan3A_22 = arith.constant 0 : i32
    %scan3A_23 = arith.constant 39 : i32
    %scan3A_24 = arith.addi %scan3A_22, %scan3A_23 : i32
    %scan3A_25 = arith.constant 1 : i32
    %scan3A_26 = scf.for %scan3A_48 = %scan3A_22 to %scan3A_24 step %scan3A_25 iter_args(%scan3A_49 = %scan3A_21) -> (i32)  : i32 {
      %mul3A_50 = arith.constant 128 : i32
      %mul3A_51 = arith.muli %scan3A_48, %mul3A_50 : i32
      %add3A_52 = arith.addi %mul3A_20, %mul3A_51 : i32
      %dma_start3A_53 = tpu.memref_slice %arg3[%add3A_52] : memref<160000xi32, #tpu.memory_space<hbm>> -> memref<128xi32, #tpu.memory_space<hbm>>
      %dma_start3A_54 = tpu.memref_slice %arg3[%add3A_52] : memref<160000xi32, #tpu.memory_space<hbm>> -> memref<128xi32, #tpu.memory_space<hbm>>
      tpu.enqueue_dma source(%dma_start3A_54 : memref<128xi32, #tpu.memory_space<hbm>>) target(%arg5 : memref<128xi32, #tpu.memory_space<vmem>>) target_semaphore(%arg10 : memref<!tpu.dma_semaphore, #tpu.memory_space<semaphore_mem>>)
      %dma_start3A_55 = arith.constant 0 : i32
      %dma_start3A_56 = tpu.memref_slice %arg2[%add3A_52, %dma_start3A_55] : memref<160000x160xf32, #tpu.memory_space<hbm>> -> memref<128x160xf32, #tpu.memory_space<hbm>>
      %dma_start3A_57 = arith.constant 0 : i32
      %dma_start3A_58 = tpu.memref_slice %arg2[%add3A_52, %dma_start3A_57] : memref<160000x160xf32, #tpu.memory_space<hbm>> -> memref<128x160xf32, #tpu.memory_space<hbm>>
      tpu.enqueue_dma source(%dma_start3A_58 : memref<128x160xf32, #tpu.memory_space<hbm>>) target(%arg6 : memref<128x160xf32, #tpu.memory_space<vmem>>) target_semaphore(%arg11 : memref<!tpu.dma_semaphore, #tpu.memory_space<semaphore_mem>>)
      %dma_wait3A_59 = tpu.memref_slice %arg3[%add3A_52] : memref<160000xi32, #tpu.memory_space<hbm>> -> memref<128xi32, #tpu.memory_space<hbm>>
      %dma_wait3A_60 = tpu.memref_slice %arg3[%add3A_52] : memref<160000xi32, #tpu.memory_space<hbm>> -> memref<128xi32, #tpu.memory_space<hbm>>
      tpu.wait_dma2 semaphore(%arg10 : memref<!tpu.dma_semaphore, #tpu.memory_space<semaphore_mem>>) src(%dma_wait3A_60 : memref<128xi32, #tpu.memory_space<hbm>>) dst(%arg5 : memref<128xi32, #tpu.memory_space<vmem>>)
      %dma_wait3A_61 = arith.constant 0 : i32
      %dma_wait3A_62 = tpu.memref_slice %arg2[%add3A_52, %dma_wait3A_61] : memref<160000x160xf32, #tpu.memory_space<hbm>> -> memref<128x160xf32, #tpu.memory_space<hbm>>
      %dma_wait3A_63 = arith.constant 0 : i32
      %dma_wait3A_64 = tpu.memref_slice %arg2[%add3A_52, %dma_wait3A_63] : memref<160000x160xf32, #tpu.memory_space<hbm>> -> memref<128x160xf32, #tpu.memory_space<hbm>>
      tpu.wait_dma2 semaphore(%arg11 : memref<!tpu.dma_semaphore, #tpu.memory_space<semaphore_mem>>) src(%dma_wait3A_64 : memref<128x160xf32, #tpu.memory_space<hbm>>) dst(%arg6 : memref<128x160xf32, #tpu.memory_space<vmem>>)
      "tpu.region"() ({
        %run_scoped3A = tpu.sem_alloc : memref<!tpu.dma_semaphore, #tpu.memory_space<semaphore_mem>>
        %dma_start3A_66 = arith.constant 0 : i32
        %dma_start3A_67 = arith.constant 0 : i32
        %dma_start3A_68 = tpu.memref_slice %arg9[%dma_start3A_66, %dma_start3A_67] : memref<10000x160xf32, #tpu.memory_space<vmem_shared>> -> memref<10000x160xf32, #tpu.memory_space<vmem_shared>>
        tpu.enqueue_indirect_dma source(%arg6 : memref<128x160xf32, #tpu.memory_space<vmem>>) target(%dma_start3A_68 : memref<10000x160xf32, #tpu.memory_space<vmem_shared>>) offsets(%arg5 : memref<128xi32, #tpu.memory_space<vmem>>) semaphore(%run_scoped3A : memref<!tpu.dma_semaphore, #tpu.memory_space<semaphore_mem>>) {add = true}
        %dma_wait3A_69 = arith.constant 0 : i32
        %dma_wait3A_70 = arith.constant 0 : i32
        %dma_wait3A_71 = tpu.memref_slice %arg9[%dma_wait3A_69, %dma_wait3A_70] : memref<10000x160xf32, #tpu.memory_space<vmem_shared>> -> memref<10000x160xf32, #tpu.memory_space<vmem_shared>>
        tpu.wait_indirect_dma semaphore(%run_scoped3A : memref<!tpu.dma_semaphore, #tpu.memory_space<semaphore_mem>>) src(%arg6 : memref<128x160xf32, #tpu.memory_space<vmem>>) dst(%dma_wait3A_71 : memref<10000x160xf32, #tpu.memory_space<vmem_shared>>)
        tpu.yield
      }) : () -> ()
      %scan3A_65 = arith.constant 0 : i32
      scf.yield %scan3A_65 : i32
    }
    %scan3A_27 = arith.constant 39 : i32
    %add3A_28 = arith.constant 4992 : i32
    %add3A_29 = arith.addi %mul3A_20, %add3A_28 : i32
    %dma_start3A = tpu.memref_slice %arg3[%add3A_29] : memref<160000xi32, #tpu.memory_space<hbm>> -> memref<8xi32, #tpu.memory_space<hbm>>
    %dma_start3A_30 = tpu.memref_slice %arg3[%add3A_29] : memref<160000xi32, #tpu.memory_space<hbm>> -> memref<8xi32, #tpu.memory_space<hbm>>
    tpu.enqueue_dma source(%dma_start3A_30 : memref<8xi32, #tpu.memory_space<hbm>>) target(%arg7 : memref<8xi32, #tpu.memory_space<vmem>>) target_semaphore(%arg10 : memref<!tpu.dma_semaphore, #tpu.memory_space<semaphore_mem>>)
    %dma_start3A_31 = arith.constant 0 : i32
    %dma_start3A_32 = tpu.memref_slice %arg2[%add3A_29, %dma_start3A_31] : memref<160000x160xf32, #tpu.memory_space<hbm>> -> memref<8x160xf32, #tpu.memory_space<hbm>>
    %dma_start3A_33 = arith.constant 0 : i32
    %dma_start3A_34 = tpu.memref_slice %arg2[%add3A_29, %dma_start3A_33] : memref<160000x160xf32, #tpu.memory_space<hbm>> -> memref<8x160xf32, #tpu.memory_space<hbm>>
    tpu.enqueue_dma source(%dma_start3A_34 : memref<8x160xf32, #tpu.memory_space<hbm>>) target(%arg8 : memref<8x160xf32, #tpu.memory_space<vmem>>) target_semaphore(%arg11 : memref<!tpu.dma_semaphore, #tpu.memory_space<semaphore_mem>>)
    %dma_wait3A = tpu.memref_slice %arg3[%add3A_29] : memref<160000xi32, #tpu.memory_space<hbm>> -> memref<8xi32, #tpu.memory_space<hbm>>
    %dma_wait3A_35 = tpu.memref_slice %arg3[%add3A_29] : memref<160000xi32, #tpu.memory_space<hbm>> -> memref<8xi32, #tpu.memory_space<hbm>>
    tpu.wait_dma2 semaphore(%arg10 : memref<!tpu.dma_semaphore, #tpu.memory_space<semaphore_mem>>) src(%dma_wait3A_35 : memref<8xi32, #tpu.memory_space<hbm>>) dst(%arg7 : memref<8xi32, #tpu.memory_space<vmem>>)
    %dma_wait3A_36 = arith.constant 0 : i32
    %dma_wait3A_37 = tpu.memref_slice %arg2[%add3A_29, %dma_wait3A_36] : memref<160000x160xf32, #tpu.memory_space<hbm>> -> memref<8x160xf32, #tpu.memory_space<hbm>>
    %dma_wait3A_38 = arith.constant 0 : i32
    %dma_wait3A_39 = tpu.memref_slice %arg2[%add3A_29, %dma_wait3A_38] : memref<160000x160xf32, #tpu.memory_space<hbm>> -> memref<8x160xf32, #tpu.memory_space<hbm>>
    tpu.wait_dma2 semaphore(%arg11 : memref<!tpu.dma_semaphore, #tpu.memory_space<semaphore_mem>>) src(%dma_wait3A_39 : memref<8x160xf32, #tpu.memory_space<hbm>>) dst(%arg8 : memref<8x160xf32, #tpu.memory_space<vmem>>)
    "tpu.region"() ({
      %run_scoped3A = tpu.sem_alloc : memref<!tpu.dma_semaphore, #tpu.memory_space<semaphore_mem>>
      %dma_start3A_48 = arith.constant 0 : i32
      %dma_start3A_49 = arith.constant 0 : i32
      %dma_start3A_50 = tpu.memref_slice %arg9[%dma_start3A_48, %dma_start3A_49] : memref<10000x160xf32, #tpu.memory_space<vmem_shared>> -> memref<10000x160xf32, #tpu.memory_space<vmem_shared>>
      tpu.enqueue_indirect_dma source(%arg8 : memref<8x160xf32, #tpu.memory_space<vmem>>) target(%dma_start3A_50 : memref<10000x160xf32, #tpu.memory_space<vmem_shared>>) offsets(%arg7 : memref<8xi32, #tpu.memory_space<vmem>>) semaphore(%run_scoped3A : memref<!tpu.dma_semaphore, #tpu.memory_space<semaphore_mem>>) {add = true}
      %dma_wait3A_51 = arith.constant 0 : i32
      %dma_wait3A_52 = arith.constant 0 : i32
      %dma_wait3A_53 = tpu.memref_slice %arg9[%dma_wait3A_51, %dma_wait3A_52] : memref<10000x160xf32, #tpu.memory_space<vmem_shared>> -> memref<10000x160xf32, #tpu.memory_space<vmem_shared>>
      tpu.wait_indirect_dma semaphore(%run_scoped3A : memref<!tpu.dma_semaphore, #tpu.memory_space<semaphore_mem>>) src(%arg8 : memref<8x160xf32, #tpu.memory_space<vmem>>) dst(%dma_wait3A_53 : memref<10000x160xf32, #tpu.memory_space<vmem_shared>>)
      tpu.yield
    }) : () -> ()
    %barrier3A_40 = arith.constant 0 : index
    tpu.barrier barrier_id(%barrier3A_40)
    %mul3A_41 = arith.constant 625 : i32
    %mul3A_42 = arith.muli %arg1, %mul3A_41 : i32
    %mul3A_43 = arith.constant 10000 : i32
    %mul3A_44 = arith.muli %arg0, %mul3A_43 : i32
    %mul3A_45 = arith.constant 625 : i32
    %mul3A_46 = arith.muli %arg1, %mul3A_45 : i32
    %add3A_47 = arith.addi %mul3A_44, %mul3A_46 : i32
    "tpu.region"() ({
      %run_scoped3A = tpu.sem_alloc : memref<!tpu.dma_semaphore, #tpu.memory_space<semaphore_mem>>
      %dma_start3A_48 = arith.constant 0 : i32
      %dma_start3A_49 = tpu.memref_slice %arg4[%add3A_47, %dma_start3A_48] : memref<20000x160xf32, #tpu.memory_space<hbm>> -> memref<625x160xf32, #tpu.memory_space<hbm>>
      %dma_start3A_50 = arith.constant 0 : i32
      %dma_start3A_51 = tpu.memref_slice %arg9[%mul3A_42, %dma_start3A_50] : memref<10000x160xf32, #tpu.memory_space<vmem_shared>> -> memref<625x160xf32, #tpu.memory_space<vmem_shared>>
      tpu.enqueue_dma source(%dma_start3A_51 : memref<625x160xf32, #tpu.memory_space<vmem_shared>>) target(%dma_start3A_49 : memref<625x160xf32, #tpu.memory_space<hbm>>) target_semaphore(%run_scoped3A : memref<!tpu.dma_semaphore, #tpu.memory_space<semaphore_mem>>)
      %dma_wait3A_52 = arith.constant 0 : i32
      %dma_wait3A_53 = tpu.memref_slice %arg4[%add3A_47, %dma_wait3A_52] : memref<20000x160xf32, #tpu.memory_space<hbm>> -> memref<625x160xf32, #tpu.memory_space<hbm>>
      %dma_wait3A_54 = arith.constant 0 : i32
      %dma_wait3A_55 = tpu.memref_slice %arg9[%mul3A_42, %dma_wait3A_54] : memref<10000x160xf32, #tpu.memory_space<vmem_shared>> -> memref<625x160xf32, #tpu.memory_space<vmem_shared>>
      tpu.wait_dma2 semaphore(%run_scoped3A : memref<!tpu.dma_semaphore, #tpu.memory_space<semaphore_mem>>) src(%dma_wait3A_55 : memref<625x160xf32, #tpu.memory_space<vmem_shared>>) dst(%dma_wait3A_53 : memref<625x160xf32, #tpu.memory_space<hbm>>)
      tpu.yield
    }) : () -> ()
    return
  }
}

#map = affine_map<(d0, d1) -> (0, 0)>
#map1 = affine_map<(d0, d1) -> (0)>
module attributes {stable_mosaic.version = 14 : i64} {
  func.func @body(%arg0: i32, %arg1: i32, %arg2: memref<10000x16xf32, #tpu.memory_space<hbm>>, %arg3: memref<160000xi32, #tpu.memory_space<hbm>>, %arg4: memref<160000xi32, #tpu.memory_space<hbm>>, %arg5: memref<160000x16xf32, #tpu.memory_space<hbm>>, %arg6: memref<128xi32, #tpu.memory_space<vmem>>, %arg7: memref<128xi32, #tpu.memory_space<vmem>>, %arg8: memref<128x16xf32, #tpu.memory_space<vmem>>, %arg9: memref<128x16xf32, #tpu.memory_space<vmem>>, %arg10: memref<8xi32, #tpu.memory_space<vmem>>, %arg11: memref<8xi32, #tpu.memory_space<vmem>>, %arg12: memref<8x16xf32, #tpu.memory_space<vmem>>, %arg13: memref<8x16xf32, #tpu.memory_space<vmem>>, %arg14: memref<!tpu.dma_semaphore, #tpu.memory_space<semaphore_mem>>, %arg15: memref<!tpu.dma_semaphore, #tpu.memory_space<semaphore_mem>>) attributes {dimension_semantics = [#tpu.dimension_semantics<core_parallel>, #tpu.dimension_semantics<subcore_parallel>], iteration_bounds = array<i64: 2, 16>, scalar_prefetch = 0 : i64, scratch_operands = 10 : i64, tpu.core_type = #tpu.core_type<sc_vector_subcore>, window_params = [{transform_indices = #map}, {transform_indices = #map1}, {transform_indices = #map1}, {transform_indices = #map}]} {
    %mul3A = arith.constant 16 : i32
    %mul3A_0 = arith.muli %arg0, %mul3A : i32
    %add3A = arith.addi %mul3A_0, %arg1 : i32
    %mul3A_1 = arith.constant 5000 : i32
    %mul3A_2 = arith.muli %add3A, %mul3A_1 : i32
    %scan3A = arith.constant 0 : i32
    %scan3A_3 = arith.constant 0 : i32
    %scan3A_4 = arith.constant 39 : i32
    %scan3A_5 = arith.addi %scan3A_3, %scan3A_4 : i32
    %scan3A_6 = arith.constant 1 : i32
    %scan3A_7 = scf.for %scan3A_36 = %scan3A_3 to %scan3A_5 step %scan3A_6 iter_args(%scan3A_37 = %scan3A) -> (i32)  : i32 {
      %mul3A_38 = arith.constant 128 : i32
      %mul3A_39 = arith.muli %scan3A_36, %mul3A_38 : i32
      %add3A_40 = arith.addi %mul3A_2, %mul3A_39 : i32
      %dma_start3A_41 = tpu.memref_slice %arg3[%add3A_40] : memref<160000xi32, #tpu.memory_space<hbm>> -> memref<128xi32, #tpu.memory_space<hbm>>
      %dma_start3A_42 = tpu.memref_slice %arg3[%add3A_40] : memref<160000xi32, #tpu.memory_space<hbm>> -> memref<128xi32, #tpu.memory_space<hbm>>
      tpu.enqueue_dma source(%dma_start3A_42 : memref<128xi32, #tpu.memory_space<hbm>>) target(%arg6 : memref<128xi32, #tpu.memory_space<vmem>>) target_semaphore(%arg14 : memref<!tpu.dma_semaphore, #tpu.memory_space<semaphore_mem>>)
      %dma_start3A_43 = tpu.memref_slice %arg4[%add3A_40] : memref<160000xi32, #tpu.memory_space<hbm>> -> memref<128xi32, #tpu.memory_space<hbm>>
      %dma_start3A_44 = tpu.memref_slice %arg4[%add3A_40] : memref<160000xi32, #tpu.memory_space<hbm>> -> memref<128xi32, #tpu.memory_space<hbm>>
      tpu.enqueue_dma source(%dma_start3A_44 : memref<128xi32, #tpu.memory_space<hbm>>) target(%arg7 : memref<128xi32, #tpu.memory_space<vmem>>) target_semaphore(%arg15 : memref<!tpu.dma_semaphore, #tpu.memory_space<semaphore_mem>>)
      %dma_wait3A_45 = tpu.memref_slice %arg3[%add3A_40] : memref<160000xi32, #tpu.memory_space<hbm>> -> memref<128xi32, #tpu.memory_space<hbm>>
      %dma_wait3A_46 = tpu.memref_slice %arg3[%add3A_40] : memref<160000xi32, #tpu.memory_space<hbm>> -> memref<128xi32, #tpu.memory_space<hbm>>
      tpu.wait_dma2 semaphore(%arg14 : memref<!tpu.dma_semaphore, #tpu.memory_space<semaphore_mem>>) src(%dma_wait3A_46 : memref<128xi32, #tpu.memory_space<hbm>>) dst(%arg6 : memref<128xi32, #tpu.memory_space<vmem>>)
      %dma_wait3A_47 = tpu.memref_slice %arg4[%add3A_40] : memref<160000xi32, #tpu.memory_space<hbm>> -> memref<128xi32, #tpu.memory_space<hbm>>
      %dma_wait3A_48 = tpu.memref_slice %arg4[%add3A_40] : memref<160000xi32, #tpu.memory_space<hbm>> -> memref<128xi32, #tpu.memory_space<hbm>>
      tpu.wait_dma2 semaphore(%arg15 : memref<!tpu.dma_semaphore, #tpu.memory_space<semaphore_mem>>) src(%dma_wait3A_48 : memref<128xi32, #tpu.memory_space<hbm>>) dst(%arg7 : memref<128xi32, #tpu.memory_space<vmem>>)
      %dma_start3A_49 = arith.constant 0 : i32
      %dma_start3A_50 = arith.constant 0 : i32
      %dma_start3A_51 = tpu.memref_slice %arg2[%dma_start3A_49, %dma_start3A_50] : memref<10000x16xf32, #tpu.memory_space<hbm>> -> memref<10000x16xf32, #tpu.memory_space<hbm>>
      tpu.enqueue_indirect_dma source(%dma_start3A_51 : memref<10000x16xf32, #tpu.memory_space<hbm>>) target(%arg8 : memref<128x16xf32, #tpu.memory_space<vmem>>) offsets(%arg6 : memref<128xi32, #tpu.memory_space<vmem>>) semaphore(%arg14 : memref<!tpu.dma_semaphore, #tpu.memory_space<semaphore_mem>>)
      %dma_start3A_52 = arith.constant 0 : i32
      %dma_start3A_53 = arith.constant 0 : i32
      %dma_start3A_54 = tpu.memref_slice %arg2[%dma_start3A_52, %dma_start3A_53] : memref<10000x16xf32, #tpu.memory_space<hbm>> -> memref<10000x16xf32, #tpu.memory_space<hbm>>
      tpu.enqueue_indirect_dma source(%dma_start3A_54 : memref<10000x16xf32, #tpu.memory_space<hbm>>) target(%arg9 : memref<128x16xf32, #tpu.memory_space<vmem>>) offsets(%arg7 : memref<128xi32, #tpu.memory_space<vmem>>) semaphore(%arg15 : memref<!tpu.dma_semaphore, #tpu.memory_space<semaphore_mem>>)
      %dma_wait3A_55 = arith.constant 0 : i32
      %dma_wait3A_56 = arith.constant 0 : i32
      %dma_wait3A_57 = tpu.memref_slice %arg2[%dma_wait3A_55, %dma_wait3A_56] : memref<10000x16xf32, #tpu.memory_space<hbm>> -> memref<10000x16xf32, #tpu.memory_space<hbm>>
      tpu.wait_indirect_dma semaphore(%arg14 : memref<!tpu.dma_semaphore, #tpu.memory_space<semaphore_mem>>) src(%dma_wait3A_57 : memref<10000x16xf32, #tpu.memory_space<hbm>>) dst(%arg8 : memref<128x16xf32, #tpu.memory_space<vmem>>)
      %dma_wait3A_58 = arith.constant 0 : i32
      %dma_wait3A_59 = arith.constant 0 : i32
      %dma_wait3A_60 = tpu.memref_slice %arg2[%dma_wait3A_58, %dma_wait3A_59] : memref<10000x16xf32, #tpu.memory_space<hbm>> -> memref<10000x16xf32, #tpu.memory_space<hbm>>
      tpu.wait_indirect_dma semaphore(%arg15 : memref<!tpu.dma_semaphore, #tpu.memory_space<semaphore_mem>>) src(%dma_wait3A_60 : memref<10000x16xf32, #tpu.memory_space<hbm>>) dst(%arg9 : memref<128x16xf32, #tpu.memory_space<vmem>>)
      %scan3A_61 = arith.constant 0 : i32
      %scan3A_62 = arith.constant 0 : i32
      %scan3A_63 = arith.constant 128 : i32
      %scan3A_64 = arith.addi %scan3A_62, %scan3A_63 : i32
      %scan3A_65 = arith.constant 1 : i32
      %scan3A_66 = scf.for %scan3A_69 = %scan3A_62 to %scan3A_64 step %scan3A_65 iter_args(%scan3A_70 = %scan3A_61) -> (i32)  : i32 {
        %get3A = arith.index_cast %scan3A_69 : i32 to index
        %get3A_71 = arith.constant 0 : index
        %get3A_72 = tpu.vector_load %arg8[%get3A, %get3A_71] {strides = array<i32>} : memref<128x16xf32, #tpu.memory_space<vmem>>, vector<1x16xf32>,
        %get3A_73 = vector.shape_cast %get3A_72 : vector<1x16xf32> to vector<16xf32>
        %get3A_74 = arith.index_cast %scan3A_69 : i32 to index
        %get3A_75 = arith.constant 0 : index
        %get3A_76 = tpu.vector_load %arg9[%get3A_74, %get3A_75] {strides = array<i32>} : memref<128x16xf32, #tpu.memory_space<vmem>>, vector<1x16xf32>,
        %get3A_77 = vector.shape_cast %get3A_76 : vector<1x16xf32> to vector<16xf32>
        %sub3A = arith.subf %get3A_73, %get3A_77 : vector<16xf32>
        %swap3A = arith.index_cast %scan3A_69 : i32 to index
        %swap3A_78 = arith.constant 0 : index
        %swap3A_79 = tpu.vector_load %arg8[%swap3A, %swap3A_78] {strides = array<i32>} : memref<128x16xf32, #tpu.memory_space<vmem>>, vector<1x16xf32>,
        %swap3A_80 = vector.shape_cast %swap3A_79 : vector<1x16xf32> to vector<16xf32>
        %swap3A_81 = vector.shape_cast %sub3A : vector<16xf32> to vector<1x16xf32>
        tpu.vector_store %arg8[%swap3A, %swap3A_78], %swap3A_81 {strides = array<i32>} : memref<128x16xf32, #tpu.memory_space<vmem>>, vector<1x16xf32>,
        %scan3A_82 = arith.constant 0 : i32
        scf.yield %scan3A_82 : i32
      }
      %scan3A_67 = arith.constant 128 : i32
      "tpu.region"() ({
        %run_scoped3A = tpu.sem_alloc : memref<!tpu.dma_semaphore, #tpu.memory_space<semaphore_mem>>
        %dma_start3A_69 = arith.constant 0 : i32
        %dma_start3A_70 = tpu.memref_slice %arg5[%add3A_40, %dma_start3A_69] : memref<160000x16xf32, #tpu.memory_space<hbm>> -> memref<128x16xf32, #tpu.memory_space<hbm>>
        %dma_start3A_71 = arith.constant 0 : i32
        %dma_start3A_72 = tpu.memref_slice %arg5[%add3A_40, %dma_start3A_71] : memref<160000x16xf32, #tpu.memory_space<hbm>> -> memref<128x16xf32, #tpu.memory_space<hbm>>
        tpu.enqueue_dma source(%arg8 : memref<128x16xf32, #tpu.memory_space<vmem>>) target(%dma_start3A_72 : memref<128x16xf32, #tpu.memory_space<hbm>>) target_semaphore(%run_scoped3A : memref<!tpu.dma_semaphore, #tpu.memory_space<semaphore_mem>>)
        %dma_wait3A_73 = arith.constant 0 : i32
        %dma_wait3A_74 = tpu.memref_slice %arg5[%add3A_40, %dma_wait3A_73] : memref<160000x16xf32, #tpu.memory_space<hbm>> -> memref<128x16xf32, #tpu.memory_space<hbm>>
        %dma_wait3A_75 = arith.constant 0 : i32
        %dma_wait3A_76 = tpu.memref_slice %arg5[%add3A_40, %dma_wait3A_75] : memref<160000x16xf32, #tpu.memory_space<hbm>> -> memref<128x16xf32, #tpu.memory_space<hbm>>
        tpu.wait_dma2 semaphore(%run_scoped3A : memref<!tpu.dma_semaphore, #tpu.memory_space<semaphore_mem>>) src(%arg8 : memref<128x16xf32, #tpu.memory_space<vmem>>) dst(%dma_wait3A_76 : memref<128x16xf32, #tpu.memory_space<hbm>>)
        tpu.yield
      }) : () -> ()
      %scan3A_68 = arith.constant 0 : i32
      scf.yield %scan3A_68 : i32
    }
    %scan3A_8 = arith.constant 39 : i32
    %add3A_9 = arith.constant 4992 : i32
    %add3A_10 = arith.addi %mul3A_2, %add3A_9 : i32
    %dma_start3A = tpu.memref_slice %arg3[%add3A_10] : memref<160000xi32, #tpu.memory_space<hbm>> -> memref<8xi32, #tpu.memory_space<hbm>>
    %dma_start3A_11 = tpu.memref_slice %arg3[%add3A_10] : memref<160000xi32, #tpu.memory_space<hbm>> -> memref<8xi32, #tpu.memory_space<hbm>>
    tpu.enqueue_dma source(%dma_start3A_11 : memref<8xi32, #tpu.memory_space<hbm>>) target(%arg10 : memref<8xi32, #tpu.memory_space<vmem>>) target_semaphore(%arg14 : memref<!tpu.dma_semaphore, #tpu.memory_space<semaphore_mem>>)
    %dma_start3A_12 = tpu.memref_slice %arg4[%add3A_10] : memref<160000xi32, #tpu.memory_space<hbm>> -> memref<8xi32, #tpu.memory_space<hbm>>
    %dma_start3A_13 = tpu.memref_slice %arg4[%add3A_10] : memref<160000xi32, #tpu.memory_space<hbm>> -> memref<8xi32, #tpu.memory_space<hbm>>
    tpu.enqueue_dma source(%dma_start3A_13 : memref<8xi32, #tpu.memory_space<hbm>>) target(%arg11 : memref<8xi32, #tpu.memory_space<vmem>>) target_semaphore(%arg15 : memref<!tpu.dma_semaphore, #tpu.memory_space<semaphore_mem>>)
    %dma_wait3A = tpu.memref_slice %arg3[%add3A_10] : memref<160000xi32, #tpu.memory_space<hbm>> -> memref<8xi32, #tpu.memory_space<hbm>>
    %dma_wait3A_14 = tpu.memref_slice %arg3[%add3A_10] : memref<160000xi32, #tpu.memory_space<hbm>> -> memref<8xi32, #tpu.memory_space<hbm>>
    tpu.wait_dma2 semaphore(%arg14 : memref<!tpu.dma_semaphore, #tpu.memory_space<semaphore_mem>>) src(%dma_wait3A_14 : memref<8xi32, #tpu.memory_space<hbm>>) dst(%arg10 : memref<8xi32, #tpu.memory_space<vmem>>)
    %dma_wait3A_15 = tpu.memref_slice %arg4[%add3A_10] : memref<160000xi32, #tpu.memory_space<hbm>> -> memref<8xi32, #tpu.memory_space<hbm>>
    %dma_wait3A_16 = tpu.memref_slice %arg4[%add3A_10] : memref<160000xi32, #tpu.memory_space<hbm>> -> memref<8xi32, #tpu.memory_space<hbm>>
    tpu.wait_dma2 semaphore(%arg15 : memref<!tpu.dma_semaphore, #tpu.memory_space<semaphore_mem>>) src(%dma_wait3A_16 : memref<8xi32, #tpu.memory_space<hbm>>) dst(%arg11 : memref<8xi32, #tpu.memory_space<vmem>>)
    %dma_start3A_17 = arith.constant 0 : i32
    %dma_start3A_18 = arith.constant 0 : i32
    %dma_start3A_19 = tpu.memref_slice %arg2[%dma_start3A_17, %dma_start3A_18] : memref<10000x16xf32, #tpu.memory_space<hbm>> -> memref<10000x16xf32, #tpu.memory_space<hbm>>
    tpu.enqueue_indirect_dma source(%dma_start3A_19 : memref<10000x16xf32, #tpu.memory_space<hbm>>) target(%arg12 : memref<8x16xf32, #tpu.memory_space<vmem>>) offsets(%arg10 : memref<8xi32, #tpu.memory_space<vmem>>) semaphore(%arg14 : memref<!tpu.dma_semaphore, #tpu.memory_space<semaphore_mem>>)
    %dma_start3A_20 = arith.constant 0 : i32
    %dma_start3A_21 = arith.constant 0 : i32
    %dma_start3A_22 = tpu.memref_slice %arg2[%dma_start3A_20, %dma_start3A_21] : memref<10000x16xf32, #tpu.memory_space<hbm>> -> memref<10000x16xf32, #tpu.memory_space<hbm>>
    tpu.enqueue_indirect_dma source(%dma_start3A_22 : memref<10000x16xf32, #tpu.memory_space<hbm>>) target(%arg13 : memref<8x16xf32, #tpu.memory_space<vmem>>) offsets(%arg11 : memref<8xi32, #tpu.memory_space<vmem>>) semaphore(%arg15 : memref<!tpu.dma_semaphore, #tpu.memory_space<semaphore_mem>>)
    %dma_wait3A_23 = arith.constant 0 : i32
    %dma_wait3A_24 = arith.constant 0 : i32
    %dma_wait3A_25 = tpu.memref_slice %arg2[%dma_wait3A_23, %dma_wait3A_24] : memref<10000x16xf32, #tpu.memory_space<hbm>> -> memref<10000x16xf32, #tpu.memory_space<hbm>>
    tpu.wait_indirect_dma semaphore(%arg14 : memref<!tpu.dma_semaphore, #tpu.memory_space<semaphore_mem>>) src(%dma_wait3A_25 : memref<10000x16xf32, #tpu.memory_space<hbm>>) dst(%arg12 : memref<8x16xf32, #tpu.memory_space<vmem>>)
    %dma_wait3A_26 = arith.constant 0 : i32
    %dma_wait3A_27 = arith.constant 0 : i32
    %dma_wait3A_28 = tpu.memref_slice %arg2[%dma_wait3A_26, %dma_wait3A_27] : memref<10000x16xf32, #tpu.memory_space<hbm>> -> memref<10000x16xf32, #tpu.memory_space<hbm>>
    tpu.wait_indirect_dma semaphore(%arg15 : memref<!tpu.dma_semaphore, #tpu.memory_space<semaphore_mem>>) src(%dma_wait3A_28 : memref<10000x16xf32, #tpu.memory_space<hbm>>) dst(%arg13 : memref<8x16xf32, #tpu.memory_space<vmem>>)
    %scan3A_29 = arith.constant 0 : i32
    %scan3A_30 = arith.constant 0 : i32
    %scan3A_31 = arith.constant 8 : i32
    %scan3A_32 = arith.addi %scan3A_30, %scan3A_31 : i32
    %scan3A_33 = arith.constant 1 : i32
    %scan3A_34 = scf.for %scan3A_36 = %scan3A_30 to %scan3A_32 step %scan3A_33 iter_args(%scan3A_37 = %scan3A_29) -> (i32)  : i32 {
      %get3A = arith.index_cast %scan3A_36 : i32 to index
      %get3A_38 = arith.constant 0 : index
      %get3A_39 = tpu.vector_load %arg12[%get3A, %get3A_38] {strides = array<i32>} : memref<8x16xf32, #tpu.memory_space<vmem>>, vector<1x16xf32>,
      %get3A_40 = vector.shape_cast %get3A_39 : vector<1x16xf32> to vector<16xf32>
      %get3A_41 = arith.index_cast %scan3A_36 : i32 to index
      %get3A_42 = arith.constant 0 : index
      %get3A_43 = tpu.vector_load %arg13[%get3A_41, %get3A_42] {strides = array<i32>} : memref<8x16xf32, #tpu.memory_space<vmem>>, vector<1x16xf32>,
      %get3A_44 = vector.shape_cast %get3A_43 : vector<1x16xf32> to vector<16xf32>
      %sub3A = arith.subf %get3A_40, %get3A_44 : vector<16xf32>
      %swap3A = arith.index_cast %scan3A_36 : i32 to index
      %swap3A_45 = arith.constant 0 : index
      %swap3A_46 = tpu.vector_load %arg12[%swap3A, %swap3A_45] {strides = array<i32>} : memref<8x16xf32, #tpu.memory_space<vmem>>, vector<1x16xf32>,
      %swap3A_47 = vector.shape_cast %swap3A_46 : vector<1x16xf32> to vector<16xf32>
      %swap3A_48 = vector.shape_cast %sub3A : vector<16xf32> to vector<1x16xf32>
      tpu.vector_store %arg12[%swap3A, %swap3A_45], %swap3A_48 {strides = array<i32>} : memref<8x16xf32, #tpu.memory_space<vmem>>, vector<1x16xf32>,
      %scan3A_49 = arith.constant 0 : i32
      scf.yield %scan3A_49 : i32
    }
    %scan3A_35 = arith.constant 8 : i32
    "tpu.region"() ({
      %run_scoped3A = tpu.sem_alloc : memref<!tpu.dma_semaphore, #tpu.memory_space<semaphore_mem>>
      %dma_start3A_36 = arith.constant 0 : i32
      %dma_start3A_37 = tpu.memref_slice %arg5[%add3A_10, %dma_start3A_36] : memref<160000x16xf32, #tpu.memory_space<hbm>> -> memref<8x16xf32, #tpu.memory_space<hbm>>
      %dma_start3A_38 = arith.constant 0 : i32
      %dma_start3A_39 = tpu.memref_slice %arg5[%add3A_10, %dma_start3A_38] : memref<160000x16xf32, #tpu.memory_space<hbm>> -> memref<8x16xf32, #tpu.memory_space<hbm>>
      tpu.enqueue_dma source(%arg12 : memref<8x16xf32, #tpu.memory_space<vmem>>) target(%dma_start3A_39 : memref<8x16xf32, #tpu.memory_space<hbm>>) target_semaphore(%run_scoped3A : memref<!tpu.dma_semaphore, #tpu.memory_space<semaphore_mem>>)
      %dma_wait3A_40 = arith.constant 0 : i32
      %dma_wait3A_41 = tpu.memref_slice %arg5[%add3A_10, %dma_wait3A_40] : memref<160000x16xf32, #tpu.memory_space<hbm>> -> memref<8x16xf32, #tpu.memory_space<hbm>>
      %dma_wait3A_42 = arith.constant 0 : i32
      %dma_wait3A_43 = tpu.memref_slice %arg5[%add3A_10, %dma_wait3A_42] : memref<160000x16xf32, #tpu.memory_space<hbm>> -> memref<8x16xf32, #tpu.memory_space<hbm>>
      tpu.wait_dma2 semaphore(%run_scoped3A : memref<!tpu.dma_semaphore, #tpu.memory_space<semaphore_mem>>) src(%arg12 : memref<8x16xf32, #tpu.memory_space<vmem>>) dst(%dma_wait3A_43 : memref<8x16xf32, #tpu.memory_space<hbm>>)
      tpu.yield
    }) : () -> ()
    return
  }
}

#map = affine_map<(d0, d1) -> (0, 0)>
#map1 = affine_map<(d0, d1) -> (0)>
module attributes {stable_mosaic.version = 14 : i64} {
  func.func @body(%arg0: i32, %arg1: i32, %arg2: memref<10000x16xf32, #tpu.memory_space<hbm>>, %arg3: memref<160000xi32, #tpu.memory_space<hbm>>, %arg4: memref<160000xi32, #tpu.memory_space<hbm>>, %arg5: memref<160000x16xf32, #tpu.memory_space<hbm>>, %arg6: memref<20000x16xf32, #tpu.memory_space<hbm>>, %arg7: memref<128xi32, #tpu.memory_space<vmem>>, %arg8: memref<128x16xf32, #tpu.memory_space<vmem>>, %arg9: memref<128x16xf32, #tpu.memory_space<vmem>>, %arg10: memref<8xi32, #tpu.memory_space<vmem>>, %arg11: memref<8x16xf32, #tpu.memory_space<vmem>>, %arg12: memref<8x16xf32, #tpu.memory_space<vmem>>, %arg13: memref<10000x16xf32, #tpu.memory_space<vmem_shared>>, %arg14: memref<!tpu.dma_semaphore, #tpu.memory_space<semaphore_mem>>) attributes {dimension_semantics = [#tpu.dimension_semantics<core_parallel>, #tpu.dimension_semantics<subcore_parallel>], iteration_bounds = array<i64: 2, 16>, scalar_prefetch = 0 : i64, scratch_operands = 8 : i64, tpu.core_type = #tpu.core_type<sc_vector_subcore>, window_params = [{transform_indices = #map}, {transform_indices = #map1}, {transform_indices = #map1}, {transform_indices = #map}, {transform_indices = #map}]} {
    %scan3A = arith.constant 0 : i32
    %scan3A_0 = arith.constant 0 : i32
    %scan3A_1 = arith.constant 128 : i32
    %scan3A_2 = arith.addi %scan3A_0, %scan3A_1 : i32
    %scan3A_3 = arith.constant 1 : i32
    %scan3A_4 = scf.for %scan3A_49 = %scan3A_0 to %scan3A_2 step %scan3A_3 iter_args(%scan3A_50 = %scan3A) -> (i32)  : i32 {
      %broadcast_in_dim3A = arith.constant 0.000000e+00 : f32
      %broadcast_in_dim3A_51 = vector.broadcast %broadcast_in_dim3A : f32 to vector<16xf32>
      %swap3A = arith.index_cast %scan3A_49 : i32 to index
      %swap3A_52 = arith.constant 0 : index
      %swap3A_53 = tpu.vector_load %arg8[%swap3A, %swap3A_52] {strides = array<i32>} : memref<128x16xf32, #tpu.memory_space<vmem>>, vector<1x16xf32>,
      %swap3A_54 = vector.shape_cast %swap3A_53 : vector<1x16xf32> to vector<16xf32>
      %swap3A_55 = vector.shape_cast %broadcast_in_dim3A_51 : vector<16xf32> to vector<1x16xf32>
      tpu.vector_store %arg8[%swap3A, %swap3A_52], %swap3A_55 {strides = array<i32>} : memref<128x16xf32, #tpu.memory_space<vmem>>, vector<1x16xf32>,
      %scan3A_56 = arith.constant 0 : i32
      scf.yield %scan3A_56 : i32
    }
    %scan3A_5 = arith.constant 128 : i32
    %mul3A = arith.constant 625 : i32
    %mul3A_6 = arith.muli %arg1, %mul3A : i32
    %add3A = arith.constant 0 : i32
    %add3A_7 = arith.addi %mul3A_6, %add3A : i32
    "tpu.region"() ({
      %run_scoped3A = tpu.sem_alloc : memref<!tpu.dma_semaphore, #tpu.memory_space<semaphore_mem>>
      %dma_start3A_49 = arith.constant 0 : i32
      %dma_start3A_50 = arith.constant 0 : i32
      %dma_start3A_51 = tpu.memref_slice %arg8[%dma_start3A_49, %dma_start3A_50] : memref<128x16xf32, #tpu.memory_space<vmem>> -> memref<128x16xf32, #tpu.memory_space<vmem>>
      %dma_start3A_52 = arith.constant 0 : i32
      %dma_start3A_53 = tpu.memref_slice %arg13[%add3A_7, %dma_start3A_52] : memref<10000x16xf32, #tpu.memory_space<vmem_shared>> -> memref<128x16xf32, #tpu.memory_space<vmem_shared>>
      %dma_start3A_54 = arith.constant 0 : i32
      %dma_start3A_55 = tpu.memref_slice %arg13[%add3A_7, %dma_start3A_54] : memref<10000x16xf32, #tpu.memory_space<vmem_shared>> -> memref<128x16xf32, #tpu.memory_space<vmem_shared>>
      %dma_start3A_56 = arith.constant 0 : i32
      %dma_start3A_57 = arith.constant 0 : i32
      %dma_start3A_58 = tpu.memref_slice %arg8[%dma_start3A_56, %dma_start3A_57] : memref<128x16xf32, #tpu.memory_space<vmem>> -> memref<128x16xf32, #tpu.memory_space<vmem>>
      tpu.enqueue_dma source(%dma_start3A_58 : memref<128x16xf32, #tpu.memory_space<vmem>>) target(%dma_start3A_55 : memref<128x16xf32, #tpu.memory_space<vmem_shared>>) target_semaphore(%run_scoped3A : memref<!tpu.dma_semaphore, #tpu.memory_space<semaphore_mem>>)
      %dma_wait3A_59 = arith.constant 0 : i32
      %dma_wait3A_60 = arith.constant 0 : i32
      %dma_wait3A_61 = tpu.memref_slice %arg8[%dma_wait3A_59, %dma_wait3A_60] : memref<128x16xf32, #tpu.memory_space<vmem>> -> memref<128x16xf32, #tpu.memory_space<vmem>>
      %dma_wait3A_62 = arith.constant 0 : i32
      %dma_wait3A_63 = tpu.memref_slice %arg13[%add3A_7, %dma_wait3A_62] : memref<10000x16xf32, #tpu.memory_space<vmem_shared>> -> memref<128x16xf32, #tpu.memory_space<vmem_shared>>
      %dma_wait3A_64 = arith.constant 0 : i32
      %dma_wait3A_65 = tpu.memref_slice %arg13[%add3A_7, %dma_wait3A_64] : memref<10000x16xf32, #tpu.memory_space<vmem_shared>> -> memref<128x16xf32, #tpu.memory_space<vmem_shared>>
      %dma_wait3A_66 = arith.constant 0 : i32
      %dma_wait3A_67 = arith.constant 0 : i32
      %dma_wait3A_68 = tpu.memref_slice %arg8[%dma_wait3A_66, %dma_wait3A_67] : memref<128x16xf32, #tpu.memory_space<vmem>> -> memref<128x16xf32, #tpu.memory_space<vmem>>
      tpu.wait_dma2 semaphore(%run_scoped3A : memref<!tpu.dma_semaphore, #tpu.memory_space<semaphore_mem>>) src(%dma_wait3A_68 : memref<128x16xf32, #tpu.memory_space<vmem>>) dst(%dma_wait3A_65 : memref<128x16xf32, #tpu.memory_space<vmem_shared>>)
      tpu.yield
    }) : () -> ()
    %add3A_8 = arith.constant 128 : i32
    %add3A_9 = arith.addi %mul3A_6, %add3A_8 : i32
    "tpu.region"() ({
      %run_scoped3A = tpu.sem_alloc : memref<!tpu.dma_semaphore, #tpu.memory_space<semaphore_mem>>
      %dma_start3A_49 = arith.constant 0 : i32
      %dma_start3A_50 = arith.constant 0 : i32
      %dma_start3A_51 = tpu.memref_slice %arg8[%dma_start3A_49, %dma_start3A_50] : memref<128x16xf32, #tpu.memory_space<vmem>> -> memref<128x16xf32, #tpu.memory_space<vmem>>
      %dma_start3A_52 = arith.constant 0 : i32
      %dma_start3A_53 = tpu.memref_slice %arg13[%add3A_9, %dma_start3A_52] : memref<10000x16xf32, #tpu.memory_space<vmem_shared>> -> memref<128x16xf32, #tpu.memory_space<vmem_shared>>
      %dma_start3A_54 = arith.constant 0 : i32
      %dma_start3A_55 = tpu.memref_slice %arg13[%add3A_9, %dma_start3A_54] : memref<10000x16xf32, #tpu.memory_space<vmem_shared>> -> memref<128x16xf32, #tpu.memory_space<vmem_shared>>
      %dma_start3A_56 = arith.constant 0 : i32
      %dma_start3A_57 = arith.constant 0 : i32
      %dma_start3A_58 = tpu.memref_slice %arg8[%dma_start3A_56, %dma_start3A_57] : memref<128x16xf32, #tpu.memory_space<vmem>> -> memref<128x16xf32, #tpu.memory_space<vmem>>
      tpu.enqueue_dma source(%dma_start3A_58 : memref<128x16xf32, #tpu.memory_space<vmem>>) target(%dma_start3A_55 : memref<128x16xf32, #tpu.memory_space<vmem_shared>>) target_semaphore(%run_scoped3A : memref<!tpu.dma_semaphore, #tpu.memory_space<semaphore_mem>>)
      %dma_wait3A_59 = arith.constant 0 : i32
      %dma_wait3A_60 = arith.constant 0 : i32
      %dma_wait3A_61 = tpu.memref_slice %arg8[%dma_wait3A_59, %dma_wait3A_60] : memref<128x16xf32, #tpu.memory_space<vmem>> -> memref<128x16xf32, #tpu.memory_space<vmem>>
      %dma_wait3A_62 = arith.constant 0 : i32
      %dma_wait3A_63 = tpu.memref_slice %arg13[%add3A_9, %dma_wait3A_62] : memref<10000x16xf32, #tpu.memory_space<vmem_shared>> -> memref<128x16xf32, #tpu.memory_space<vmem_shared>>
      %dma_wait3A_64 = arith.constant 0 : i32
      %dma_wait3A_65 = tpu.memref_slice %arg13[%add3A_9, %dma_wait3A_64] : memref<10000x16xf32, #tpu.memory_space<vmem_shared>> -> memref<128x16xf32, #tpu.memory_space<vmem_shared>>
      %dma_wait3A_66 = arith.constant 0 : i32
      %dma_wait3A_67 = arith.constant 0 : i32
      %dma_wait3A_68 = tpu.memref_slice %arg8[%dma_wait3A_66, %dma_wait3A_67] : memref<128x16xf32, #tpu.memory_space<vmem>> -> memref<128x16xf32, #tpu.memory_space<vmem>>
      tpu.wait_dma2 semaphore(%run_scoped3A : memref<!tpu.dma_semaphore, #tpu.memory_space<semaphore_mem>>) src(%dma_wait3A_68 : memref<128x16xf32, #tpu.memory_space<vmem>>) dst(%dma_wait3A_65 : memref<128x16xf32, #tpu.memory_space<vmem_shared>>)
      tpu.yield
    }) : () -> ()
    %add3A_10 = arith.constant 256 : i32
    %add3A_11 = arith.addi %mul3A_6, %add3A_10 : i32
    "tpu.region"() ({
      %run_scoped3A = tpu.sem_alloc : memref<!tpu.dma_semaphore, #tpu.memory_space<semaphore_mem>>
      %dma_start3A_49 = arith.constant 0 : i32
      %dma_start3A_50 = arith.constant 0 : i32
      %dma_start3A_51 = tpu.memref_slice %arg8[%dma_start3A_49, %dma_start3A_50] : memref<128x16xf32, #tpu.memory_space<vmem>> -> memref<128x16xf32, #tpu.memory_space<vmem>>
      %dma_start3A_52 = arith.constant 0 : i32
      %dma_start3A_53 = tpu.memref_slice %arg13[%add3A_11, %dma_start3A_52] : memref<10000x16xf32, #tpu.memory_space<vmem_shared>> -> memref<128x16xf32, #tpu.memory_space<vmem_shared>>
      %dma_start3A_54 = arith.constant 0 : i32
      %dma_start3A_55 = tpu.memref_slice %arg13[%add3A_11, %dma_start3A_54] : memref<10000x16xf32, #tpu.memory_space<vmem_shared>> -> memref<128x16xf32, #tpu.memory_space<vmem_shared>>
      %dma_start3A_56 = arith.constant 0 : i32
      %dma_start3A_57 = arith.constant 0 : i32
      %dma_start3A_58 = tpu.memref_slice %arg8[%dma_start3A_56, %dma_start3A_57] : memref<128x16xf32, #tpu.memory_space<vmem>> -> memref<128x16xf32, #tpu.memory_space<vmem>>
      tpu.enqueue_dma source(%dma_start3A_58 : memref<128x16xf32, #tpu.memory_space<vmem>>) target(%dma_start3A_55 : memref<128x16xf32, #tpu.memory_space<vmem_shared>>) target_semaphore(%run_scoped3A : memref<!tpu.dma_semaphore, #tpu.memory_space<semaphore_mem>>)
      %dma_wait3A_59 = arith.constant 0 : i32
      %dma_wait3A_60 = arith.constant 0 : i32
      %dma_wait3A_61 = tpu.memref_slice %arg8[%dma_wait3A_59, %dma_wait3A_60] : memref<128x16xf32, #tpu.memory_space<vmem>> -> memref<128x16xf32, #tpu.memory_space<vmem>>
      %dma_wait3A_62 = arith.constant 0 : i32
      %dma_wait3A_63 = tpu.memref_slice %arg13[%add3A_11, %dma_wait3A_62] : memref<10000x16xf32, #tpu.memory_space<vmem_shared>> -> memref<128x16xf32, #tpu.memory_space<vmem_shared>>
      %dma_wait3A_64 = arith.constant 0 : i32
      %dma_wait3A_65 = tpu.memref_slice %arg13[%add3A_11, %dma_wait3A_64] : memref<10000x16xf32, #tpu.memory_space<vmem_shared>> -> memref<128x16xf32, #tpu.memory_space<vmem_shared>>
      %dma_wait3A_66 = arith.constant 0 : i32
      %dma_wait3A_67 = arith.constant 0 : i32
      %dma_wait3A_68 = tpu.memref_slice %arg8[%dma_wait3A_66, %dma_wait3A_67] : memref<128x16xf32, #tpu.memory_space<vmem>> -> memref<128x16xf32, #tpu.memory_space<vmem>>
      tpu.wait_dma2 semaphore(%run_scoped3A : memref<!tpu.dma_semaphore, #tpu.memory_space<semaphore_mem>>) src(%dma_wait3A_68 : memref<128x16xf32, #tpu.memory_space<vmem>>) dst(%dma_wait3A_65 : memref<128x16xf32, #tpu.memory_space<vmem_shared>>)
      tpu.yield
    }) : () -> ()
    %add3A_12 = arith.constant 384 : i32
    %add3A_13 = arith.addi %mul3A_6, %add3A_12 : i32
    "tpu.region"() ({
      %run_scoped3A = tpu.sem_alloc : memref<!tpu.dma_semaphore, #tpu.memory_space<semaphore_mem>>
      %dma_start3A_49 = arith.constant 0 : i32
      %dma_start3A_50 = arith.constant 0 : i32
      %dma_start3A_51 = tpu.memref_slice %arg8[%dma_start3A_49, %dma_start3A_50] : memref<128x16xf32, #tpu.memory_space<vmem>> -> memref<128x16xf32, #tpu.memory_space<vmem>>
      %dma_start3A_52 = arith.constant 0 : i32
      %dma_start3A_53 = tpu.memref_slice %arg13[%add3A_13, %dma_start3A_52] : memref<10000x16xf32, #tpu.memory_space<vmem_shared>> -> memref<128x16xf32, #tpu.memory_space<vmem_shared>>
      %dma_start3A_54 = arith.constant 0 : i32
      %dma_start3A_55 = tpu.memref_slice %arg13[%add3A_13, %dma_start3A_54] : memref<10000x16xf32, #tpu.memory_space<vmem_shared>> -> memref<128x16xf32, #tpu.memory_space<vmem_shared>>
      %dma_start3A_56 = arith.constant 0 : i32
      %dma_start3A_57 = arith.constant 0 : i32
      %dma_start3A_58 = tpu.memref_slice %arg8[%dma_start3A_56, %dma_start3A_57] : memref<128x16xf32, #tpu.memory_space<vmem>> -> memref<128x16xf32, #tpu.memory_space<vmem>>
      tpu.enqueue_dma source(%dma_start3A_58 : memref<128x16xf32, #tpu.memory_space<vmem>>) target(%dma_start3A_55 : memref<128x16xf32, #tpu.memory_space<vmem_shared>>) target_semaphore(%run_scoped3A : memref<!tpu.dma_semaphore, #tpu.memory_space<semaphore_mem>>)
      %dma_wait3A_59 = arith.constant 0 : i32
      %dma_wait3A_60 = arith.constant 0 : i32
      %dma_wait3A_61 = tpu.memref_slice %arg8[%dma_wait3A_59, %dma_wait3A_60] : memref<128x16xf32, #tpu.memory_space<vmem>> -> memref<128x16xf32, #tpu.memory_space<vmem>>
      %dma_wait3A_62 = arith.constant 0 : i32
      %dma_wait3A_63 = tpu.memref_slice %arg13[%add3A_13, %dma_wait3A_62] : memref<10000x16xf32, #tpu.memory_space<vmem_shared>> -> memref<128x16xf32, #tpu.memory_space<vmem_shared>>
      %dma_wait3A_64 = arith.constant 0 : i32
      %dma_wait3A_65 = tpu.memref_slice %arg13[%add3A_13, %dma_wait3A_64] : memref<10000x16xf32, #tpu.memory_space<vmem_shared>> -> memref<128x16xf32, #tpu.memory_space<vmem_shared>>
      %dma_wait3A_66 = arith.constant 0 : i32
      %dma_wait3A_67 = arith.constant 0 : i32
      %dma_wait3A_68 = tpu.memref_slice %arg8[%dma_wait3A_66, %dma_wait3A_67] : memref<128x16xf32, #tpu.memory_space<vmem>> -> memref<128x16xf32, #tpu.memory_space<vmem>>
      tpu.wait_dma2 semaphore(%run_scoped3A : memref<!tpu.dma_semaphore, #tpu.memory_space<semaphore_mem>>) src(%dma_wait3A_68 : memref<128x16xf32, #tpu.memory_space<vmem>>) dst(%dma_wait3A_65 : memref<128x16xf32, #tpu.memory_space<vmem_shared>>)
      tpu.yield
    }) : () -> ()
    %add3A_14 = arith.constant 512 : i32
    %add3A_15 = arith.addi %mul3A_6, %add3A_14 : i32
    "tpu.region"() ({
      %run_scoped3A = tpu.sem_alloc : memref<!tpu.dma_semaphore, #tpu.memory_space<semaphore_mem>>
      %dma_start3A_49 = arith.constant 0 : i32
      %dma_start3A_50 = arith.constant 0 : i32
      %dma_start3A_51 = tpu.memref_slice %arg8[%dma_start3A_49, %dma_start3A_50] : memref<128x16xf32, #tpu.memory_space<vmem>> -> memref<113x16xf32, #tpu.memory_space<vmem>>
      %dma_start3A_52 = arith.constant 0 : i32
      %dma_start3A_53 = tpu.memref_slice %arg13[%add3A_15, %dma_start3A_52] : memref<10000x16xf32, #tpu.memory_space<vmem_shared>> -> memref<113x16xf32, #tpu.memory_space<vmem_shared>>
      %dma_start3A_54 = arith.constant 0 : i32
      %dma_start3A_55 = tpu.memref_slice %arg13[%add3A_15, %dma_start3A_54] : memref<10000x16xf32, #tpu.memory_space<vmem_shared>> -> memref<113x16xf32, #tpu.memory_space<vmem_shared>>
      %dma_start3A_56 = arith.constant 0 : i32
      %dma_start3A_57 = arith.constant 0 : i32
      %dma_start3A_58 = tpu.memref_slice %arg8[%dma_start3A_56, %dma_start3A_57] : memref<128x16xf32, #tpu.memory_space<vmem>> -> memref<113x16xf32, #tpu.memory_space<vmem>>
      tpu.enqueue_dma source(%dma_start3A_58 : memref<113x16xf32, #tpu.memory_space<vmem>>) target(%dma_start3A_55 : memref<113x16xf32, #tpu.memory_space<vmem_shared>>) target_semaphore(%run_scoped3A : memref<!tpu.dma_semaphore, #tpu.memory_space<semaphore_mem>>)
      %dma_wait3A_59 = arith.constant 0 : i32
      %dma_wait3A_60 = arith.constant 0 : i32
      %dma_wait3A_61 = tpu.memref_slice %arg8[%dma_wait3A_59, %dma_wait3A_60] : memref<128x16xf32, #tpu.memory_space<vmem>> -> memref<113x16xf32, #tpu.memory_space<vmem>>
      %dma_wait3A_62 = arith.constant 0 : i32
      %dma_wait3A_63 = tpu.memref_slice %arg13[%add3A_15, %dma_wait3A_62] : memref<10000x16xf32, #tpu.memory_space<vmem_shared>> -> memref<113x16xf32, #tpu.memory_space<vmem_shared>>
      %dma_wait3A_64 = arith.constant 0 : i32
      %dma_wait3A_65 = tpu.memref_slice %arg13[%add3A_15, %dma_wait3A_64] : memref<10000x16xf32, #tpu.memory_space<vmem_shared>> -> memref<113x16xf32, #tpu.memory_space<vmem_shared>>
      %dma_wait3A_66 = arith.constant 0 : i32
      %dma_wait3A_67 = arith.constant 0 : i32
      %dma_wait3A_68 = tpu.memref_slice %arg8[%dma_wait3A_66, %dma_wait3A_67] : memref<128x16xf32, #tpu.memory_space<vmem>> -> memref<113x16xf32, #tpu.memory_space<vmem>>
      tpu.wait_dma2 semaphore(%run_scoped3A : memref<!tpu.dma_semaphore, #tpu.memory_space<semaphore_mem>>) src(%dma_wait3A_68 : memref<113x16xf32, #tpu.memory_space<vmem>>) dst(%dma_wait3A_65 : memref<113x16xf32, #tpu.memory_space<vmem_shared>>)
      tpu.yield
    }) : () -> ()
    %barrier3A = arith.constant 0 : index
    tpu.barrier barrier_id(%barrier3A)
    %mul3A_16 = arith.constant 16 : i32
    %mul3A_17 = arith.muli %arg0, %mul3A_16 : i32
    %add3A_18 = arith.addi %mul3A_17, %arg1 : i32
    %mul3A_19 = arith.constant 5000 : i32
    %mul3A_20 = arith.muli %add3A_18, %mul3A_19 : i32
    %scan3A_21 = arith.constant 0 : i32
    %scan3A_22 = arith.constant 0 : i32
    %scan3A_23 = arith.constant 39 : i32
    %scan3A_24 = arith.addi %scan3A_22, %scan3A_23 : i32
    %scan3A_25 = arith.constant 1 : i32
    %scan3A_26 = scf.for %scan3A_49 = %scan3A_22 to %scan3A_24 step %scan3A_25 iter_args(%scan3A_50 = %scan3A_21) -> (i32)  : i32 {
      %mul3A_51 = arith.constant 128 : i32
      %mul3A_52 = arith.muli %scan3A_49, %mul3A_51 : i32
      %add3A_53 = arith.addi %mul3A_20, %mul3A_52 : i32
      "tpu.region"() ({
        %run_scoped3A = tpu.sem_alloc : memref<!tpu.dma_semaphore, #tpu.memory_space<semaphore_mem>>
        %dma_start3A_68 = tpu.memref_slice %arg3[%add3A_53] : memref<160000xi32, #tpu.memory_space<hbm>> -> memref<128xi32, #tpu.memory_space<hbm>>
        %dma_start3A_69 = tpu.memref_slice %arg3[%add3A_53] : memref<160000xi32, #tpu.memory_space<hbm>> -> memref<128xi32, #tpu.memory_space<hbm>>
        tpu.enqueue_dma source(%dma_start3A_69 : memref<128xi32, #tpu.memory_space<hbm>>) target(%arg7 : memref<128xi32, #tpu.memory_space<vmem>>) target_semaphore(%run_scoped3A : memref<!tpu.dma_semaphore, #tpu.memory_space<semaphore_mem>>)
        %dma_wait3A_70 = tpu.memref_slice %arg3[%add3A_53] : memref<160000xi32, #tpu.memory_space<hbm>> -> memref<128xi32, #tpu.memory_space<hbm>>
        %dma_wait3A_71 = tpu.memref_slice %arg3[%add3A_53] : memref<160000xi32, #tpu.memory_space<hbm>> -> memref<128xi32, #tpu.memory_space<hbm>>
        tpu.wait_dma2 semaphore(%run_scoped3A : memref<!tpu.dma_semaphore, #tpu.memory_space<semaphore_mem>>) src(%dma_wait3A_71 : memref<128xi32, #tpu.memory_space<hbm>>) dst(%arg7 : memref<128xi32, #tpu.memory_space<vmem>>)
        tpu.yield
      }) : () -> ()
      %dma_start3A_54 = arith.constant 0 : i32
      %dma_start3A_55 = arith.constant 0 : i32
      %dma_start3A_56 = tpu.memref_slice %arg2[%dma_start3A_54, %dma_start3A_55] : memref<10000x16xf32, #tpu.memory_space<hbm>> -> memref<10000x16xf32, #tpu.memory_space<hbm>>
      tpu.enqueue_indirect_dma source(%dma_start3A_56 : memref<10000x16xf32, #tpu.memory_space<hbm>>) target(%arg8 : memref<128x16xf32, #tpu.memory_space<vmem>>) offsets(%arg7 : memref<128xi32, #tpu.memory_space<vmem>>) semaphore(%arg14 : memref<!tpu.dma_semaphore, #tpu.memory_space<semaphore_mem>>)
      %dma_wait3A_57 = arith.constant 0 : i32
      %dma_wait3A_58 = arith.constant 0 : i32
      %dma_wait3A_59 = tpu.memref_slice %arg2[%dma_wait3A_57, %dma_wait3A_58] : memref<10000x16xf32, #tpu.memory_space<hbm>> -> memref<10000x16xf32, #tpu.memory_space<hbm>>
      tpu.wait_indirect_dma semaphore(%arg14 : memref<!tpu.dma_semaphore, #tpu.memory_space<semaphore_mem>>) src(%dma_wait3A_59 : memref<10000x16xf32, #tpu.memory_space<hbm>>) dst(%arg8 : memref<128x16xf32, #tpu.memory_space<vmem>>)
      "tpu.region"() ({
        %run_scoped3A = tpu.sem_alloc : memref<!tpu.dma_semaphore, #tpu.memory_space<semaphore_mem>>
        %dma_start3A_68 = arith.constant 0 : i32
        %dma_start3A_69 = tpu.memref_slice %arg5[%add3A_53, %dma_start3A_68] : memref<160000x16xf32, #tpu.memory_space<hbm>> -> memref<128x16xf32, #tpu.memory_space<hbm>>
        %dma_start3A_70 = arith.constant 0 : i32
        %dma_start3A_71 = tpu.memref_slice %arg5[%add3A_53, %dma_start3A_70] : memref<160000x16xf32, #tpu.memory_space<hbm>> -> memref<128x16xf32, #tpu.memory_space<hbm>>
        tpu.enqueue_dma source(%dma_start3A_71 : memref<128x16xf32, #tpu.memory_space<hbm>>) target(%arg9 : memref<128x16xf32, #tpu.memory_space<vmem>>) target_semaphore(%run_scoped3A : memref<!tpu.dma_semaphore, #tpu.memory_space<semaphore_mem>>)
        %dma_wait3A_72 = arith.constant 0 : i32
        %dma_wait3A_73 = tpu.memref_slice %arg5[%add3A_53, %dma_wait3A_72] : memref<160000x16xf32, #tpu.memory_space<hbm>> -> memref<128x16xf32, #tpu.memory_space<hbm>>
        %dma_wait3A_74 = arith.constant 0 : i32
        %dma_wait3A_75 = tpu.memref_slice %arg5[%add3A_53, %dma_wait3A_74] : memref<160000x16xf32, #tpu.memory_space<hbm>> -> memref<128x16xf32, #tpu.memory_space<hbm>>
        tpu.wait_dma2 semaphore(%run_scoped3A : memref<!tpu.dma_semaphore, #tpu.memory_space<semaphore_mem>>) src(%dma_wait3A_75 : memref<128x16xf32, #tpu.memory_space<hbm>>) dst(%arg9 : memref<128x16xf32, #tpu.memory_space<vmem>>)
        tpu.yield
      }) : () -> ()
      %scan3A_60 = arith.constant 0 : i32
      %scan3A_61 = arith.constant 0 : i32
      %scan3A_62 = arith.constant 128 : i32
      %scan3A_63 = arith.addi %scan3A_61, %scan3A_62 : i32
      %scan3A_64 = arith.constant 1 : i32
      %scan3A_65 = scf.for %scan3A_68 = %scan3A_61 to %scan3A_63 step %scan3A_64 iter_args(%scan3A_69 = %scan3A_60) -> (i32)  : i32 {
        %get3A = arith.index_cast %scan3A_68 : i32 to index
        %get3A_70 = arith.constant 0 : index
        %get3A_71 = tpu.vector_load %arg8[%get3A, %get3A_70] {strides = array<i32>} : memref<128x16xf32, #tpu.memory_space<vmem>>, vector<1x16xf32>,
        %get3A_72 = vector.shape_cast %get3A_71 : vector<1x16xf32> to vector<16xf32>
        %get3A_73 = arith.index_cast %scan3A_68 : i32 to index
        %get3A_74 = arith.constant 0 : index
        %get3A_75 = tpu.vector_load %arg9[%get3A_73, %get3A_74] {strides = array<i32>} : memref<128x16xf32, #tpu.memory_space<vmem>>, vector<1x16xf32>,
        %get3A_76 = vector.shape_cast %get3A_75 : vector<1x16xf32> to vector<16xf32>
        %mul3A_77 = arith.mulf %get3A_72, %get3A_76 : vector<16xf32>
        %swap3A = arith.index_cast %scan3A_68 : i32 to index
        %swap3A_78 = arith.constant 0 : index
        %swap3A_79 = tpu.vector_load %arg8[%swap3A, %swap3A_78] {strides = array<i32>} : memref<128x16xf32, #tpu.memory_space<vmem>>, vector<1x16xf32>,
        %swap3A_80 = vector.shape_cast %swap3A_79 : vector<1x16xf32> to vector<16xf32>
        %swap3A_81 = vector.shape_cast %mul3A_77 : vector<16xf32> to vector<1x16xf32>
        tpu.vector_store %arg8[%swap3A, %swap3A_78], %swap3A_81 {strides = array<i32>} : memref<128x16xf32, #tpu.memory_space<vmem>>, vector<1x16xf32>,
        %scan3A_82 = arith.constant 0 : i32
        scf.yield %scan3A_82 : i32
      }
      %scan3A_66 = arith.constant 128 : i32
      "tpu.region"() ({
        %run_scoped3A = tpu.sem_alloc : memref<!tpu.dma_semaphore, #tpu.memory_space<semaphore_mem>>
        %dma_start3A_68 = tpu.memref_slice %arg4[%add3A_53] : memref<160000xi32, #tpu.memory_space<hbm>> -> memref<128xi32, #tpu.memory_space<hbm>>
        %dma_start3A_69 = tpu.memref_slice %arg4[%add3A_53] : memref<160000xi32, #tpu.memory_space<hbm>> -> memref<128xi32, #tpu.memory_space<hbm>>
        tpu.enqueue_dma source(%dma_start3A_69 : memref<128xi32, #tpu.memory_space<hbm>>) target(%arg7 : memref<128xi32, #tpu.memory_space<vmem>>) target_semaphore(%run_scoped3A : memref<!tpu.dma_semaphore, #tpu.memory_space<semaphore_mem>>)
        %dma_wait3A_70 = tpu.memref_slice %arg4[%add3A_53] : memref<160000xi32, #tpu.memory_space<hbm>> -> memref<128xi32, #tpu.memory_space<hbm>>
        %dma_wait3A_71 = tpu.memref_slice %arg4[%add3A_53] : memref<160000xi32, #tpu.memory_space<hbm>> -> memref<128xi32, #tpu.memory_space<hbm>>
        tpu.wait_dma2 semaphore(%run_scoped3A : memref<!tpu.dma_semaphore, #tpu.memory_space<semaphore_mem>>) src(%dma_wait3A_71 : memref<128xi32, #tpu.memory_space<hbm>>) dst(%arg7 : memref<128xi32, #tpu.memory_space<vmem>>)
        tpu.yield
      }) : () -> ()
      "tpu.region"() ({
        %run_scoped3A = tpu.sem_alloc : memref<!tpu.dma_semaphore, #tpu.memory_space<semaphore_mem>>
        %dma_start3A_68 = arith.constant 0 : i32
        %dma_start3A_69 = arith.constant 0 : i32
        %dma_start3A_70 = tpu.memref_slice %arg13[%dma_start3A_68, %dma_start3A_69] : memref<10000x16xf32, #tpu.memory_space<vmem_shared>> -> memref<10000x16xf32, #tpu.memory_space<vmem_shared>>
        tpu.enqueue_indirect_dma source(%arg8 : memref<128x16xf32, #tpu.memory_space<vmem>>) target(%dma_start3A_70 : memref<10000x16xf32, #tpu.memory_space<vmem_shared>>) offsets(%arg7 : memref<128xi32, #tpu.memory_space<vmem>>) semaphore(%run_scoped3A : memref<!tpu.dma_semaphore, #tpu.memory_space<semaphore_mem>>) {add = true}
        %dma_wait3A_71 = arith.constant 0 : i32
        %dma_wait3A_72 = arith.constant 0 : i32
        %dma_wait3A_73 = tpu.memref_slice %arg13[%dma_wait3A_71, %dma_wait3A_72] : memref<10000x16xf32, #tpu.memory_space<vmem_shared>> -> memref<10000x16xf32, #tpu.memory_space<vmem_shared>>
        tpu.wait_indirect_dma semaphore(%run_scoped3A : memref<!tpu.dma_semaphore, #tpu.memory_space<semaphore_mem>>) src(%arg8 : memref<128x16xf32, #tpu.memory_space<vmem>>) dst(%dma_wait3A_73 : memref<10000x16xf32, #tpu.memory_space<vmem_shared>>)
        tpu.yield
      }) : () -> ()
      %scan3A_67 = arith.constant 0 : i32
      scf.yield %scan3A_67 : i32
    }
    %scan3A_27 = arith.constant 39 : i32
    %add3A_28 = arith.constant 4992 : i32
    %add3A_29 = arith.addi %mul3A_20, %add3A_28 : i32
    "tpu.region"() ({
      %run_scoped3A = tpu.sem_alloc : memref<!tpu.dma_semaphore, #tpu.memory_space<semaphore_mem>>
      %dma_start3A_49 = tpu.memref_slice %arg3[%add3A_29] : memref<160000xi32, #tpu.memory_space<hbm>> -> memref<8xi32, #tpu.memory_space<hbm>>
      %dma_start3A_50 = tpu.memref_slice %arg3[%add3A_29] : memref<160000xi32, #tpu.memory_space<hbm>> -> memref<8xi32, #tpu.memory_space<hbm>>
      tpu.enqueue_dma source(%dma_start3A_50 : memref<8xi32, #tpu.memory_space<hbm>>) target(%arg10 : memref<8xi32, #tpu.memory_space<vmem>>) target_semaphore(%run_scoped3A : memref<!tpu.dma_semaphore, #tpu.memory_space<semaphore_mem>>)
      %dma_wait3A_51 = tpu.memref_slice %arg3[%add3A_29] : memref<160000xi32, #tpu.memory_space<hbm>> -> memref<8xi32, #tpu.memory_space<hbm>>
      %dma_wait3A_52 = tpu.memref_slice %arg3[%add3A_29] : memref<160000xi32, #tpu.memory_space<hbm>> -> memref<8xi32, #tpu.memory_space<hbm>>
      tpu.wait_dma2 semaphore(%run_scoped3A : memref<!tpu.dma_semaphore, #tpu.memory_space<semaphore_mem>>) src(%dma_wait3A_52 : memref<8xi32, #tpu.memory_space<hbm>>) dst(%arg10 : memref<8xi32, #tpu.memory_space<vmem>>)
      tpu.yield
    }) : () -> ()
    %dma_start3A = arith.constant 0 : i32
    %dma_start3A_30 = arith.constant 0 : i32
    %dma_start3A_31 = tpu.memref_slice %arg2[%dma_start3A, %dma_start3A_30] : memref<10000x16xf32, #tpu.memory_space<hbm>> -> memref<10000x16xf32, #tpu.memory_space<hbm>>
    tpu.enqueue_indirect_dma source(%dma_start3A_31 : memref<10000x16xf32, #tpu.memory_space<hbm>>) target(%arg11 : memref<8x16xf32, #tpu.memory_space<vmem>>) offsets(%arg10 : memref<8xi32, #tpu.memory_space<vmem>>) semaphore(%arg14 : memref<!tpu.dma_semaphore, #tpu.memory_space<semaphore_mem>>)
    %dma_wait3A = arith.constant 0 : i32
    %dma_wait3A_32 = arith.constant 0 : i32
    %dma_wait3A_33 = tpu.memref_slice %arg2[%dma_wait3A, %dma_wait3A_32] : memref<10000x16xf32, #tpu.memory_space<hbm>> -> memref<10000x16xf32, #tpu.memory_space<hbm>>
    tpu.wait_indirect_dma semaphore(%arg14 : memref<!tpu.dma_semaphore, #tpu.memory_space<semaphore_mem>>) src(%dma_wait3A_33 : memref<10000x16xf32, #tpu.memory_space<hbm>>) dst(%arg11 : memref<8x16xf32, #tpu.memory_space<vmem>>)
    "tpu.region"() ({
      %run_scoped3A = tpu.sem_alloc : memref<!tpu.dma_semaphore, #tpu.memory_space<semaphore_mem>>
      %dma_start3A_49 = arith.constant 0 : i32
      %dma_start3A_50 = tpu.memref_slice %arg5[%add3A_29, %dma_start3A_49] : memref<160000x16xf32, #tpu.memory_space<hbm>> -> memref<8x16xf32, #tpu.memory_space<hbm>>
      %dma_start3A_51 = arith.constant 0 : i32
      %dma_start3A_52 = tpu.memref_slice %arg5[%add3A_29, %dma_start3A_51] : memref<160000x16xf32, #tpu.memory_space<hbm>> -> memref<8x16xf32, #tpu.memory_space<hbm>>
      tpu.enqueue_dma source(%dma_start3A_52 : memref<8x16xf32, #tpu.memory_space<hbm>>) target(%arg12 : memref<8x16xf32, #tpu.memory_space<vmem>>) target_semaphore(%run_scoped3A : memref<!tpu.dma_semaphore, #tpu.memory_space<semaphore_mem>>)
      %dma_wait3A_53 = arith.constant 0 : i32
      %dma_wait3A_54 = tpu.memref_slice %arg5[%add3A_29, %dma_wait3A_53] : memref<160000x16xf32, #tpu.memory_space<hbm>> -> memref<8x16xf32, #tpu.memory_space<hbm>>
      %dma_wait3A_55 = arith.constant 0 : i32
      %dma_wait3A_56 = tpu.memref_slice %arg5[%add3A_29, %dma_wait3A_55] : memref<160000x16xf32, #tpu.memory_space<hbm>> -> memref<8x16xf32, #tpu.memory_space<hbm>>
      tpu.wait_dma2 semaphore(%run_scoped3A : memref<!tpu.dma_semaphore, #tpu.memory_space<semaphore_mem>>) src(%dma_wait3A_56 : memref<8x16xf32, #tpu.memory_space<hbm>>) dst(%arg12 : memref<8x16xf32, #tpu.memory_space<vmem>>)
      tpu.yield
    }) : () -> ()
    %scan3A_34 = arith.constant 0 : i32
    %scan3A_35 = arith.constant 0 : i32
    %scan3A_36 = arith.constant 8 : i32
    %scan3A_37 = arith.addi %scan3A_35, %scan3A_36 : i32
    %scan3A_38 = arith.constant 1 : i32
    %scan3A_39 = scf.for %scan3A_49 = %scan3A_35 to %scan3A_37 step %scan3A_38 iter_args(%scan3A_50 = %scan3A_34) -> (i32)  : i32 {
      %get3A = arith.index_cast %scan3A_49 : i32 to index
      %get3A_51 = arith.constant 0 : index
      %get3A_52 = tpu.vector_load %arg11[%get3A, %get3A_51] {strides = array<i32>} : memref<8x16xf32, #tpu.memory_space<vmem>>, vector<1x16xf32>,
      %get3A_53 = vector.shape_cast %get3A_52 : vector<1x16xf32> to vector<16xf32>
      %get3A_54 = arith.index_cast %scan3A_49 : i32 to index
      %get3A_55 = arith.constant 0 : index
      %get3A_56 = tpu.vector_load %arg12[%get3A_54, %get3A_55] {strides = array<i32>} : memref<8x16xf32, #tpu.memory_space<vmem>>, vector<1x16xf32>,
      %get3A_57 = vector.shape_cast %get3A_56 : vector<1x16xf32> to vector<16xf32>
      %mul3A_58 = arith.mulf %get3A_53, %get3A_57 : vector<16xf32>
      %swap3A = arith.index_cast %scan3A_49 : i32 to index
      %swap3A_59 = arith.constant 0 : index
      %swap3A_60 = tpu.vector_load %arg11[%swap3A, %swap3A_59] {strides = array<i32>} : memref<8x16xf32, #tpu.memory_space<vmem>>, vector<1x16xf32>,
      %swap3A_61 = vector.shape_cast %swap3A_60 : vector<1x16xf32> to vector<16xf32>
      %swap3A_62 = vector.shape_cast %mul3A_58 : vector<16xf32> to vector<1x16xf32>
      tpu.vector_store %arg11[%swap3A, %swap3A_59], %swap3A_62 {strides = array<i32>} : memref<8x16xf32, #tpu.memory_space<vmem>>, vector<1x16xf32>,
      %scan3A_63 = arith.constant 0 : i32
      scf.yield %scan3A_63 : i32
    }
    %scan3A_40 = arith.constant 8 : i32
    "tpu.region"() ({
      %run_scoped3A = tpu.sem_alloc : memref<!tpu.dma_semaphore, #tpu.memory_space<semaphore_mem>>
      %dma_start3A_49 = tpu.memref_slice %arg4[%add3A_29] : memref<160000xi32, #tpu.memory_space<hbm>> -> memref<8xi32, #tpu.memory_space<hbm>>
      %dma_start3A_50 = tpu.memref_slice %arg4[%add3A_29] : memref<160000xi32, #tpu.memory_space<hbm>> -> memref<8xi32, #tpu.memory_space<hbm>>
      tpu.enqueue_dma source(%dma_start3A_50 : memref<8xi32, #tpu.memory_space<hbm>>) target(%arg10 : memref<8xi32, #tpu.memory_space<vmem>>) target_semaphore(%run_scoped3A : memref<!tpu.dma_semaphore, #tpu.memory_space<semaphore_mem>>)
      %dma_wait3A_51 = tpu.memref_slice %arg4[%add3A_29] : memref<160000xi32, #tpu.memory_space<hbm>> -> memref<8xi32, #tpu.memory_space<hbm>>
      %dma_wait3A_52 = tpu.memref_slice %arg4[%add3A_29] : memref<160000xi32, #tpu.memory_space<hbm>> -> memref<8xi32, #tpu.memory_space<hbm>>
      tpu.wait_dma2 semaphore(%run_scoped3A : memref<!tpu.dma_semaphore, #tpu.memory_space<semaphore_mem>>) src(%dma_wait3A_52 : memref<8xi32, #tpu.memory_space<hbm>>) dst(%arg10 : memref<8xi32, #tpu.memory_space<vmem>>)
      tpu.yield
    }) : () -> ()
    "tpu.region"() ({
      %run_scoped3A = tpu.sem_alloc : memref<!tpu.dma_semaphore, #tpu.memory_space<semaphore_mem>>
      %dma_start3A_49 = arith.constant 0 : i32
      %dma_start3A_50 = arith.constant 0 : i32
      %dma_start3A_51 = tpu.memref_slice %arg13[%dma_start3A_49, %dma_start3A_50] : memref<10000x16xf32, #tpu.memory_space<vmem_shared>> -> memref<10000x16xf32, #tpu.memory_space<vmem_shared>>
      tpu.enqueue_indirect_dma source(%arg11 : memref<8x16xf32, #tpu.memory_space<vmem>>) target(%dma_start3A_51 : memref<10000x16xf32, #tpu.memory_space<vmem_shared>>) offsets(%arg10 : memref<8xi32, #tpu.memory_space<vmem>>) semaphore(%run_scoped3A : memref<!tpu.dma_semaphore, #tpu.memory_space<semaphore_mem>>) {add = true}
      %dma_wait3A_52 = arith.constant 0 : i32
      %dma_wait3A_53 = arith.constant 0 : i32
      %dma_wait3A_54 = tpu.memref_slice %arg13[%dma_wait3A_52, %dma_wait3A_53] : memref<10000x16xf32, #tpu.memory_space<vmem_shared>> -> memref<10000x16xf32, #tpu.memory_space<vmem_shared>>
      tpu.wait_indirect_dma semaphore(%run_scoped3A : memref<!tpu.dma_semaphore, #tpu.memory_space<semaphore_mem>>) src(%arg11 : memref<8x16xf32, #tpu.memory_space<vmem>>) dst(%dma_wait3A_54 : memref<10000x16xf32, #tpu.memory_space<vmem_shared>>)
      tpu.yield
    }) : () -> ()
    %barrier3A_41 = arith.constant 0 : index
    tpu.barrier barrier_id(%barrier3A_41)
    %mul3A_42 = arith.constant 625 : i32
    %mul3A_43 = arith.muli %arg1, %mul3A_42 : i32
    %mul3A_44 = arith.constant 10000 : i32
    %mul3A_45 = arith.muli %arg0, %mul3A_44 : i32
    %mul3A_46 = arith.constant 625 : i32
    %mul3A_47 = arith.muli %arg1, %mul3A_46 : i32
    %add3A_48 = arith.addi %mul3A_45, %mul3A_47 : i32
    "tpu.region"() ({
      %run_scoped3A = tpu.sem_alloc : memref<!tpu.dma_semaphore, #tpu.memory_space<semaphore_mem>>
      %dma_start3A_49 = arith.constant 0 : i32
      %dma_start3A_50 = tpu.memref_slice %arg6[%add3A_48, %dma_start3A_49] : memref<20000x16xf32, #tpu.memory_space<hbm>> -> memref<625x16xf32, #tpu.memory_space<hbm>>
      %dma_start3A_51 = arith.constant 0 : i32
      %dma_start3A_52 = tpu.memref_slice %arg13[%mul3A_43, %dma_start3A_51] : memref<10000x16xf32, #tpu.memory_space<vmem_shared>> -> memref<625x16xf32, #tpu.memory_space<vmem_shared>>
      tpu.enqueue_dma source(%dma_start3A_52 : memref<625x16xf32, #tpu.memory_space<vmem_shared>>) target(%dma_start3A_50 : memref<625x16xf32, #tpu.memory_space<hbm>>) target_semaphore(%run_scoped3A : memref<!tpu.dma_semaphore, #tpu.memory_space<semaphore_mem>>)
      %dma_wait3A_53 = arith.constant 0 : i32
      %dma_wait3A_54 = tpu.memref_slice %arg6[%add3A_48, %dma_wait3A_53] : memref<20000x16xf32, #tpu.memory_space<hbm>> -> memref<625x16xf32, #tpu.memory_space<hbm>>
      %dma_wait3A_55 = arith.constant 0 : i32
      %dma_wait3A_56 = tpu.memref_slice %arg13[%mul3A_43, %dma_wait3A_55] : memref<10000x16xf32, #tpu.memory_space<vmem_shared>> -> memref<625x16xf32, #tpu.memory_space<vmem_shared>>
      tpu.wait_dma2 semaphore(%run_scoped3A : memref<!tpu.dma_semaphore, #tpu.memory_space<semaphore_mem>>) src(%dma_wait3A_56 : memref<625x16xf32, #tpu.memory_space<vmem_shared>>) dst(%dma_wait3A_54 : memref<625x16xf32, #tpu.memory_space<hbm>>)
      tpu.yield
    }) : () -> ()
    return
  }
}

module attributes {stable_mosaic.version = 14 : i64} {
  func.func @_p2_body(%arg0: i32, %arg1: memref<2000x16xf32, #tpu.memory_space<vmem>>, %arg2: memref<3x256xf32, #tpu.memory_space<vmem>>, %arg3: memref<256x160xf32, #tpu.memory_space<vmem>>, %arg4: memref<16x160xf32, #tpu.memory_space<vmem>>, %arg5: memref<3x256xf32, #tpu.memory_space<vmem>>, %arg6: memref<256x3xf32, #tpu.memory_space<vmem>>, %arg7: memref<16x3xf32, #tpu.memory_space<vmem>>, %arg8: memref<16x16xf32, #tpu.memory_space<vmem>>, %arg9: memref<16x16xf32, #tpu.memory_space<vmem>>, %arg10: memref<16x16xf32, #tpu.memory_space<vmem>>, %arg11: memref<3x16xf32, #tpu.memory_space<vmem>>, %arg12: memref<2x16xf32, #tpu.memory_space<vmem>>, %arg13: memref<2000x16xf32, #tpu.memory_space<vmem>>, %arg14: memref<2000x160xbf16, #tpu.memory_space<vmem>>, %arg15: memref<2000x16xf32, #tpu.memory_space<vmem>>) attributes {dimension_semantics = [#tpu.dimension_semantics<arbitrary>], iteration_bounds = array<i64: 80>, scalar_prefetch = 0 : i64, scratch_operands = 0 : i64, tpu.core_type = #tpu.core_type<tc>, window_params = [{transform_indices = @transform_0, window_bounds = array<i64: 2000, 16>}, {pipeline_mode = #tpu.pipeline_mode<synchronous>, transform_indices = @transform_1, window_bounds = array<i64: 3, 256>}, {pipeline_mode = #tpu.pipeline_mode<synchronous>, transform_indices = @transform_2, window_bounds = array<i64: 256, 160>}, {pipeline_mode = #tpu.pipeline_mode<synchronous>, transform_indices = @transform_3, window_bounds = array<i64: 16, 160>}, {pipeline_mode = #tpu.pipeline_mode<synchronous>, transform_indices = @transform_4, window_bounds = array<i64: 3, 256>}, {pipeline_mode = #tpu.pipeline_mode<synchronous>, transform_indices = @transform_5, window_bounds = array<i64: 256, 3>}, {pipeline_mode = #tpu.pipeline_mode<synchronous>, transform_indices = @transform_6, window_bounds = array<i64: 16, 3>}, {pipeline_mode = #tpu.pipeline_mode<synchronous>, transform_indices = @transform_7, window_bounds = array<i64: 16, 16>}, {pipeline_mode = #tpu.pipeline_mode<synchronous>, transform_indices = @transform_8, window_bounds = array<i64: 16, 16>}, {pipeline_mode = #tpu.pipeline_mode<synchronous>, transform_indices = @transform_9, window_bounds = array<i64: 16, 16>}, {pipeline_mode = #tpu.pipeline_mode<synchronous>, transform_indices = @transform_10, window_bounds = array<i64: 3, 16>}, {pipeline_mode = #tpu.pipeline_mode<synchronous>, transform_indices = @transform_11, window_bounds = array<i64: 2, 16>}, {transform_indices = @transform_12, window_bounds = array<i64: 2000, 16>}, {transform_indices = @transform_13, window_bounds = array<i64: 2000, 160>}, {transform_indices = @transform_14, window_bounds = array<i64: 2000, 16>}]} {
    %get3A = arith.constant 0 : index
    %get3A_0 = arith.constant 0 : index
    %get3A_1 = vector.load %arg1[%get3A, %get3A_0] : memref<2000x16xf32, #tpu.memory_space<vmem>>, vector<2000x16xf32>
    %mul3A = arith.mulf %get3A_1, %get3A_1 : vector<2000x16xf32>
    %reduce_sum3A = arith.constant dense<0.000000e+00> : vector<2000xf32>
    %reduce_sum3A_2 = vector.multi_reduction <add>, %mul3A, %reduce_sum3A [1] : vector<2000x16xf32> to vector<2000xf32>
    %broadcast_in_dim3A = vector.shape_cast %reduce_sum3A_2 : vector<2000xf32> to vector<2000x1xf32>
    %add3A = arith.constant 9.99999996E-13 : f32
    %add3A_3 = vector.broadcast %add3A : f32 to vector<2000x1xf32>
    %add3A_4 = arith.addf %broadcast_in_dim3A, %add3A_3 : vector<2000x1xf32>
    %broadcast_in_dim3A_5 = vector.shape_cast %add3A_4 : vector<2000x1xf32> to vector<2000x1xf32>
    %broadcast_in_dim3A_6 = vector.broadcast %broadcast_in_dim3A_5 : vector<2000x1xf32> to vector<2000x16xf32>
    %sqrt3A = math.sqrt %broadcast_in_dim3A_6 : vector<2000x16xf32>
    %div3A = arith.divf %get3A_1, %sqrt3A : vector<2000x16xf32>
    %get3A_7 = arith.constant 0 : index
    %get3A_8 = arith.constant 0 : index
    %get3A_9 = vector.load %arg8[%get3A_7, %get3A_8] : memref<16x16xf32, #tpu.memory_space<vmem>>, vector<16x16xf32>
    %dot_general3A = arith.constant dense<0.000000e+00> : vector<2000x16xf32>
    %dot_general3A_10 = tpu.matmul %div3A, %get3A_9, %dot_general3A {dimension_numbers = #tpu.dot_dimension_numbers<[1], [0], [0], [1], [0, 0, 1, 1], [], []>, precision = #tpu.contract_precision<fp32>, transpose_lhs_hint = false} : vector<2000x16xf32>, vector<16x16xf32>, vector<2000x16xf32> -> vector<2000x16xf32>
    %get3A_11 = arith.constant 0 : index
    %get3A_12 = arith.constant 0 : index
    %get3A_13 = vector.load %arg11[%get3A_11, %get3A_12] : memref<3x16xf32, #tpu.memory_space<vmem>>, vector<1x16xf32>
    %add3A_14 = vector.broadcast %get3A_13 : vector<1x16xf32> to vector<2000x16xf32>
    %add3A_15 = arith.addf %dot_general3A_10, %add3A_14 : vector<2000x16xf32>
    %get3A_16 = arith.constant 0 : index
    %get3A_17 = arith.constant 0 : index
    %get3A_18 = vector.load %arg9[%get3A_16, %get3A_17] : memref<16x16xf32, #tpu.memory_space<vmem>>, vector<16x16xf32>
    %dot_general3A_19 = arith.constant dense<0.000000e+00> : vector<2000x16xf32>
    %dot_general3A_20 = tpu.matmul %div3A, %get3A_18, %dot_general3A_19 {dimension_numbers = #tpu.dot_dimension_numbers<[1], [0], [0], [1], [0, 0, 1, 1], [], []>, precision = #tpu.contract_precision<fp32>, transpose_lhs_hint = false} : vector<2000x16xf32>, vector<16x16xf32>, vector<2000x16xf32> -> vector<2000x16xf32>
    %get3A_21 = arith.constant 1 : index
    %get3A_22 = arith.constant 0 : index
    %get3A_23 = vector.load %arg11[%get3A_21, %get3A_22] : memref<3x16xf32, #tpu.memory_space<vmem>>, vector<1x16xf32>
    %add3A_24 = vector.broadcast %get3A_23 : vector<1x16xf32> to vector<2000x16xf32>
    %add3A_25 = arith.addf %dot_general3A_20, %add3A_24 : vector<2000x16xf32>
    %mul3A_26 = arith.mulf %add3A_15, %add3A_25 : vector<2000x16xf32>
    %get3A_27 = arith.constant 0 : index
    %get3A_28 = arith.constant 0 : index
    %get3A_29 = vector.load %arg10[%get3A_27, %get3A_28] : memref<16x16xf32, #tpu.memory_space<vmem>>, vector<16x16xf32>
    %dot_general3A_30 = arith.constant dense<0.000000e+00> : vector<2000x16xf32>
    %dot_general3A_31 = tpu.matmul %div3A, %get3A_29, %dot_general3A_30 {dimension_numbers = #tpu.dot_dimension_numbers<[1], [0], [0], [1], [0, 0, 1, 1], [], []>, precision = #tpu.contract_precision<fp32>, transpose_lhs_hint = false} : vector<2000x16xf32>, vector<16x16xf32>, vector<2000x16xf32> -> vector<2000x16xf32>
    %get3A_32 = arith.constant 2 : index
    %get3A_33 = arith.constant 0 : index
    %get3A_34 = vector.load %arg11[%get3A_32, %get3A_33] : memref<3x16xf32, #tpu.memory_space<vmem>>, vector<1x16xf32>
    %add3A_35 = vector.broadcast %get3A_34 : vector<1x16xf32> to vector<2000x16xf32>
    %add3A_36 = arith.addf %dot_general3A_31, %add3A_35 : vector<2000x16xf32>
    %mul3A_37 = arith.mulf %mul3A_26, %add3A_36 : vector<2000x16xf32>
    %mul3A_38 = arith.constant 2.000000e+00 : f32
    %mul3A_39 = vector.broadcast %mul3A_38 : f32 to vector<2000x16xf32>
    %mul3A_40 = arith.mulf %mul3A_39, %sqrt3A : vector<2000x16xf32>
    %get3A_41 = arith.constant 0 : index
    %get3A_42 = arith.constant 0 : index
    %get3A_43 = vector.load %arg12[%get3A_41, %get3A_42] : memref<2x16xf32, #tpu.memory_space<vmem>>, vector<1x16xf32>
    %sub3A = vector.broadcast %get3A_43 : vector<1x16xf32> to vector<2000x16xf32>
    %sub3A_44 = arith.subf %mul3A_40, %sub3A : vector<2000x16xf32>
    %abs3A = math.absf %sub3A_44 : vector<2000x16xf32>
    %lt3A = arith.constant 1.000000e+00 : f32
    %lt3A_45 = vector.broadcast %lt3A : f32 to vector<2000x16xf32>
    %lt3A_46 = arith.cmpf olt, %abs3A, %lt3A_45 : vector<2000x16xf32>
    %mul3A_47 = arith.mulf %sub3A_44, %sub3A_44 : vector<2000x16xf32>
    %sub3A_48 = arith.constant 1.000000e+00 : f32
    %sub3A_49 = vector.broadcast %sub3A_48 : f32 to vector<2000x16xf32>
    %sub3A_50 = arith.subf %sub3A_49, %mul3A_47 : vector<2000x16xf32>
    %jit3A = arith.constant 1.000000e+00 : f32
    %broadcast_in_dim3A_51 = vector.broadcast %jit3A : f32 to vector<2000x16xf32>
    %select_n3A = arith.select %lt3A_46, %sub3A_50, %broadcast_in_dim3A_51 : vector<2000x16xi1>, vector<2000x16xf32>
    %div3A_52 = arith.constant -1.000000e+00 : f32
    %div3A_53 = vector.broadcast %div3A_52 : f32 to vector<2000x16xf32>
    %div3A_54 = arith.divf %div3A_53, %select_n3A : vector<2000x16xf32>
    %exp3A = math.exp %div3A_54 : vector<2000x16xf32>
    %jit3A_55 = arith.constant 0.000000e+00 : f32
    %broadcast_in_dim3A_56 = vector.broadcast %jit3A_55 : f32 to vector<2000x16xf32>
    %select_n3A_57 = arith.select %lt3A_46, %exp3A, %broadcast_in_dim3A_56 : vector<2000x16xi1>, vector<2000x16xf32>
    %get3A_58 = arith.constant 1 : index
    %get3A_59 = arith.constant 0 : index
    %get3A_60 = vector.load %arg12[%get3A_58, %get3A_59] : memref<2x16xf32, #tpu.memory_space<vmem>>, vector<1x16xf32>
    %mul3A_61 = vector.broadcast %get3A_60 : vector<1x16xf32> to vector<2000x16xf32>
    %mul3A_62 = arith.mulf %select_n3A_57, %mul3A_61 : vector<2000x16xf32>
    %get3A_63 = arith.constant 0 : index
    %get3A_64 = arith.constant 0 : index
    %get3A_65 = vector.load %arg2[%get3A_63, %get3A_64] : memref<3x256xf32, #tpu.memory_space<vmem>>, vector<3x256xf32>
    %broadcast_in_dim3A_66 = arith.constant 0.000000e+00 : f32
    %broadcast_in_dim3A_67 = vector.broadcast %broadcast_in_dim3A_66 : f32 to vector<13x256xf32>
    %concatenate3A = tpu.concatenate %get3A_65, %broadcast_in_dim3A_67 in 0 : vector<3x256xf32>, vector<13x256xf32> -> vector<16x256xf32>
    %dot_general3A_68 = arith.constant dense<0.000000e+00> : vector<2000x256xf32>
    %dot_general3A_69 = tpu.matmul %mul3A_62, %concatenate3A, %dot_general3A_68 {dimension_numbers = #tpu.dot_dimension_numbers<[1], [0], [0], [1], [0, 0, 1, 1], [], []>, transpose_lhs_hint = false} : vector<2000x16xf32>, vector<16x256xf32>, vector<2000x256xf32> -> vector<2000x256xf32>
    %max3A = arith.constant 0.000000e+00 : f32
    %max3A_70 = vector.broadcast %max3A : f32 to vector<2000x256xf32>
    %max3A_71 = arith.maximumf %dot_general3A_69, %max3A_70 : vector<2000x256xf32>
    %get3A_72 = arith.constant 0 : index
    %get3A_73 = arith.constant 0 : index
    %get3A_74 = vector.load %arg3[%get3A_72, %get3A_73] : memref<256x160xf32, #tpu.memory_space<vmem>>, vector<256x160xf32>
    %dot_general3A_75 = arith.constant dense<0.000000e+00> : vector<2000x160xf32>
    %dot_general3A_76 = tpu.matmul %max3A_71, %get3A_74, %dot_general3A_75 {dimension_numbers = #tpu.dot_dimension_numbers<[1], [0], [0], [1], [0, 0, 1, 1], [], []>, transpose_lhs_hint = false} : vector<2000x256xf32>, vector<256x160xf32>, vector<2000x160xf32> -> vector<2000x160xf32>
    %get3A_77 = arith.constant 0 : index
    %get3A_78 = arith.constant 0 : index
    %get3A_79 = vector.load %arg4[%get3A_77, %get3A_78] : memref<16x160xf32, #tpu.memory_space<vmem>>, vector<16x160xf32>
    %dot_general3A_80 = arith.constant dense<0.000000e+00> : vector<2000x160xf32>
    %dot_general3A_81 = tpu.matmul %mul3A_37, %get3A_79, %dot_general3A_80 {dimension_numbers = #tpu.dot_dimension_numbers<[1], [0], [0], [1], [0, 0, 1, 1], [], []>, transpose_lhs_hint = false} : vector<2000x16xf32>, vector<16x160xf32>, vector<2000x160xf32> -> vector<2000x160xf32>
    %mul3A_82 = arith.mulf %dot_general3A_81, %dot_general3A_76 : vector<2000x160xf32>
    %mul3A_83 = arith.constant 0.512989163 : f32
    %mul3A_84 = vector.broadcast %mul3A_83 : f32 to vector<2000x160xf32>
    %mul3A_85 = arith.mulf %mul3A_82, %mul3A_84 : vector<2000x160xf32>
    %get3A_86 = arith.constant 0 : index
    %get3A_87 = arith.constant 0 : index
    %get3A_88 = vector.load %arg5[%get3A_86, %get3A_87] : memref<3x256xf32, #tpu.memory_space<vmem>>, vector<3x256xf32>
    %broadcast_in_dim3A_89 = arith.constant 0.000000e+00 : f32
    %broadcast_in_dim3A_90 = vector.broadcast %broadcast_in_dim3A_89 : f32 to vector<13x256xf32>
    %concatenate3A_91 = tpu.concatenate %get3A_88, %broadcast_in_dim3A_90 in 0 : vector<3x256xf32>, vector<13x256xf32> -> vector<16x256xf32>
    %dot_general3A_92 = arith.constant dense<0.000000e+00> : vector<2000x256xf32>
    %dot_general3A_93 = tpu.matmul %mul3A_62, %concatenate3A_91, %dot_general3A_92 {dimension_numbers = #tpu.dot_dimension_numbers<[1], [0], [0], [1], [0, 0, 1, 1], [], []>, transpose_lhs_hint = false} : vector<2000x16xf32>, vector<16x256xf32>, vector<2000x256xf32> -> vector<2000x256xf32>
    %max3A_94 = arith.constant 0.000000e+00 : f32
    %max3A_95 = vector.broadcast %max3A_94 : f32 to vector<2000x256xf32>
    %max3A_96 = arith.maximumf %dot_general3A_93, %max3A_95 : vector<2000x256xf32>
    %get3A_97 = arith.constant 0 : index
    %get3A_98 = arith.constant 0 : index
    %get3A_99 = vector.load %arg6[%get3A_97, %get3A_98] : memref<256x3xf32, #tpu.memory_space<vmem>>, vector<256x3xf32>
    %dot_general3A_100 = arith.constant dense<0.000000e+00> : vector<2000x3xf32>
    %dot_general3A_101 = tpu.matmul %max3A_96, %get3A_99, %dot_general3A_100 {dimension_numbers = #tpu.dot_dimension_numbers<[1], [0], [0], [1], [0, 0, 1, 1], [], []>, transpose_lhs_hint = false} : vector<2000x256xf32>, vector<256x3xf32>, vector<2000x3xf32> -> vector<2000x3xf32>
    %get3A_102 = arith.constant 0 : index
    %get3A_103 = arith.constant 0 : index
    %get3A_104 = vector.load %arg7[%get3A_102, %get3A_103] : memref<16x3xf32, #tpu.memory_space<vmem>>, vector<16x3xf32>
    %dot_general3A_105 = arith.constant dense<0.000000e+00> : vector<2000x3xf32>
    %dot_general3A_106 = tpu.matmul %mul3A_37, %get3A_104, %dot_general3A_105 {dimension_numbers = #tpu.dot_dimension_numbers<[1], [0], [0], [1], [0, 0, 1, 1], [], []>, transpose_lhs_hint = false} : vector<2000x16xf32>, vector<16x3xf32>, vector<2000x3xf32> -> vector<2000x3xf32>
    %mul3A_107 = arith.mulf %dot_general3A_106, %dot_general3A_101 : vector<2000x3xf32>
    %swap3A = arith.constant 0 : index
    %swap3A_108 = arith.constant 0 : index
    %swap3A_109 = vector.load %arg13[%swap3A, %swap3A_108] : memref<2000x16xf32, #tpu.memory_space<vmem>>, vector<2000x16xf32>
    tpu.vector_store %arg13[%swap3A, %swap3A_108], %mul3A_37 {strides = array<i32>} : memref<2000x16xf32, #tpu.memory_space<vmem>>, vector<2000x16xf32>,
    %convert_element_type3A = arith.truncf %mul3A_85 : vector<2000x160xf32> to vector<2000x160xbf16>
    %swap3A_110 = arith.constant 0 : index
    %swap3A_111 = arith.constant 0 : index
    %swap3A_112 = vector.load %arg14[%swap3A_110, %swap3A_111] : memref<2000x160xbf16, #tpu.memory_space<vmem>>, vector<2000x160xbf16>
    tpu.vector_store %arg14[%swap3A_110, %swap3A_111], %convert_element_type3A {strides = array<i32>} : memref<2000x160xbf16, #tpu.memory_space<vmem>>, vector<2000x160xbf16>,
    %broadcast_in_dim3A_113 = arith.constant 0.000000e+00 : f32
    %broadcast_in_dim3A_114 = vector.broadcast %broadcast_in_dim3A_113 : f32 to vector<2000x13xf32>
    %concatenate3A_115 = tpu.concatenate %mul3A_107, %broadcast_in_dim3A_114 in 1 : vector<2000x3xf32>, vector<2000x13xf32> -> vector<2000x16xf32>
    %swap3A_116 = arith.constant 0 : index
    %swap3A_117 = arith.constant 0 : index
    %swap3A_118 = vector.load %arg15[%swap3A_116, %swap3A_117] : memref<2000x16xf32, #tpu.memory_space<vmem>>, vector<2000x16xf32>
    tpu.vector_store %arg15[%swap3A_116, %swap3A_117], %concatenate3A_115 {strides = array<i32>} : memref<2000x16xf32, #tpu.memory_space<vmem>>, vector<2000x16xf32>,
    return
  }
  func.func @transform_0(%arg0: i32) -> (i32, i32) {
    %c0_i32 = arith.constant 0 : i32
    %c0_i32_0 = arith.constant 0 : i32
    return %arg0, %c0_i32 : i32, i32
  }
  func.func @transform_1(%arg0: i32) -> (i32, i32) {
    %c0_i32 = arith.constant 0 : i32
    %c0_i32_0 = arith.constant 0 : i32
    %c0_i32_1 = arith.constant 0 : i32
    return %c0_i32, %c0_i32_0 : i32, i32
  }
  func.func @transform_2(%arg0: i32) -> (i32, i32) {
    %c0_i32 = arith.constant 0 : i32
    %c0_i32_0 = arith.constant 0 : i32
    %c0_i32_1 = arith.constant 0 : i32
    return %c0_i32, %c0_i32_0 : i32, i32
  }
  func.func @transform_3(%arg0: i32) -> (i32, i32) {
    %c0_i32 = arith.constant 0 : i32
    %c0_i32_0 = arith.constant 0 : i32
    %c0_i32_1 = arith.constant 0 : i32
    return %c0_i32, %c0_i32_0 : i32, i32
  }
  func.func @transform_4(%arg0: i32) -> (i32, i32) {
    %c0_i32 = arith.constant 0 : i32
    %c0_i32_0 = arith.constant 0 : i32
    %c0_i32_1 = arith.constant 0 : i32
    return %c0_i32, %c0_i32_0 : i32, i32
  }
  func.func @transform_5(%arg0: i32) -> (i32, i32) {
    %c0_i32 = arith.constant 0 : i32
    %c0_i32_0 = arith.constant 0 : i32
    %c0_i32_1 = arith.constant 0 : i32
    return %c0_i32, %c0_i32_0 : i32, i32
  }
  func.func @transform_6(%arg0: i32) -> (i32, i32) {
    %c0_i32 = arith.constant 0 : i32
    %c0_i32_0 = arith.constant 0 : i32
    %c0_i32_1 = arith.constant 0 : i32
    return %c0_i32, %c0_i32_0 : i32, i32
  }
  func.func @transform_7(%arg0: i32) -> (i32, i32) {
    %c0_i32 = arith.constant 0 : i32
    %c0_i32_0 = arith.constant 0 : i32
    %c0_i32_1 = arith.constant 0 : i32
    return %c0_i32, %c0_i32_0 : i32, i32
  }
  func.func @transform_8(%arg0: i32) -> (i32, i32) {
    %c0_i32 = arith.constant 0 : i32
    %c0_i32_0 = arith.constant 0 : i32
    %c0_i32_1 = arith.constant 0 : i32
    return %c0_i32, %c0_i32_0 : i32, i32
  }
  func.func @transform_9(%arg0: i32) -> (i32, i32) {
    %c0_i32 = arith.constant 0 : i32
    %c0_i32_0 = arith.constant 0 : i32
    %c0_i32_1 = arith.constant 0 : i32
    return %c0_i32, %c0_i32_0 : i32, i32
  }
  func.func @transform_10(%arg0: i32) -> (i32, i32) {
    %c0_i32 = arith.constant 0 : i32
    %c0_i32_0 = arith.constant 0 : i32
    %c0_i32_1 = arith.constant 0 : i32
    return %c0_i32, %c0_i32_0 : i32, i32
  }
  func.func @transform_11(%arg0: i32) -> (i32, i32) {
    %c0_i32 = arith.constant 0 : i32
    %c0_i32_0 = arith.constant 0 : i32
    %c0_i32_1 = arith.constant 0 : i32
    return %c0_i32, %c0_i32_0 : i32, i32
  }
  func.func @transform_12(%arg0: i32) -> (i32, i32) {
    %c0_i32 = arith.constant 0 : i32
    %c0_i32_0 = arith.constant 0 : i32
    return %arg0, %c0_i32 : i32, i32
  }
  func.func @transform_13(%arg0: i32) -> (i32, i32) {
    %c0_i32 = arith.constant 0 : i32
    %c0_i32_0 = arith.constant 0 : i32
    return %arg0, %c0_i32 : i32, i32
  }
  func.func @transform_14(%arg0: i32) -> (i32, i32) {
    %c0_i32 = arith.constant 0 : i32
    %c0_i32_0 = arith.constant 0 : i32
    return %arg0, %c0_i32 : i32, i32
  }
}

module attributes {stable_mosaic.version = 14 : i64} {
  func.func @_p5_body(%arg0: i32, %arg1: memref<2000x16xf32, #tpu.memory_space<vmem>>, %arg2: memref<2000x16xf32, #tpu.memory_space<vmem>>, %arg3: memref<2000x160xbf16, #tpu.memory_space<vmem>>, %arg4: memref<16x160xf32, #tpu.memory_space<vmem>>, %arg5: memref<2000x160xf32, #tpu.memory_space<vmem>>) attributes {dimension_semantics = [#tpu.dimension_semantics<arbitrary>], iteration_bounds = array<i64: 80>, scalar_prefetch = 0 : i64, scratch_operands = 0 : i64, tpu.core_type = #tpu.core_type<tc>, window_params = [{transform_indices = @transform_0, window_bounds = array<i64: 2000, 16>}, {transform_indices = @transform_1, window_bounds = array<i64: 2000, 16>}, {transform_indices = @transform_2, window_bounds = array<i64: 2000, 160>}, {pipeline_mode = #tpu.pipeline_mode<synchronous>, transform_indices = @transform_3, window_bounds = array<i64: 16, 160>}, {transform_indices = @transform_4, window_bounds = array<i64: 2000, 160>}]} {
    %get3A = arith.constant 0 : index
    %get3A_0 = arith.constant 0 : index
    %get3A_1 = vector.load %arg1[%get3A, %get3A_0] : memref<2000x16xf32, #tpu.memory_space<vmem>>, vector<2000x16xf32>
    %get3A_2 = arith.constant 0 : index
    %get3A_3 = arith.constant 0 : index
    %get3A_4 = vector.load %arg2[%get3A_2, %get3A_3] : memref<2000x16xf32, #tpu.memory_space<vmem>>, vector<2000x16xf32>
    %add3A = arith.addf %get3A_1, %get3A_4 : vector<2000x16xf32>
    %get3A_5 = arith.constant 0 : index
    %get3A_6 = arith.constant 0 : index
    %get3A_7 = vector.load %arg4[%get3A_5, %get3A_6] : memref<16x160xf32, #tpu.memory_space<vmem>>, vector<16x160xf32>
    %dot_general3A = arith.constant dense<0.000000e+00> : vector<2000x160xf32>
    %dot_general3A_8 = tpu.matmul %add3A, %get3A_7, %dot_general3A {dimension_numbers = #tpu.dot_dimension_numbers<[1], [0], [0], [1], [0, 0, 1, 1], [], []>, transpose_lhs_hint = false} : vector<2000x16xf32>, vector<16x160xf32>, vector<2000x160xf32> -> vector<2000x160xf32>
    %get3A_9 = arith.constant 0 : index
    %get3A_10 = arith.constant 0 : index
    %get3A_11 = vector.load %arg3[%get3A_9, %get3A_10] : memref<2000x160xbf16, #tpu.memory_space<vmem>>, vector<2000x160xbf16>
    %convert_element_type3A = arith.extf %get3A_11 : vector<2000x160xbf16> to vector<2000x160xf32>
    %mul3A = arith.mulf %dot_general3A_8, %convert_element_type3A : vector<2000x160xf32>
    %swap3A = arith.constant 0 : index
    %swap3A_12 = arith.constant 0 : index
    %swap3A_13 = vector.load %arg5[%swap3A, %swap3A_12] : memref<2000x160xf32, #tpu.memory_space<vmem>>, vector<2000x160xf32>
    tpu.vector_store %arg5[%swap3A, %swap3A_12], %mul3A {strides = array<i32>} : memref<2000x160xf32, #tpu.memory_space<vmem>>, vector<2000x160xf32>,
    return
  }
  func.func @transform_0(%arg0: i32) -> (i32, i32) {
    %c0_i32 = arith.constant 0 : i32
    %c0_i32_0 = arith.constant 0 : i32
    return %arg0, %c0_i32 : i32, i32
  }
  func.func @transform_1(%arg0: i32) -> (i32, i32) {
    %c0_i32 = arith.constant 0 : i32
    %c0_i32_0 = arith.constant 0 : i32
    return %arg0, %c0_i32 : i32, i32
  }
  func.func @transform_2(%arg0: i32) -> (i32, i32) {
    %c0_i32 = arith.constant 0 : i32
    %c0_i32_0 = arith.constant 0 : i32
    return %arg0, %c0_i32 : i32, i32
  }
  func.func @transform_3(%arg0: i32) -> (i32, i32) {
    %c0_i32 = arith.constant 0 : i32
    %c0_i32_0 = arith.constant 0 : i32
    %c0_i32_1 = arith.constant 0 : i32
    return %c0_i32, %c0_i32_0 : i32, i32
  }
  func.func @transform_4(%arg0: i32) -> (i32, i32) {
    %c0_i32 = arith.constant 0 : i32
    %c0_i32_0 = arith.constant 0 : i32
    return %arg0, %c0_i32 : i32, i32
  }
}

module attributes {stable_mosaic.version = 14 : i64} {
  func.func @_p7_body(%arg0: i32, %arg1: memref<2000x160xf32, #tpu.memory_space<vmem>>, %arg2: memref<2000x160xf32, #tpu.memory_space<vmem>>, %arg3: memref<128x3xf32, #tpu.memory_space<vmem>>, %arg4: memref<2000x16xf32, #tpu.memory_space<vmem>>) attributes {dimension_semantics = [#tpu.dimension_semantics<arbitrary>], iteration_bounds = array<i64: 5>, scalar_prefetch = 0 : i64, scratch_operands = 0 : i64, tpu.core_type = #tpu.core_type<tc>, window_params = [{transform_indices = @transform_0, window_bounds = array<i64: 2000, 160>}, {transform_indices = @transform_1, window_bounds = array<i64: 2000, 160>}, {pipeline_mode = #tpu.pipeline_mode<synchronous>, transform_indices = @transform_2, window_bounds = array<i64: 128, 3>}, {transform_indices = @transform_3, window_bounds = array<i64: 2000, 16>}]} {
    %get3A = arith.constant 0 : index
    %get3A_0 = arith.constant 0 : index
    %get3A_1 = vector.load %arg1[%get3A, %get3A_0] : memref<2000x160xf32, #tpu.memory_space<vmem>>, vector<2000x160xf32>
    %get3A_2 = arith.constant 0 : index
    %get3A_3 = arith.constant 0 : index
    %get3A_4 = vector.load %arg2[%get3A_2, %get3A_3] : memref<2000x160xf32, #tpu.memory_space<vmem>>, vector<2000x160xf32>
    %add3A = arith.addf %get3A_1, %get3A_4 : vector<2000x160xf32>
    %mul3A = arith.constant 0.512989163 : f32
    %mul3A_5 = vector.broadcast %mul3A : f32 to vector<2000x160xf32>
    %mul3A_6 = arith.mulf %add3A, %mul3A_5 : vector<2000x160xf32>
    %slice3A = vector.extract_strided_slice %mul3A_6 {offsets = [0, 0], sizes = [2000, 16], strides = [1, 1]} : vector<2000x160xf32> to vector<2000x16xf32>
    %max3A = arith.constant 0.000000e+00 : f32
    %max3A_7 = vector.broadcast %max3A : f32 to vector<2000x16xf32>
    %max3A_8 = arith.maximumf %slice3A, %max3A_7 : vector<2000x16xf32>
    %slice3A_9 = vector.extract_strided_slice %mul3A_6 {offsets = [0, 16], sizes = [2000, 16], strides = [1, 1]} : vector<2000x160xf32> to vector<2000x16xf32>
    %abs3A = math.absf %slice3A_9 : vector<2000x16xf32>
    %concatenate3A = tpu.concatenate %max3A_8, %abs3A in 1 : vector<2000x16xf32>, vector<2000x16xf32> -> vector<2000x32xf32>
    %slice3A_10 = vector.extract_strided_slice %mul3A_6 {offsets = [0, 32], sizes = [2000, 8], strides = [1, 1]} : vector<2000x160xf32> to vector<2000x8xf32>
    %max3A_11 = arith.constant 0.000000e+00 : f32
    %max3A_12 = vector.broadcast %max3A_11 : f32 to vector<2000x8xf32>
    %max3A_13 = arith.maximumf %slice3A_10, %max3A_12 : vector<2000x8xf32>
    %slice3A_14 = vector.extract_strided_slice %mul3A_6 {offsets = [0, 40], sizes = [2000, 8], strides = [1, 1]} : vector<2000x160xf32> to vector<2000x8xf32>
    %tanh3A = math.tanh %slice3A_14 : vector<2000x8xf32>
    %slice3A_15 = vector.extract_strided_slice %mul3A_6 {offsets = [0, 48], sizes = [2000, 8], strides = [1, 1]} : vector<2000x160xf32> to vector<2000x8xf32>
    %max3A_16 = arith.constant 0.000000e+00 : f32
    %max3A_17 = vector.broadcast %max3A_16 : f32 to vector<2000x8xf32>
    %max3A_18 = arith.maximumf %slice3A_15, %max3A_17 : vector<2000x8xf32>
    %slice3A_19 = vector.extract_strided_slice %mul3A_6 {offsets = [0, 56], sizes = [2000, 8], strides = [1, 1]} : vector<2000x160xf32> to vector<2000x8xf32>
    %tanh3A_20 = math.tanh %slice3A_19 : vector<2000x8xf32>
    %concatenate3A_21 = tpu.concatenate %max3A_13, %tanh3A, %max3A_18, %tanh3A_20 in 1 : vector<2000x8xf32>, vector<2000x8xf32>, vector<2000x8xf32>, vector<2000x8xf32> -> vector<2000x32xf32>
    %iota3A = tpu.iota {dimensions = array<i32: 0>} : vector<32x96xi32>
    %iota3A_22 = tpu.iota {dimensions = array<i32: 1>} : vector<32x96xi32>
    %jit3A = arith.constant 3 : i32
    %div3A = vector.broadcast %jit3A : i32 to vector<32x96xi32>
    %div3A_23 = arith.divsi %iota3A_22, %div3A : vector<32x96xi32>
    %sign3A = arith.constant 0 : i32
    %sign3A_24 = vector.broadcast %sign3A : i32 to vector<32x96xi32>
    %sign3A_25 = arith.cmpi sgt, %iota3A_22, %sign3A_24 : vector<32x96xi32>
    %sign3A_26 = arith.extui %sign3A_25 : vector<32x96xi1> to vector<32x96xi32>
    %sign3A_27 = arith.constant 0 : i32
    %sign3A_28 = vector.broadcast %sign3A_27 : i32 to vector<32x96xi32>
    %sign3A_29 = arith.cmpi slt, %iota3A_22, %sign3A_28 : vector<32x96xi32>
    %sign3A_30 = arith.extui %sign3A_29 : vector<32x96xi1> to vector<32x96xi32>
    %sign3A_31 = arith.subi %sign3A_26, %sign3A_30 : vector<32x96xi32>
    %sign3A_32 = arith.constant 0 : i32
    %sign3A_33 = arith.cmpi sgt, %jit3A, %sign3A_32 : i32
    %sign3A_34 = arith.extui %sign3A_33 : i1 to i32
    %sign3A_35 = arith.constant 0 : i32
    %sign3A_36 = arith.cmpi slt, %jit3A, %sign3A_35 : i32
    %sign3A_37 = arith.extui %sign3A_36 : i1 to i32
    %sign3A_38 = arith.subi %sign3A_34, %sign3A_37 : i32
    %ne3A = vector.broadcast %sign3A_38 : i32 to vector<32x96xi32>
    %ne3A_39 = arith.cmpi ne, %sign3A_31, %ne3A : vector<32x96xi32>
    %rem3A = vector.broadcast %jit3A : i32 to vector<32x96xi32>
    %rem3A_40 = arith.remsi %iota3A_22, %rem3A : vector<32x96xi32>
    %ne3A_41 = arith.constant 0 : i32
    %ne3A_42 = vector.broadcast %ne3A_41 : i32 to vector<32x96xi32>
    %ne3A_43 = arith.cmpi ne, %rem3A_40, %ne3A_42 : vector<32x96xi32>
    %and3A = arith.andi %ne3A_39, %ne3A_43 : vector<32x96xi1>
    %sub3A = arith.constant 1 : i32
    %sub3A_44 = vector.broadcast %sub3A : i32 to vector<32x96xi32>
    %sub3A_45 = arith.subi %div3A_23, %sub3A_44 : vector<32x96xi32>
    %select_n3A = arith.select %and3A, %sub3A_45, %div3A_23 : vector<32x96xi1>, vector<32x96xi32>
    %eq3A = arith.cmpi eq, %select_n3A, %iota3A : vector<32x96xi32>
    %convert_element_type3A = arith.extui %eq3A : vector<32x96xi1> to vector<32x96xi32>
    %convert_element_type3A_46 = arith.sitofp %convert_element_type3A : vector<32x96xi32> to vector<32x96xf32>
    %dot_general3A = arith.constant dense<0.000000e+00> : vector<2000x96xf32>
    %dot_general3A_47 = tpu.matmul %concatenate3A_21, %convert_element_type3A_46, %dot_general3A {dimension_numbers = #tpu.dot_dimension_numbers<[1], [0], [0], [1], [0, 0, 1, 1], [], []>, transpose_lhs_hint = false} : vector<2000x32xf32>, vector<32x96xf32>, vector<2000x96xf32> -> vector<2000x96xf32>
    %slice3A_48 = vector.extract_strided_slice %mul3A_6 {offsets = [0, 64], sizes = [2000, 96], strides = [1, 1]} : vector<2000x160xf32> to vector<2000x96xf32>
    %mul3A_49 = arith.mulf %slice3A_48, %dot_general3A_47 : vector<2000x96xf32>
    %get3A_50 = arith.constant 0 : index
    %get3A_51 = arith.constant 0 : index
    %get3A_52 = vector.load %arg3[%get3A_50, %get3A_51] : memref<128x3xf32, #tpu.memory_space<vmem>>, vector<32x3xf32>
    %dot_general3A_53 = arith.constant dense<0.000000e+00> : vector<2000x3xf32>
    %dot_general3A_54 = tpu.matmul %concatenate3A, %get3A_52, %dot_general3A_53 {dimension_numbers = #tpu.dot_dimension_numbers<[1], [0], [0], [1], [0, 0, 1, 1], [], []>, transpose_lhs_hint = false} : vector<2000x32xf32>, vector<32x3xf32>, vector<2000x3xf32> -> vector<2000x3xf32>
    %get3A_55 = arith.constant 32 : index
    %get3A_56 = arith.constant 0 : index
    %get3A_57 = vector.load %arg3[%get3A_55, %get3A_56] : memref<128x3xf32, #tpu.memory_space<vmem>>, vector<96x3xf32>
    %dot_general3A_58 = arith.constant dense<0.000000e+00> : vector<2000x3xf32>
    %dot_general3A_59 = tpu.matmul %mul3A_49, %get3A_57, %dot_general3A_58 {dimension_numbers = #tpu.dot_dimension_numbers<[1], [0], [0], [1], [0, 0, 1, 1], [], []>, transpose_lhs_hint = false} : vector<2000x96xf32>, vector<96x3xf32>, vector<2000x3xf32> -> vector<2000x3xf32>
    %add3A_60 = arith.addf %dot_general3A_54, %dot_general3A_59 : vector<2000x3xf32>
    %broadcast_in_dim3A = arith.constant 0.000000e+00 : f32
    %broadcast_in_dim3A_61 = vector.broadcast %broadcast_in_dim3A : f32 to vector<2000x13xf32>
    %concatenate3A_62 = tpu.concatenate %add3A_60, %broadcast_in_dim3A_61 in 1 : vector<2000x3xf32>, vector<2000x13xf32> -> vector<2000x16xf32>
    %swap3A = arith.constant 0 : index
    %swap3A_63 = arith.constant 0 : index
    %swap3A_64 = vector.load %arg4[%swap3A, %swap3A_63] : memref<2000x16xf32, #tpu.memory_space<vmem>>, vector<2000x16xf32>
    tpu.vector_store %arg4[%swap3A, %swap3A_63], %concatenate3A_62 {strides = array<i32>} : memref<2000x16xf32, #tpu.memory_space<vmem>>, vector<2000x16xf32>,
    return
  }
  func.func @transform_0(%arg0: i32) -> (i32, i32) {
    %c0_i32 = arith.constant 0 : i32
    %c0_i32_0 = arith.constant 0 : i32
    return %arg0, %c0_i32 : i32, i32
  }
  func.func @transform_1(%arg0: i32) -> (i32, i32) {
    %c0_i32 = arith.constant 0 : i32
    %c0_i32_0 = arith.constant 0 : i32
    return %arg0, %c0_i32 : i32, i32
  }
  func.func @transform_2(%arg0: i32) -> (i32, i32) {
    %c0_i32 = arith.constant 0 : i32
    %c0_i32_0 = arith.constant 0 : i32
    %c0_i32_1 = arith.constant 0 : i32
    return %c0_i32, %c0_i32_0 : i32, i32
  }
  func.func @transform_3(%arg0: i32) -> (i32, i32) {
    %c0_i32 = arith.constant 0 : i32
    %c0_i32_0 = arith.constant 0 : i32
    return %arg0, %c0_i32 : i32, i32
  }
}

module attributes {stable_mosaic.version = 14 : i64} {
  func.func @_p9_body(%arg0: i32, %arg1: memref<2000x16xf32, #tpu.memory_space<vmem>>, %arg2: memref<2000x16xf32, #tpu.memory_space<vmem>>, %arg3: memref<2000x3xf32, #tpu.memory_space<vmem>>) attributes {dimension_semantics = [#tpu.dimension_semantics<arbitrary>], iteration_bounds = array<i64: 5>, scalar_prefetch = 0 : i64, scratch_operands = 0 : i64, tpu.core_type = #tpu.core_type<tc>, window_params = [{transform_indices = @transform_0, window_bounds = array<i64: 2000, 16>}, {transform_indices = @transform_1, window_bounds = array<i64: 2000, 16>}, {transform_indices = @transform_2, window_bounds = array<i64: 2000, 3>}]} {
    %get3A = arith.constant 0 : index
    %get3A_0 = arith.constant 0 : index
    %get3A_1 = vector.load %arg1[%get3A, %get3A_0] : memref<2000x16xf32, #tpu.memory_space<vmem>>, vector<2000x16xf32>
    %get3A_2 = arith.constant 0 : index
    %get3A_3 = arith.constant 0 : index
    %get3A_4 = vector.load %arg2[%get3A_2, %get3A_3] : memref<2000x16xf32, #tpu.memory_space<vmem>>, vector<2000x16xf32>
    %add3A = arith.addf %get3A_1, %get3A_4 : vector<2000x16xf32>
    %mul3A = arith.constant 0.512989163 : f32
    %mul3A_5 = vector.broadcast %mul3A : f32 to vector<2000x16xf32>
    %mul3A_6 = arith.mulf %add3A, %mul3A_5 : vector<2000x16xf32>
    %slice3A = vector.extract_strided_slice %mul3A_6 {offsets = [0, 0], sizes = [2000, 3], strides = [1, 1]} : vector<2000x16xf32> to vector<2000x3xf32>
    %swap3A = arith.constant 0 : index
    %swap3A_7 = arith.constant 0 : index
    %swap3A_8 = vector.load %arg3[%swap3A, %swap3A_7] : memref<2000x3xf32, #tpu.memory_space<vmem>>, vector<2000x3xf32>
    tpu.vector_store %arg3[%swap3A, %swap3A_7], %slice3A {strides = array<i32>} : memref<2000x3xf32, #tpu.memory_space<vmem>>, vector<2000x3xf32>,
    return
  }
  func.func @transform_0(%arg0: i32) -> (i32, i32) {
    %c0_i32 = arith.constant 0 : i32
    %c0_i32_0 = arith.constant 0 : i32
    return %arg0, %c0_i32 : i32, i32
  }
  func.func @transform_1(%arg0: i32) -> (i32, i32) {
    %c0_i32 = arith.constant 0 : i32
    %c0_i32_0 = arith.constant 0 : i32
    return %arg0, %c0_i32 : i32, i32
  }
  func.func @transform_2(%arg0: i32) -> (i32, i32) {
    %c0_i32 = arith.constant 0 : i32
    %c0_i32_0 = arith.constant 0 : i32
    return %arg0, %c0_i32 : i32, i32
  }
}

</mosaic_0001>

<sc_bundles>
// kernel: kernel.10.cloned.1.call-start
scs
__scs_entry_jumppad:
0x0: {  	(pc) =	sbr.rel $0x88, $3  }
0x1: {  	(tag) =	ssettag $0x0;
	lr =	simm.s32 $0x1  }
0x2: {  	[smem:$0x3F96] =	sst lr;
	_ =	strace $0xD0000000  }
0x3: {  	_ = 	snop  }
0x4: {  	_ = 	snop  }
0x5: {  	_ = 	snop  }
0x6: {  	_ = 	snop  }
0x7: {  	_ = 	snop  }
__scs_overlays_trampoline_lowered:
0x8: {  	[smem:$0x3FA5] =	sst s0  }
0x9: {  	[smem:$0x3FA6] =	sst s1  }
0xa: {  	[smem:$0x3FA7] =	sst s2  }
0xb: {  	[smem:$0x3FA8] =	sst s3  }
0xc: {  	[smem:$0x3FA9] =	sst s4  }
0xd: {  	[smem:$0x3FAA] =	sst s5  }
0xe: {  	[smem:$0x3FAB] =	sst s6  }
0xf: {  	[smem:$0x3FAC] =	sst s7  }
0x10: {  	[smem:$0x3FAD] =	sst s8  }
0x11: {  	[smem:$0x3FAE] =	sst s9;
	s0 =	simm.s32 @!p0 $0x0  }
0x12: {  	s1 =	sld [smem:$0x3F94];
	s0 =	simm.s32 @p0 $0x1  }
0x13: {  	[smem:$0x3FAF] =	sst s0;
	s0 =	simm.s32 @!p1 $0x0  }
0x14: {  	s2 =	sld [smem:$0x3F93];
	s0 =	simm.s32 @p1 $0x1  }
0x15: {  	[smem:$0x3FB0] =	sst s0;
	s0 =	simm.s32 @!p2 $0x0  }
0x16: {  	s3 =	sld [smem:$0x3FDB];
	s0 =	simm.s32 @p2 $0x1  }
0x17: {  	s4 =	simm.s32 $0x1BF5;
	[smem:$0x3FB2] =	sst s0  }
0x18: {  	s0 =	sld [smem:$0x3F95];
	_ =	swait.ge [sflag:s4], $0x0  }
0x19: {  	s7 =	sld [smem:$0x3F96]  }
0x1a: {  	s8 =	sadd.s32 $0xFFFFE003, lr  }
0x1b: {  	s9 =	sadd.s32 $0xFFFFFEF7, lr;
	s5 =	simm.s32 $0xFFFFFFFF;
	p2 =	slt.u32 s8, $0xFFFFF086  }
0x1c: {  	p1 =	slt.u32 s9, $0xF7A;
	s5 =	simm.s32 @!p2 $0x0  }
0x1d: {  	s5 =	simm.s32 @p1 $0x1;
	p0 =	seq.s32 s7, s2  }
0x1e: {  	s7 =	smul.u32 @!p0 $0xF7A, s2;
	p2 =	seq.s32 @!p0 s5, $0x0  }
0x1f: {  	s9 =	smul.u32 $0xF7A, s1;
	s8 =	simm.s32 @!p0 $0x1BF5;
	p2 =	por !p2, p0  }
0x20: {  	[sflag:s8] =	ssyncset.s32 @!p0 $0xFFFFF086;
	s6 =	sadd.s32 @!p0 s3, s7;
	s7 =	simm.s32 @!p0 $0x108  }
0x21: {  	s3 =	sadd.s32 s3, s9;
	s6 =	sadd.s32 @!p0 $0x88, s6;
	s7 =	simm.s32 @p2 $0x1082  }
0x22: {  	[simem:s7], [sflag:s8] =	dma.local @!p0 [hbm:s6], $0xF7A  }
0x23: {  	s9 =	sor.u32 $0xD0000000, s2;
	s6 =	simm.s32 $0x108;
	_ =	swait.ge @!p0 [sflag:s8], $0x0  }
0x24: {  	s3 =	sadd.s32 $0x88, s3;
	s6 =	simm.s32 @!p1 $0x1082;
	[sflag:s4] =	ssyncset.s32 $0xFFFFF086  }
0x25: {  	[simem:s6], [sflag:s4] =	dma.local [hbm:s3], $0xF7A  }
0x26: {  	[smem:$0x3F96] =	sst s1;
	(tag) =	ssettag s2;
	_ =	strace s9  }
0x27: {  	s1 =	sld [smem:$0x3FA6]  }
0x28: {  	s2 =	sld [smem:$0x3FA7]  }
0x29: {  	s4 =	sld [smem:$0x3FA9]  }
0x2a: {  	p0 =	seq.s32 s5, $0x0;
	s5 =	sld [smem:$0x3FAA]  }
0x2b: {  	s6 =	sld [smem:$0x3FAB]  }
0x2c: {  	s7 =	sld [smem:$0x3FAC]  }
0x2d: {  	s3 =	simm.s32 $0x108;
	s8 =	sld [smem:$0x3FAD]  }
0x2e: {  	s3 =	simm.s32 @!p0 $0x1082;
	s9 =	sld [smem:$0x3FAE]  }
0x2f: {  	lr =	sadd.s32 s0, s3;
	s0 =	sld [smem:$0x3FA5]  }
0x30: {  	s3 =	sld [smem:$0x3FA8]  }
0x31: {  	[smem:$0x3FB1] =	sst s10  }
0x32: {  	s10 =	sld [smem:$0x3FAF];
	_ =	sdelay $0x3  }
0x33: {  	p0 =	seq.s32 s10, $0x1;
	s10 =	sld [smem:$0x3FB1];
	_ =	sdelay $0x3  }
0x34: {  	[smem:$0x3FB1] =	sst s10  }
0x35: {  	s10 =	sld [smem:$0x3FB0];
	_ =	sdelay $0x3  }
0x36: {  	p1 =	seq.s32 s10, $0x1;
	s10 =	sld [smem:$0x3FB1];
	_ =	sdelay $0x3  }
0x37: {  	[smem:$0x3FB1] =	sst s10  }
0x38: {  	s10 =	sld [smem:$0x3FB2]  }
0x39: {  	_ = 	snop;
	(pc) =	sbr.ind lr, $3  }
0x3a: {  	_ = 	snop  }
0x3b: {  	_ = 	snop  }
0x3c: {  	p2 =	seq.s32 s10, $0x1;
	s10 =	sld [smem:$0x3FB1]  }
0x3d: {  	_ =	shalt  }
0x3e: {  	_ =	shalt  }
0x3f: {  	_ =	shalt  }
0x40: {  	_ =	shalt  }
0x41: {  	_ =	shalt  }
0x42: {  	_ =	shalt  }
0x43: {  	_ =	shalt  }
0x44: {  	_ =	shalt  }
0x45: {  	_ =	shalt  }
0x46: {  	_ =	shalt  }
0x47: {  	_ =	shalt  }
0x48: {  	_ =	shalt  }
0x49: {  	_ =	shalt  }
0x4a: {  	_ =	shalt  }
0x4b: {  	_ =	shalt  }
0x4c: {  	_ =	shalt  }
0x4d: {  	_ =	shalt  }
0x4e: {  	_ =	shalt  }
0x4f: {  	_ =	shalt  }
0x50: {  	_ =	shalt  }
0x51: {  	_ =	shalt  }
0x52: {  	_ =	shalt  }
0x53: {  	_ =	shalt  }
0x54: {  	_ =	shalt  }
0x55: {  	_ =	shalt  }
0x56: {  	_ =	shalt  }
0x57: {  	_ =	shalt  }
0x58: {  	_ =	shalt  }
0x59: {  	_ =	shalt  }
0x5a: {  	_ =	shalt  }
0x5b: {  	_ =	shalt  }
0x5c: {  	_ =	shalt  }
0x5d: {  	_ =	shalt  }
0x5e: {  	_ =	shalt  }
0x5f: {  	_ =	shalt  }
0x60: {  	_ =	shalt  }
0x61: {  	_ =	shalt  }
0x62: {  	_ =	shalt  }
0x63: {  	_ =	shalt  }
0x64: {  	_ =	shalt  }
0x65: {  	_ =	shalt  }
0x66: {  	_ =	shalt  }
0x67: {  	_ =	shalt  }
0x68: {  	_ =	shalt  }
0x69: {  	_ =	shalt  }
0x6a: {  	_ =	shalt  }
0x6b: {  	_ =	shalt  }
0x6c: {  	_ =	shalt  }
0x6d: {  	_ =	shalt  }
0x6e: {  	_ =	shalt  }
0x6f: {  	_ =	shalt  }
0x70: {  	_ =	shalt  }
0x71: {  	_ =	shalt  }
0x72: {  	_ =	shalt  }
0x73: {  	_ =	shalt  }
0x74: {  	_ =	shalt  }
0x75: {  	_ =	shalt  }
0x76: {  	_ =	shalt  }
0x77: {  	_ =	shalt  }
0x78: {  	_ =	shalt  }
0x79: {  	_ =	shalt  }
0x7a: {  	_ =	shalt  }
0x7b: {  	_ =	shalt  }
0x7c: {  	_ =	shalt  }
0x7d: {  	_ =	shalt  }
0x7e: {  	_ =	shalt  }
0x7f: {  	_ =	shalt  }
0x80: {  	_ =	shalt  }
0x81: {  	_ =	shalt  }
0x82: {  	_ =	shalt  }
0x83: {  	_ =	shalt  }
0x84: {  	_ =	shalt  }
0x85: {  	_ =	shalt  }
0x86: {  	_ =	shalt  }
0x87: {  	_ =	shalt  }
.Lfunc_end0:
.L_simem_size_0:
called_computation_lowered:
.L_overlay_start_0:
0x88: {  	s2 =	sld [smem:$0x3FD9]  }
0x89: {  	s3 =	sld [smem:$0x3FFE];
	_ =	sdelay $0x1  }
0x8a: {  	s1 =	srdreg.scid  }
0x8b: {  	s0 =	sand.u32 $0x1, s1  }
0x8c: {  	s17 =	sshll.u32 s0, $0xA;
	s2 =	sadd.s32 s3, s2  }
0x8d: {  	s2 =	sadd.s32 s2, s17  }
0x8e: {  	[smem:$0x3FBD] =	sst s2  }
0x8f: {  	_ = 	snop  }
0x90: {  	s2 =	sld [smem:$0x3FC8]  }
0x91: {  	s18 =	sld [smem:$0x3FC7];
	(tm) =	ssettm $0x1  }
0x92: {  	s4 =	sld [smem:$0x3FFB];
	_ =	sdelay $0x3  }
0x93: {  	_ =	strace s4  }
0x94: {  	s4 =	sld [smem:$0x3FFC];
	_ =	sdelay $0x3  }
0x95: {  	_ =	strace s4  }
0x96: {  	s4 =	sld [smem:$0x3FFD];
	_ =	sdelay $0x3  }
0x97: {  	_ =	strace s4  }
0x98: {  	_ =	strace $0x8FFFFFFF  }
0x99: {  	s19 =	sld [smem:$0x3FDB];
	_ =	sdelay $0x1  }
0x9a: {  	s5 =	simm.s32 $_scs_section_size  }
0x9b: {  	s6 =	simm.s32 $_size__tile_overlayer_lowered;
	s7 =	simm.s32 $_tile_overlayer_lowered  }
0x9c: {  	s22 =	simm.s32 $0x1BFF;
	s21 =	sshll.u32 s7, $0x1;
	s4 =	sadd.s32 s5, s19  }
0x9d: {  	s8 =	simm.s32 $0x0;
	s20 =	sshll.u32 s6, $0x1;
	s6 =	sadd.s32 s21, s4  }
0x9e: {  	[timem:s8], [sflag:s22] =	dma.local [hbm:s6], s20  }
0x9f: {  	_ =	swait.ge [sflag:s22], s20  }
0xa0: {  	s5 =	ssub.s32 $0x0, s20;
	[sflag:s22] =	ssyncset.done $0x0  }
0xa1: {  	[sflag:s22] =	ssyncadd.s32 s5;
	_ =	sdelay $0x1  }
0xa2: {  	s23 =	simm.s32 $0x1B8B  }
0xa3: {  	_ =	swait.ge [sflag:s23], $0x1  }
0xa4: {  	[sflag:s23] =	ssyncset.done $0x0  }
0xa5: {  	s25 =	simm.s32 $0x1B8E;
	s24 =	sld [smem:$0x3FFE];
	[sflag:s23] =	ssyncadd.s32 $0xFFFFFFFF  }
0xa6: {  	s26 =	simm.s32 $execute0_lowered;
	[smem:$0x3FD2] =	sst s25  }
0xa7: {  	s6 =	sshll.u32 s26, $0x1;
	_ =	strace $0x80000046;
	[dreg:$0x1] =	wrdreg $0xFFFFFFFF  }
0xa8: {  	s28 =	simm.s32 $_size_execute0_lowered;
	s4 =	sadd.s32 s4, s6;
	[dreg:$0x0] =	wrdreg $0x0  }
0xa9: {  	s6 =	sshll.u32 s28, $0x1;
	[dreg:$0x2] =	wrdreg s4  }
0xaa: {  	[dreg:$0x3] =	wrdreg s6  }
0xab: {  	[dreg:$0x4] =	wrdreg $0xC0  }
0xac: {  	_ =	task [dreg:s8], $0x5FFFF  }
0xad: {  	[dreg:$0x1] =	wrdreg $0xFFFFFFFF  }
0xae: {  	[dreg:$0x0] =	wrdreg $0x60  }
0xaf: {  	[dreg:$0x2] =	wrdreg s24  }
0xb0: {  	[dreg:$0x3] =	wrdreg s2  }
0xb1: {  	[dreg:$0x4] =	wrdreg s18  }
0xb2: {  	[dreg:$0x5] =	wrdreg $0x9  }
0xb3: {  	_ =	task.clear_ibuf [dreg:s8], $0x6FFFF;
	_ =	strace $0x90000046  }
0xb4: {  	s29 =	simm.s32 $0x9;
	_ =	strace $0x80000048  }
0xb5: {  	_ =	swait.ge [sflag:s29], $0x1  }
0xb6: {  	[sflag:s29] =	ssyncadd.s32 $0xFFFFFFFF  }
0xb7: {  	_ =	strace $0x90000048  }
0xb8: {  	_ =	sfence  }
0xb9: {  	s30 =	sld [smem:$0x0];
	_ =	sdelay $0x2  }
0xba: {  	s31 =	sshll.u32 s1, $0xD;
	s1 =	sshrl.u32 s1, $0x2  }
0xbb: {  	s3 =	sand.u32 $0x4000, s31;
	s1 =	sadd.s32 s1, s30  }
0xbc: {  	s0 =	sor.u32 s3, s0;
	s1 =	sshll.u32 s1, $0x11  }
0xbd: {  	s0 =	sor.u32 s1, s0  }
0xbe: {  	s0 =	sadd.s32 $0x8F2B, s0  }
0xbf: {  	[sflag:s0] =	ssyncadd.remote.s32 $0x1  }
0xc0: {  	_ =	sfence.sel $0xFFFF  }
0xc1: {  	[dreg:$0x0] =	wrdreg $0xFFFFFFFF;
	(pc) =	sbr.abs _section_cstart, $3  }
0xc2: {  	[dreg:$0x1] =	wrdreg $0xFFFFFFFF  }
0xc3: {  	_ =	task.clear_ibuf [dreg:s8], $0x2FFFF;
	_ =	strace $0x9FFFFFFF  }
0xc4: {  	(tm) =	ssettm $0x7FFFFFFF  }
0xc5: {  	_ =	shalt  }
tec
execute0_lowered:
.L_overlay_start_1:
0x0: {  	(tag) =	ssettag $0x1  }
0x1: {  	s7 =	rddreg [dreg:$0x0]  }
0x2: {  	s2 =	rddreg [dreg:$0x1]  }
0x3: {  	s0 =	srdreg.scid;
	s3 =	rddreg [dreg:$0x2]  }
0x4: {  	s1 =	stileid.u32;
	s4 =	simm.s32 $0x0;
	s13 =	simm.s32 $0x1  }
0x5: {  	s14 =	simm.s32 $0x2;
	s15 =	simm.s32 $0x100;
	s16 =	simm.s32 $0x900  }
0x6: {  	s17 =	simm.s32 $0x3;
	s18 =	simm.s32 $0x1100;
	s8 =	sand.u32 $0x1, s0  }
0x7: {  	s19 =	simm.s32 $0x1108;
	s20 =	simm.s32 $0x8;
	s5 =	sshll.u32 s8, $0x4  }
0x8: {  	s21 =	simm.s32 $0x1110;
	s22 =	simm.s32 $0x1190;
	s5 =	sor.u32 s1, s5  }
0x9: {  	s23 =	simm.s32 $0x0;
	s0 =	rddreg [dreg:$0x3];
	s5 =	smul.u32 $0x1388, s5  }
0xa: {  	[smem:$0x7FF] =	sst s4;
	s6 =	sadd.s32 $0x3600, s7;
	s8 =	ssub.s32 $0x2, s8  }
0xb: {  	s7 =	sadd.s32 $0x8600, s7;
	s10 =	sshrl.u32 s8, $0x1;
	s9 =	sadd.s32 $0x1380, s5  }
0xc: {  	_ =	strace $0x80000047;
	s12 =	ssub.s32 s8, s10;
	s11 =	sshrl.u32 s9, $0x3  }
0xd: {  	s31 =	sshll.u32 s9, $0x1;
	s8 =	sadd.s32 s2, s11;
	s9 =	sadd.s32 s3, s11  }
0xe: {  	s10 =	sadd.s32 s7, s31;
	s11 =	smax.u32 s12, $0x1;
	s12 =	simm.s32 $0x80  }
.LBB2_1:
0xf: {  	s24 =	simm.s32 $0x0  }
.LBB2_2:
0x10: {  	s25 =	sshll.u32 s24, $0x7  }
0x11: {  	s25 =	sadd.s32 s5, s25  }
0x12: {  	s26 =	sshrl.u32 s25, $0x3  }
0x13: {  	s29 =	simm.s32 $0x0;
	s28 =	sadd.s32 s2, s26  }
0x14: {  	[tilespmem:s29], [sflag:$0x1] =	stream.linear.gather [hbm4b:s28+s29], $0x80, $0x38;
	[tilespmem:$0x1210] =	vst v63  }
0x15: {  	s26 =	sadd.s32 s3, s26  }
0x16: {  	[tilespmem:s12], [sflag:$0x2] =	stream.linear.gather [hbm4b:s26+s29], $0x80, $0x38;
	[tilespmem:$0x1210] =	vst v63  }
0x17: {  	_ =	swait.ge [sflag:s13], $0x80  }
0x18: {  	[sflag:s13] =	ssyncset.done $0x0  }
0x19: {  	[sflag:s13] =	ssyncadd.s32 $0xFFFFFF80  }
0x1a: {  	_ =	swait.ge [sflag:s14], $0x80  }
0x1b: {  	[sflag:s14] =	ssyncset.done $0x0  }
0x1c: {  	[sflag:s14] =	ssyncadd.s32 $0xFFFFFF80  }
0x1d: {  	[tilespmem:s15], [sflag:$0x1] =	stream.indirect.gather [hbm4b:s6+s12], $0x10, s29, s12, $0xb8;
	[tilespmem:$0x1210] =	vst v63  }
0x1e: {  	_ = 	snop  }
0x1f: {  	[tilespmem:s16], [sflag:$0x2] =	stream.indirect.gather [hbm4b:s6+s12], $0x10, s12, s12, $0xb8;
	[tilespmem:$0x1210] =	vst v63  }
0x20: {  	_ =	swait.ge [sflag:s13], $0x800  }
0x21: {  	[sflag:s13] =	ssyncset.done $0x0  }
0x22: {  	[sflag:s13] =	ssyncadd.s32 $0xFFFFF800  }
0x23: {  	_ =	swait.ge [sflag:s14], $0x800  }
0x24: {  	[sflag:s14] =	ssyncset.done $0x0  }
0x25: {  	s26 =	simm.s32 $0x0;
	[sflag:s14] =	ssyncadd.s32 $0xFFFFF800  }
0x26: {  	s28 =	simm.s32 $0x40;
	v0 =	vld [tilespmem:s26+$0x900]  }
.LBB2_3:
0x27: {  	p0 =	sne.s32 s28, $0x1FC0;
	v1 =	vld [tilespmem:s26+$0x100];
	_ =	sdelay $0x2  }
.Ltmp0:
0x28: {  	(pc) =	sbr.rel @p0 .LBB2_3-.Ltmp0, $4  }
0x29: {  	_ = 	snop  }
0x2a: {  	v1 =	vsub.f32 v1, v0  }
0x2b: {  	s29 =	sshra.s32 s28, $0x2  }
0x2c: {  	s28 =	sadd.s32 $0x40, s28;
	v0 =	vld [tilespmem:s29+$0x900];
	[tilespmem:s26+$0x100] =	vst v1;
	s26 =	smov.u32 s29  }
0x2d: {  	v1 =	vld [tilespmem:s26+$0x100];
	_ =	sdelay $0x4  }
0x2e: {  	s24 =	sadd.s32 $0x1, s24;
	v0 =	vsub.f32 v1, v0  }
0x2f: {  	s25 =	sshll.u32 s25, $0x1;
	p0 =	sne.s32 s24, $0x27  }
.Ltmp1:
0x30: {  	s25 =	sadd.s32 s7, s25;
	[tilespmem:s26+$0x100] =	vst v0;
	(pc) =	sbr.rel @p0 .LBB2_2-.Ltmp1, $4  }
0x31: {  	[hbm4b:s25+s4] =	stream.linear.scatter [tilespmem:s15], [sflag:$0x3], $0x800, $0x38;
	[tilespmem:$0x1210] =	vst v63  }
0x32: {  	_ =	swait.ge [sflag:s17], $0x800  }
0x33: {  	[sflag:s17] =	ssyncset.done $0x0  }
0x34: {  	[sflag:s17] =	ssyncadd.s32 $0xFFFFF800  }
0x35: {  	[tilespmem:s18], [sflag:$0x1] =	stream.linear.gather [hbm4b:s8+s4], $0x8, $0x38;
	[tilespmem:$0x1210] =	vst v63  }
0x36: {  	_ = 	snop  }
0x37: {  	[tilespmem:s19], [sflag:$0x2] =	stream.linear.gather [hbm4b:s9+s4], $0x8, $0x38;
	[tilespmem:$0x1210] =	vst v63  }
0x38: {  	_ =	swait.ge [sflag:s13], $0x8  }
0x39: {  	[sflag:s13] =	ssyncset.done $0x0  }
0x3a: {  	[sflag:s13] =	ssyncadd.s32 $0xFFFFFFF8  }
0x3b: {  	_ =	swait.ge [sflag:s14], $0x8  }
0x3c: {  	[sflag:s14] =	ssyncset.done $0x0  }
0x3d: {  	[sflag:s14] =	ssyncadd.s32 $0xFFFFFFF8  }
0x3e: {  	[tilespmem:s21], [sflag:$0x1] =	stream.indirect.gather [hbm4b:s6+s20], $0x10, s18, s20, $0xb8;
	[tilespmem:$0x1210] =	vst v63  }
0x3f: {  	_ = 	snop  }
0x40: {  	[tilespmem:s22], [sflag:$0x2] =	stream.indirect.gather [hbm4b:s6+s20], $0x10, s19, s20, $0xb8;
	[tilespmem:$0x1210] =	vst v63  }
0x41: {  	_ =	swait.ge [sflag:s13], $0x80  }
0x42: {  	[sflag:s13] =	ssyncset.done $0x0  }
0x43: {  	[sflag:s13] =	ssyncadd.s32 $0xFFFFFF80  }
0x44: {  	_ =	swait.ge [sflag:s14], $0x80  }
0x45: {  	[sflag:s14] =	ssyncset.done $0x0  }
0x46: {  	[sflag:s14] =	ssyncadd.s32 $0xFFFFFF80  }
0x47: {  	v0 =	vld [tilespmem:$0x1110]  }
0x48: {  	v1 =	vld [tilespmem:$0x1190]  }
0x49: {  	v2 =	vld [tilespmem:$0x1120]  }
0x4a: {  	v3 =	vld [tilespmem:$0x11A0]  }
0x4b: {  	v4 =	vld [tilespmem:$0x1130]  }
0x4c: {  	v5 =	vld [tilespmem:$0x11B0]  }
0x4d: {  	v6 =	vld [tilespmem:$0x1140]  }
0x4e: {  	v7 =	vld [tilespmem:$0x11C0]  }
0x4f: {  	v8 =	vld [tilespmem:$0x1150]  }
0x50: {  	v9 =	vld [tilespmem:$0x11D0]  }
0x51: {  	v10 =	vld [tilespmem:$0x1160]  }
0x52: {  	v11 =	vld [tilespmem:$0x11E0]  }
0x53: {  	v12 =	vld [tilespmem:$0x1170]  }
0x54: {  	v55 =	vld [tilespmem:$0x11F0];
	v0 =	vsub.f32 v0, v1  }
0x55: {  	v56 =	vld [tilespmem:$0x1180];
	v2 =	vsub.f32 v2, v3  }
0x56: {  	v58 =	vld [tilespmem:$0x1200];
	v57 =	vsub.f32 v4, v5;
	[tilespmem:$0x1110] =	vst v0  }
0x57: {  	v59 =	vsub.f32 v6, v7;
	[tilespmem:$0x1120] =	vst v2  }
0x58: {  	v60 =	vsub.f32 v8, v9;
	[tilespmem:$0x1130] =	vst v57  }
0x59: {  	v61 =	vsub.f32 v10, v11;
	[tilespmem:$0x1140] =	vst v59  }
0x5a: {  	v62 =	vsub.f32 v12, v55;
	[tilespmem:$0x1150] =	vst v60  }
0x5b: {  	s23 =	sadd.s32 $0x1, s23;
	v63 =	vsub.f32 v56, v58;
	[tilespmem:$0x1160] =	vst v61  }
0x5c: {  	p0 =	sne.s32 s23, s11;
	[tilespmem:$0x1170] =	vst v62  }
.Ltmp2:
0x5d: {  	[tilespmem:$0x1180] =	vst v63;
	(pc) =	sbr.rel @p0 .LBB2_1-.Ltmp2, $4  }
0x5e: {  	[hbm4b:s10+s4] =	stream.linear.scatter [tilespmem:s21], [sflag:$0x3], $0x80, $0x38;
	[tilespmem:$0x1210] =	vst v63  }
0x5f: {  	_ =	swait.ge [sflag:s17], $0x80  }
0x60: {  	[sflag:s17] =	ssyncset.done $0x0  }
0x61: {  	[sflag:s17] =	ssyncadd.s32 $0xFFFFFF80  }
0x62: {  	_ =	sfence.sel $0x180000  }
0x63: {  	[bflag:$0x0] =	sbarrier.arrive $0xFFFF  }
0x64: {  	p0 =	sne.s32 s1, $0x0;
	_ =	strace $0x90000047  }
0x65: {  	s0 =	sadd.s32 @!p0 $0x100000, s0;
	[bflag:$0x2] =	sbarrier.arrive $0xFFFF  }
0x66: {  	[sflag:s0] =	ssyncadd.tile.s32 @!p0 $0x1;
	_ =	shalt  }
.Lfunc_end2:
_tile_overlayer_lowered:
.L_overlay_start_2:
0x67: {  	(tag) =	ssettag $0x2  }
0x68: {  	s0 =	rddreg [dreg:$0x0];
	s2 =	stileid.u32  }
0x69: {  	s1 =	rddreg [dreg:$0x1];
	p0 =	sne.s32 s2, $0x0  }
0x6a: {  	s3 =	rddreg [dreg:$0x2];
	[bflag:$0x3] =	sbarrier.arrive $0xFFFF;
	s2 =	simm.s32 @!p0 $0x1C03  }
0x6b: {  	[timem:s3], [sflag:s2] =	dma.local @!p0 [hbm:s0], s1  }
0x6c: {  	s0 =	simm.s32 @!p0 $0x3  }
0x6d: {  	_ =	swait.ge @!p0 [sflag:s0], s1  }
0x6e: {  	s1 =	ssub.s32 @!p0 $0x0, s1;
	[sflag:s0] =	ssyncset.done @!p0 $0x0  }
0x6f: {  	[sflag:s0] =	ssyncadd.s32 @!p0 s1  }
0x70: {  	[bflag:$0x3] =	sbarrier.arrive $0xFFFF  }
0x71: {  	_ =	shalt  }

// kernel: kernel.13.cloned.1.call-start
scs
__scs_entry_jumppad:
0x0: {  	(pc) =	sbr.rel $0x88, $3  }
0x1: {  	(tag) =	ssettag $0x0;
	lr =	simm.s32 $0x1  }
0x2: {  	[smem:$0x3F96] =	sst lr;
	_ =	strace $0xD0000000  }
0x3: {  	_ = 	snop  }
0x4: {  	_ = 	snop  }
0x5: {  	_ = 	snop  }
0x6: {  	_ = 	snop  }
0x7: {  	_ = 	snop  }
__scs_overlays_trampoline_lowered:
0x8: {  	[smem:$0x3FA5] =	sst s0  }
0x9: {  	[smem:$0x3FA6] =	sst s1  }
0xa: {  	[smem:$0x3FA7] =	sst s2  }
0xb: {  	[smem:$0x3FA8] =	sst s3  }
0xc: {  	[smem:$0x3FA9] =	sst s4  }
0xd: {  	[smem:$0x3FAA] =	sst s5  }
0xe: {  	[smem:$0x3FAB] =	sst s6  }
0xf: {  	[smem:$0x3FAC] =	sst s7  }
0x10: {  	[smem:$0x3FAD] =	sst s8  }
0x11: {  	[smem:$0x3FAE] =	sst s9;
	s0 =	simm.s32 @!p0 $0x0  }
0x12: {  	s1 =	sld [smem:$0x3F94];
	s0 =	simm.s32 @p0 $0x1  }
0x13: {  	[smem:$0x3FAF] =	sst s0;
	s0 =	simm.s32 @!p1 $0x0  }
0x14: {  	s2 =	sld [smem:$0x3F93];
	s0 =	simm.s32 @p1 $0x1  }
0x15: {  	[smem:$0x3FB0] =	sst s0;
	s0 =	simm.s32 @!p2 $0x0  }
0x16: {  	s3 =	sld [smem:$0x3FDB];
	s0 =	simm.s32 @p2 $0x1  }
0x17: {  	s4 =	simm.s32 $0x1BF5;
	[smem:$0x3FB2] =	sst s0  }
0x18: {  	s0 =	sld [smem:$0x3F95];
	_ =	swait.ge [sflag:s4], $0x0  }
0x19: {  	s7 =	sld [smem:$0x3F96]  }
0x1a: {  	s8 =	sadd.s32 $0xFFFFE003, lr  }
0x1b: {  	s9 =	sadd.s32 $0xFFFFFEF7, lr;
	s5 =	simm.s32 $0xFFFFFFFF;
	p2 =	slt.u32 s8, $0xFFFFF086  }
0x1c: {  	p1 =	slt.u32 s9, $0xF7A;
	s5 =	simm.s32 @!p2 $0x0  }
0x1d: {  	s5 =	simm.s32 @p1 $0x1;
	p0 =	seq.s32 s7, s2  }
0x1e: {  	s7 =	smul.u32 @!p0 $0xF7A, s2;
	p2 =	seq.s32 @!p0 s5, $0x0  }
0x1f: {  	s9 =	smul.u32 $0xF7A, s1;
	s8 =	simm.s32 @!p0 $0x1BF5;
	p2 =	por !p2, p0  }
0x20: {  	[sflag:s8] =	ssyncset.s32 @!p0 $0xFFFFF086;
	s6 =	sadd.s32 @!p0 s3, s7;
	s7 =	simm.s32 @!p0 $0x108  }
0x21: {  	s3 =	sadd.s32 s3, s9;
	s6 =	sadd.s32 @!p0 $0x88, s6;
	s7 =	simm.s32 @p2 $0x1082  }
0x22: {  	[simem:s7], [sflag:s8] =	dma.local @!p0 [hbm:s6], $0xF7A  }
0x23: {  	s9 =	sor.u32 $0xD0000000, s2;
	s6 =	simm.s32 $0x108;
	_ =	swait.ge @!p0 [sflag:s8], $0x0  }
0x24: {  	s3 =	sadd.s32 $0x88, s3;
	s6 =	simm.s32 @!p1 $0x1082;
	[sflag:s4] =	ssyncset.s32 $0xFFFFF086  }
0x25: {  	[simem:s6], [sflag:s4] =	dma.local [hbm:s3], $0xF7A  }
0x26: {  	[smem:$0x3F96] =	sst s1;
	(tag) =	ssettag s2;
	_ =	strace s9  }
0x27: {  	s1 =	sld [smem:$0x3FA6]  }
0x28: {  	s2 =	sld [smem:$0x3FA7]  }
0x29: {  	s4 =	sld [smem:$0x3FA9]  }
0x2a: {  	p0 =	seq.s32 s5, $0x0;
	s5 =	sld [smem:$0x3FAA]  }
0x2b: {  	s6 =	sld [smem:$0x3FAB]  }
0x2c: {  	s7 =	sld [smem:$0x3FAC]  }
0x2d: {  	s3 =	simm.s32 $0x108;
	s8 =	sld [smem:$0x3FAD]  }
0x2e: {  	s3 =	simm.s32 @!p0 $0x1082;
	s9 =	sld [smem:$0x3FAE]  }
0x2f: {  	lr =	sadd.s32 s0, s3;
	s0 =	sld [smem:$0x3FA5]  }
0x30: {  	s3 =	sld [smem:$0x3FA8]  }
0x31: {  	[smem:$0x3FB1] =	sst s10  }
0x32: {  	s10 =	sld [smem:$0x3FAF];
	_ =	sdelay $0x3  }
0x33: {  	p0 =	seq.s32 s10, $0x1;
	s10 =	sld [smem:$0x3FB1];
	_ =	sdelay $0x3  }
0x34: {  	[smem:$0x3FB1] =	sst s10  }
0x35: {  	s10 =	sld [smem:$0x3FB0];
	_ =	sdelay $0x3  }
0x36: {  	p1 =	seq.s32 s10, $0x1;
	s10 =	sld [smem:$0x3FB1];
	_ =	sdelay $0x3  }
0x37: {  	[smem:$0x3FB1] =	sst s10  }
0x38: {  	s10 =	sld [smem:$0x3FB2]  }
0x39: {  	_ = 	snop;
	(pc) =	sbr.ind lr, $3  }
0x3a: {  	_ = 	snop  }
0x3b: {  	_ = 	snop  }
0x3c: {  	p2 =	seq.s32 s10, $0x1;
	s10 =	sld [smem:$0x3FB1]  }
0x3d: {  	_ =	shalt  }
0x3e: {  	_ =	shalt  }
0x3f: {  	_ =	shalt  }
0x40: {  	_ =	shalt  }
0x41: {  	_ =	shalt  }
0x42: {  	_ =	shalt  }
0x43: {  	_ =	shalt  }
0x44: {  	_ =	shalt  }
0x45: {  	_ =	shalt  }
0x46: {  	_ =	shalt  }
0x47: {  	_ =	shalt  }
0x48: {  	_ =	shalt  }
0x49: {  	_ =	shalt  }
0x4a: {  	_ =	shalt  }
0x4b: {  	_ =	shalt  }
0x4c: {  	_ =	shalt  }
0x4d: {  	_ =	shalt  }
0x4e: {  	_ =	shalt  }
0x4f: {  	_ =	shalt  }
0x50: {  	_ =	shalt  }
0x51: {  	_ =	shalt  }
0x52: {  	_ =	shalt  }
0x53: {  	_ =	shalt  }
0x54: {  	_ =	shalt  }
0x55: {  	_ =	shalt  }
0x56: {  	_ =	shalt  }
0x57: {  	_ =	shalt  }
0x58: {  	_ =	shalt  }
0x59: {  	_ =	shalt  }
0x5a: {  	_ =	shalt  }
0x5b: {  	_ =	shalt  }
0x5c: {  	_ =	shalt  }
0x5d: {  	_ =	shalt  }
0x5e: {  	_ =	shalt  }
0x5f: {  	_ =	shalt  }
0x60: {  	_ =	shalt  }
0x61: {  	_ =	shalt  }
0x62: {  	_ =	shalt  }
0x63: {  	_ =	shalt  }
0x64: {  	_ =	shalt  }
0x65: {  	_ =	shalt  }
0x66: {  	_ =	shalt  }
0x67: {  	_ =	shalt  }
0x68: {  	_ =	shalt  }
0x69: {  	_ =	shalt  }
0x6a: {  	_ =	shalt  }
0x6b: {  	_ =	shalt  }
0x6c: {  	_ =	shalt  }
0x6d: {  	_ =	shalt  }
0x6e: {  	_ =	shalt  }
0x6f: {  	_ =	shalt  }
0x70: {  	_ =	shalt  }
0x71: {  	_ =	shalt  }
0x72: {  	_ =	shalt  }
0x73: {  	_ =	shalt  }
0x74: {  	_ =	shalt  }
0x75: {  	_ =	shalt  }
0x76: {  	_ =	shalt  }
0x77: {  	_ =	shalt  }
0x78: {  	_ =	shalt  }
0x79: {  	_ =	shalt  }
0x7a: {  	_ =	shalt  }
0x7b: {  	_ =	shalt  }
0x7c: {  	_ =	shalt  }
0x7d: {  	_ =	shalt  }
0x7e: {  	_ =	shalt  }
0x7f: {  	_ =	shalt  }
0x80: {  	_ =	shalt  }
0x81: {  	_ =	shalt  }
0x82: {  	_ =	shalt  }
0x83: {  	_ =	shalt  }
0x84: {  	_ =	shalt  }
0x85: {  	_ =	shalt  }
0x86: {  	_ =	shalt  }
0x87: {  	_ =	shalt  }
.Lfunc_end0:
.L_simem_size_0:
called_computation.1_lowered:
.L_overlay_start_0:
0x88: {  	s2 =	sld [smem:$0x3FD9]  }
0x89: {  	s3 =	sld [smem:$0x3FFE];
	_ =	sdelay $0x1  }
0x8a: {  	s1 =	srdreg.scid  }
0x8b: {  	s0 =	sand.u32 $0x1, s1  }
0x8c: {  	s17 =	sshll.u32 s0, $0xA;
	s2 =	sadd.s32 s3, s2  }
0x8d: {  	s2 =	sadd.s32 s2, s17  }
0x8e: {  	[smem:$0x3FBD] =	sst s2  }
0x8f: {  	_ = 	snop  }
0x90: {  	s2 =	sld [smem:$0x3FC8]  }
0x91: {  	s18 =	sld [smem:$0x3FC7];
	(tm) =	ssettm $0x1  }
0x92: {  	s4 =	sld [smem:$0x3FFB];
	_ =	sdelay $0x3  }
0x93: {  	_ =	strace s4  }
0x94: {  	s4 =	sld [smem:$0x3FFC];
	_ =	sdelay $0x3  }
0x95: {  	_ =	strace s4  }
0x96: {  	s4 =	sld [smem:$0x3FFD];
	_ =	sdelay $0x3  }
0x97: {  	_ =	strace s4  }
0x98: {  	_ =	strace $0x8FFFFFFF  }
0x99: {  	s19 =	sld [smem:$0x3FDB];
	_ =	sdelay $0x1  }
0x9a: {  	s5 =	simm.s32 $_scs_section_size  }
0x9b: {  	s6 =	simm.s32 $_size__tile_overlayer_lowered;
	s7 =	simm.s32 $_tile_overlayer_lowered  }
0x9c: {  	s22 =	simm.s32 $0x1BFF;
	s21 =	sshll.u32 s7, $0x1;
	s4 =	sadd.s32 s5, s19  }
0x9d: {  	s8 =	simm.s32 $0x0;
	s20 =	sshll.u32 s6, $0x1;
	s6 =	sadd.s32 s21, s4  }
0x9e: {  	[timem:s8], [sflag:s22] =	dma.local [hbm:s6], s20  }
0x9f: {  	_ =	swait.ge [sflag:s22], s20  }
0xa0: {  	s5 =	ssub.s32 $0x0, s20;
	[sflag:s22] =	ssyncset.done $0x0  }
0xa1: {  	[sflag:s22] =	ssyncadd.s32 s5;
	_ =	sdelay $0x1  }
0xa2: {  	s23 =	simm.s32 $0x1B8B  }
0xa3: {  	_ =	swait.ge [sflag:s23], $0x1  }
0xa4: {  	[sflag:s23] =	ssyncset.done $0x0  }
0xa5: {  	s25 =	simm.s32 $0x1B8E;
	s24 =	sld [smem:$0x3FFE];
	[sflag:s23] =	ssyncadd.s32 $0xFFFFFFFF  }
0xa6: {  	s26 =	simm.s32 $execute0_lowered;
	[smem:$0x3FD2] =	sst s25  }
0xa7: {  	s6 =	sshll.u32 s26, $0x1;
	_ =	strace $0x80000049;
	[dreg:$0x1] =	wrdreg $0xFFFFFFFF  }
0xa8: {  	s28 =	simm.s32 $_size_execute0_lowered;
	s4 =	sadd.s32 s4, s6;
	[dreg:$0x0] =	wrdreg $0x0  }
0xa9: {  	s6 =	sshll.u32 s28, $0x1;
	[dreg:$0x2] =	wrdreg s4  }
0xaa: {  	[dreg:$0x3] =	wrdreg s6  }
0xab: {  	[dreg:$0x4] =	wrdreg $0xC0  }
0xac: {  	_ =	task [dreg:s8], $0x5FFFF  }
0xad: {  	[dreg:$0x1] =	wrdreg $0xFFFFFFFF  }
0xae: {  	[dreg:$0x0] =	wrdreg $0x60  }
0xaf: {  	[dreg:$0x2] =	wrdreg s24  }
0xb0: {  	[dreg:$0x3] =	wrdreg s2  }
0xb1: {  	[dreg:$0x4] =	wrdreg s18  }
0xb2: {  	[dreg:$0x5] =	wrdreg $0xA180  }
0xb3: {  	[dreg:$0x6] =	wrdreg $0x9  }
0xb4: {  	_ =	task.clear_ibuf [dreg:s8], $0x7FFFF;
	_ =	strace $0x90000049  }
0xb5: {  	s29 =	simm.s32 $0x9;
	_ =	strace $0x8000004B  }
0xb6: {  	_ =	swait.ge [sflag:s29], $0x1  }
0xb7: {  	[sflag:s29] =	ssyncadd.s32 $0xFFFFFFFF  }
0xb8: {  	_ =	strace $0x9000004B  }
0xb9: {  	_ =	sfence  }
0xba: {  	s30 =	sld [smem:$0x0];
	_ =	sdelay $0x2  }
0xbb: {  	s31 =	sshll.u32 s1, $0xD;
	s1 =	sshrl.u32 s1, $0x2  }
0xbc: {  	s3 =	sand.u32 $0x4000, s31;
	s1 =	sadd.s32 s1, s30  }
0xbd: {  	s0 =	sor.u32 s3, s0;
	s1 =	sshll.u32 s1, $0x11  }
0xbe: {  	s0 =	sor.u32 s1, s0  }
0xbf: {  	s0 =	sadd.s32 $0x8F2B, s0  }
0xc0: {  	[sflag:s0] =	ssyncadd.remote.s32 $0x1  }
0xc1: {  	_ =	sfence.sel $0xFFFF  }
0xc2: {  	[dreg:$0x0] =	wrdreg $0xFFFFFFFF;
	(pc) =	sbr.abs _section_cstart, $3  }
0xc3: {  	[dreg:$0x1] =	wrdreg $0xFFFFFFFF  }
0xc4: {  	_ =	task.clear_ibuf [dreg:s8], $0x2FFFF;
	_ =	strace $0x9FFFFFFF  }
0xc5: {  	(tm) =	ssettm $0x7FFFFFFF  }
tec
execute0_lowered:
.L_overlay_start_1:
0x0: {  	(tag) =	ssettag $0x1  }
0x1: {  	s2 =	rddreg [dreg:$0x0]  }
0x2: {  	s4 =	rddreg [dreg:$0x1]  }
0x3: {  	s7 =	rddreg [dreg:$0x2]  }
0x4: {  	s1 =	rddreg [dreg:$0x3]  }
0x5: {  	s3 =	simm.s32 $0x0;
	s0 =	srdreg.scid;
	s22 =	stileid.u32  }
0x6: {  	s28 =	simm.s32 $0x908;
	s30 =	simm.s32 $0x918;
	s31 =	simm.s32 $0x0  }
0x7: {  	[smem:$0x7FF] =	sst s3;
	s25 =	sand.u32 $0x1, s0;
	s5 =	smul.u32 $0x9C40, s22  }
0x8: {  	s15 =	sadd.s32 $0x3600, s2;
	s19 =	sadd.s32 $0x9FA00, s2;
	s16 =	smul.u32 $0x2710, s22  }
0x9: {  	s26 =	smul.u32 $0x4E2, s22;
	_ =	strace $0x8000004A;
	s6 =	sshll.u32 s25, $0x4  }
0xa: {  	s8 =	ssub.s32 $0x2, s25;
	s17 =	smul.u32 $0x27100, s25;
	p0 =	seq.s32 s25, $0x1  }
0xb: {  	s6 =	sor.u32 s22, s6;
	s9 =	sshrl.u32 s5, $0x2;
	s5 =	sadd.s32 $0x51800, s2  }
0xc: {  	s18 =	sshrl.u32 s8, $0x1;
	s14 =	sadd.s32 $0x2700, s16;
	s10 =	smul.u32 $0x1388, s6  }
0xd: {  	s6 =	sadd.s32 s9, s1;
	s2 =	ssub.s32 s8, s18;
	s13 =	sshrl.u32 s14, $0x3  }
0xe: {  	s18 =	smul.u32 $0x13880, s25;
	s8 =	smov.u32 s19;
	s19 =	smov.u32 @p0 s5  }
0xf: {  	s23 =	sadd.s32 s17, s15;
	p0 =	sne.s32 s25, $0x0;
	s25 =	simm.s32 $0x888  }
0x10: {  	s20 =	sadd.s32 $0x800, s6;
	s21 =	sadd.s32 $0x1000, s6;
	s9 =	sadd.s32 $0x1800, s6  }
0x11: {  	s13 =	sadd.s32 s4, s13;
	s16 =	sadd.s32 s16, s23;
	[dreg:$0x5] =	wrdreg s20  }
0x12: {  	s23 =	simm.s32 $0x2;
	s12 =	sadd.s32 $0x1380, s10;
	[dreg:$0x6] =	wrdreg s21  }
0x13: {  	s10 =	sadd.s32 $0x2000, s6;
	s20 =	smul.u32 $0x1388, s22;
	s21 =	sshll.u32 s14, $0x1  }
0x14: {  	s14 =	smax.u32 s2, $0x1;
	s11 =	sshrl.u32 s12, $0x3;
	s12 =	sshll.u32 s12, $0x1  }
0x15: {  	s11 =	sadd.s32 s7, s11;
	s12 =	sadd.s32 s15, s12;
	s24 =	sadd.s32 s20, s18  }
0x16: {  	s15 =	sadd.s32 s19, s21;
	s18 =	smul.u32 $0x4E20, s22;
	s19 =	sadd.s32 s26, s4  }
0x17: {  	s20 =	simm.s32 $0x80;
	s21 =	simm.s32 $0x3;
	s29 =	sshrl.u32 s24, $0x3  }
0x18: {  	v0 =	vimm.f32 $0.0e+00;
	s22 =	simm.s32 $0x1;
	s24 =	simm.s32 $0x880;
	s17 =	sadd.s32 s29, s7  }
.LBB2_1:
0x19: {  	s2 =	simm.s32 $0x40;
	s4 =	simm.s32 $0x0  }
.LBB2_2:
0x1a: {  	p1 =	sne.s32 s2, $0x1FC0;
	[tilespmem:s4+$0x80] =	vst v0;
	s4 =	smov.u32 s2;
	s2 =	sadd.s32 $0x40, s2  }
.Ltmp0:
0x1b: {  	(pc) =	sbr.rel @p1 .LBB2_2-.Ltmp0, $2  }
0x1c: {  	_ =	sdelay $0x2  }
0x1d: {  	s4 =	sshra.s32 s4, $0x2  }
0x1e: {  	[tilespmem:s4+$0x80] =	vst v0  }
0x1f: {  	[spmem:s6] =	stream.linear.scatter [tilespmem:s20], [sflag:$0x3], $0x800, $0x38;
	[tilespmem:$0x3128] =	vst v63  }
0x20: {  	_ =	swait.ge [sflag:s21], $0x800  }
0x21: {  	[sflag:s21] =	ssyncset.done $0x0  }
0x22: {  	s0 =	rddreg [dreg:$0x5];
	[sflag:s21] =	ssyncadd.s32 $0xFFFFF800  }
0x23: {  	[spmem:s0] =	stream.linear.scatter [tilespmem:s20], [sflag:$0x3], $0x800, $0x38;
	[tilespmem:$0x3128] =	vst v63  }
0x24: {  	_ =	swait.ge [sflag:s21], $0x800  }
0x25: {  	[sflag:s21] =	ssyncset.done $0x0  }
0x26: {  	s29 =	rddreg [dreg:$0x6];
	[sflag:s21] =	ssyncadd.s32 $0xFFFFF800  }
0x27: {  	[spmem:s29] =	stream.linear.scatter [tilespmem:s20], [sflag:$0x3], $0x800, $0x38;
	[tilespmem:$0x3128] =	vst v63  }
0x28: {  	_ =	swait.ge [sflag:s21], $0x800  }
0x29: {  	[sflag:s21] =	ssyncset.done $0x0  }
0x2a: {  	[sflag:s21] =	ssyncadd.s32 $0xFFFFF800  }
0x2b: {  	[spmem:s9] =	stream.linear.scatter [tilespmem:s20], [sflag:$0x3], $0x800, $0x38;
	[tilespmem:$0x3128] =	vst v63  }
0x2c: {  	_ =	swait.ge [sflag:s21], $0x800  }
0x2d: {  	[sflag:s21] =	ssyncset.done $0x0  }
0x2e: {  	[sflag:s21] =	ssyncadd.s32 $0xFFFFF800  }
0x2f: {  	[spmem:s10] =	stream.linear.scatter [tilespmem:s20], [sflag:$0x3], $0x710, $0x38;
	[tilespmem:$0x3128] =	vst v63  }
0x30: {  	_ =	swait.ge [sflag:s21], $0x710  }
0x31: {  	[sflag:s21] =	ssyncset.done $0x0  }
0x32: {  	[sflag:s21] =	ssyncadd.s32 $0xFFFFF8F0  }
0x33: {  	s2 =	sadd.s32 $0x0, s17;
	[bflag:$0x0] =	sbarrier.arrive $0xFFFF  }
0x34: {  	[tilespmem:s3], [sflag:$0x1] =	stream.linear.gather [hbm4b:s2+s3], $0x80, $0x38;
	[tilespmem:$0x3128] =	vst v63  }
0x35: {  	_ = 	snop  }
0x36: {  	[tilespmem:s20], [sflag:$0x2] =	stream.linear.gather [hbm4b:s16+s3], $0x800, $0x38;
	[tilespmem:$0x3128] =	vst v63  }
0x37: {  	_ =	swait.ge [sflag:s22], $0x80  }
0x38: {  	[sflag:s22] =	ssyncset.done $0x0  }
0x39: {  	[sflag:s22] =	ssyncadd.s32 $0xFFFFFF80  }
0x3a: {  	_ =	swait.ge [sflag:s23], $0x800  }
0x3b: {  	[sflag:s23] =	ssyncset.done $0x0  }
0x3c: {  	[sflag:s23] =	ssyncadd.s32 $0xFFFFF800  }
0x3d: {  	[spmem:s1] =	stream.indirect.scatter.add.f32 [tilespmem:s20], [sflag:$0x3], $0x10, s3, s20, $0xb8;
	[tilespmem:$0x3128] =	vst v63  }
0x3e: {  	s4 =	simm.s32 $0x10;
	_ =	swait.ge [sflag:s21], $0x800  }
0x3f: {  	s7 =	simm.s32 $0x20;
	s2 =	sadd.s32 $0x100, s16;
	[sflag:s21] =	ssyncset.done $0x0  }
.LBB2_4:
0x40: {  	s26 =	sadd.s32 s4, s17  }
0x41: {  	[sflag:s21] =	ssyncadd.s32 $0xFFFFF800;
	s4 =	smov.u32 s7;
	s29 =	sadd.s32 $0x10, s7  }
0x42: {  	[tilespmem:s3], [sflag:$0x1] =	stream.linear.gather [hbm4b:s26+s3], $0x80, $0x38;
	[tilespmem:$0x3128] =	vst v63  }
0x43: {  	p1 =	sne.s32 s7, $0x260  }
0x44: {  	[tilespmem:s20], [sflag:$0x2] =	stream.linear.gather [hbm4b:s2+s3], $0x800, $0x38;
	[tilespmem:$0x3128] =	vst v63  }
0x45: {  	_ =	swait.ge [sflag:s22], $0x80  }
0x46: {  	[sflag:s22] =	ssyncset.done $0x0  }
0x47: {  	[sflag:s22] =	ssyncadd.s32 $0xFFFFFF80  }
0x48: {  	_ =	swait.ge [sflag:s23], $0x800  }
.Ltmp1:
0x49: {  	[sflag:s23] =	ssyncset.done $0x0;
	(pc) =	sbr.rel @p1 .LBB2_4-.Ltmp1, $4  }
0x4a: {  	[sflag:s23] =	ssyncadd.s32 $0xFFFFF800  }
0x4b: {  	[spmem:s1] =	stream.indirect.scatter.add.f32 [tilespmem:s20], [sflag:$0x3], $0x10, s3, s20, $0xb8;
	[tilespmem:$0x3128] =	vst v63  }
0x4c: {  	_ =	swait.ge [sflag:s21], $0x800  }
0x4d: {  	s7 =	smov.u32 s29;
	s2 =	sadd.s32 $0x100, s2;
	[sflag:s21] =	ssyncset.done $0x0  }
0x4e: {  	s4 =	sadd.s32 s4, s17;
	[sflag:s21] =	ssyncadd.s32 $0xFFFFF800  }
0x4f: {  	[tilespmem:s3], [sflag:$0x1] =	stream.linear.gather [hbm4b:s4+s3], $0x80, $0x38;
	[tilespmem:$0x3128] =	vst v63  }
0x50: {  	_ = 	snop  }
0x51: {  	[tilespmem:s20], [sflag:$0x2] =	stream.linear.gather [hbm4b:s2+s3], $0x800, $0x38;
	[tilespmem:$0x3128] =	vst v63  }
0x52: {  	_ =	swait.ge [sflag:s22], $0x80  }
0x53: {  	[sflag:s22] =	ssyncset.done $0x0  }
0x54: {  	[sflag:s22] =	ssyncadd.s32 $0xFFFFFF80  }
0x55: {  	_ =	swait.ge [sflag:s23], $0x800  }
0x56: {  	[sflag:s23] =	ssyncset.done $0x0  }
0x57: {  	[sflag:s23] =	ssyncadd.s32 $0xFFFFF800  }
0x58: {  	[spmem:s1] =	stream.indirect.scatter.add.f32 [tilespmem:s20], [sflag:$0x3], $0x10, s3, s20, $0xb8;
	[tilespmem:$0x3128] =	vst v63  }
0x59: {  	_ =	swait.ge [sflag:s21], $0x800  }
0x5a: {  	[sflag:s21] =	ssyncset.done $0x0  }
0x5b: {  	s0 =	simm.s32 $0x0;
	[sflag:s21] =	ssyncadd.s32 $0xFFFFF800  }
0x5c: {  	[tilespmem:s24], [sflag:$0x1] =	stream.linear.gather [hbm4b:s11+s0], $0x8, $0x38;
	[tilespmem:$0x3128] =	vst v63  }
0x5d: {  	_ = 	snop  }
0x5e: {  	[tilespmem:s25], [sflag:$0x2] =	stream.linear.gather [hbm4b:s12+s0], $0x80, $0x38;
	[tilespmem:$0x3128] =	vst v63  }
0x5f: {  	_ =	swait.ge [sflag:s22], $0x8  }
0x60: {  	[sflag:s22] =	ssyncset.done $0x0  }
0x61: {  	[sflag:s22] =	ssyncadd.s32 $0xFFFFFFF8  }
0x62: {  	_ =	swait.ge [sflag:s23], $0x80  }
0x63: {  	[sflag:s23] =	ssyncset.done $0x0  }
0x64: {  	s0 =	simm.s32 $0x8;
	[sflag:s23] =	ssyncadd.s32 $0xFFFFFF80  }
0x65: {  	[spmem:s1] =	stream.indirect.scatter.add.f32 [tilespmem:s25], [sflag:$0x3], $0x10, s24, s0, $0xb8;
	[tilespmem:$0x3128] =	vst v63  }
0x66: {  	_ =	swait.ge [sflag:s21], $0x80  }
0x67: {  	[sflag:s21] =	ssyncset.done $0x0  }
0x68: {  	[sflag:s21] =	ssyncadd.s32 $0xFFFFFF80  }
0x69: {  	s4 =	sadd.s32 $0x0, s19;
	[bflag:$0x0] =	sbarrier.arrive $0xFFFF  }
0x6a: {  	[tilespmem:s3], [sflag:$0x1] =	stream.linear.gather [hbm4b:s4+s3], $0x80, $0x38;
	[tilespmem:$0x3128] =	vst v63  }
0x6b: {  	_ =	swait.ge [sflag:s22], $0x80  }
0x6c: {  	[sflag:s22] =	ssyncset.done $0x0  }
0x6d: {  	[sflag:s22] =	ssyncadd.s32 $0xFFFFFF80  }
0x6e: {  	[tilespmem:s20], [sflag:$0x2] =	stream.indirect.gather [spmem:s1], $0x10, s3, s20, $0xb8;
	[tilespmem:$0x3128] =	vst v63  }
0x6f: {  	s4 =	smov.u32 s8;
	_ =	swait.ge [sflag:s23], $0x800  }
0x70: {  	s26 =	simm.s32 @!p0 $0x4;
	s4 =	smov.u32 @p0 s5;
	[sflag:s23] =	ssyncset.done $0x0  }
0x71: {  	s26 =	simm.s32 @p0 $0x3;
	s7 =	sadd.s32 s18, s4;
	[sflag:s23] =	ssyncadd.s32 $0xFFFFF800  }
0x72: {  	[hbm4b:s7+s3] =	stream.linear.scatter [tilespmem:s20], [sflag:s26], $0x800, $0x38;
	[tilespmem:$0x3128] =	vst v63  }
0x73: {  	s29 =	simm.s32 $0x10;
	_ =	swait.ge [sflag:s26], $0x800  }
0x74: {  	s2 =	sadd.s32 $0x100, s18;
	s7 =	simm.s32 $0x20;
	[sflag:s26] =	ssyncset.done $0x0  }
.LBB2_6:
0x75: {  	s0 =	sadd.s32 s29, s19  }
0x76: {  	[sflag:s26] =	ssyncadd.s32 $0xFFFFF800;
	s29 =	smov.u32 s7;
	s7 =	sadd.s32 $0x10, s7  }
0x77: {  	[tilespmem:s3], [sflag:$0x1] =	stream.linear.gather [hbm4b:s0+s3], $0x80, $0x38;
	[tilespmem:$0x3128] =	vst v63  }
0x78: {  	p1 =	sne.s32 s7, $0x4E0;
	_ =	swait.ge [sflag:s22], $0x80  }
0x79: {  	[sflag:s22] =	ssyncset.done $0x0  }
0x7a: {  	[sflag:s22] =	ssyncadd.s32 $0xFFFFFF80  }
0x7b: {  	[tilespmem:s20], [sflag:$0x2] =	stream.indirect.gather [spmem:s1], $0x10, s3, s20, $0xb8;
	[tilespmem:$0x3128] =	vst v63  }
0x7c: {  	_ =	swait.ge [sflag:s23], $0x800  }
.Ltmp2:
0x7d: {  	[sflag:s23] =	ssyncset.done $0x0;
	(pc) =	sbr.rel @p1 .LBB2_6-.Ltmp2, $4  }
0x7e: {  	s0 =	sadd.s32 s2, s4;
	[sflag:s23] =	ssyncadd.s32 $0xFFFFF800  }
0x7f: {  	[hbm4b:s0+s3] =	stream.linear.scatter [tilespmem:s20], [sflag:s26], $0x800, $0x38;
	[tilespmem:$0x3128] =	vst v63  }
0x80: {  	_ =	swait.ge [sflag:s26], $0x800  }
0x81: {  	s2 =	sadd.s32 $0x100, s2;
	[sflag:s26] =	ssyncset.done $0x0  }
0x82: {  	s0 =	sadd.s32 s29, s19;
	[sflag:s26] =	ssyncadd.s32 $0xFFFFF800  }
0x83: {  	[tilespmem:s3], [sflag:$0x1] =	stream.linear.gather [hbm4b:s0+s3], $0x80, $0x38;
	[tilespmem:$0x3128] =	vst v63  }
0x84: {  	_ =	swait.ge [sflag:s22], $0x80  }
0x85: {  	[sflag:s22] =	ssyncset.done $0x0  }
0x86: {  	[sflag:s22] =	ssyncadd.s32 $0xFFFFFF80  }
0x87: {  	[tilespmem:s20], [sflag:$0x2] =	stream.indirect.gather [spmem:s1], $0x10, s3, s20, $0xb8;
	[tilespmem:$0x3128] =	vst v63  }
0x88: {  	_ =	swait.ge [sflag:s23], $0x800  }
0x89: {  	s0 =	simm.s32 @!p0 $0x4;
	[sflag:s23] =	ssyncset.done $0x0  }
0x8a: {  	s2 =	sadd.s32 s2, s4;
	s0 =	simm.s32 @p0 $0x3;
	[sflag:s23] =	ssyncadd.s32 $0xFFFFF800  }
0x8b: {  	[hbm4b:s2+s3] =	stream.linear.scatter [tilespmem:s20], [sflag:s0], $0x800, $0x38;
	[tilespmem:$0x3128] =	vst v63  }
0x8c: {  	_ =	swait.ge [sflag:s0], $0x800  }
0x8d: {  	[sflag:s0] =	ssyncset.done $0x0  }
0x8e: {  	[sflag:s0] =	ssyncadd.s32 $0xFFFFF800  }
0x8f: {  	[tilespmem:s28], [sflag:$0x1] =	stream.linear.gather [hbm4b:s13+s3], $0x10, $0x38;
	[tilespmem:$0x3128] =	vst v63  }
0x90: {  	_ =	swait.ge [sflag:s22], $0x10  }
0x91: {  	[sflag:s22] =	ssyncset.done $0x0  }
0x92: {  	s29 =	simm.s32 $0x10;
	[sflag:s22] =	ssyncadd.s32 $0xFFFFFFF0  }
0x93: {  	[tilespmem:s30], [sflag:$0x2] =	stream.indirect.gather [spmem:s1], $0x10, s28, s29, $0xb8;
	[tilespmem:$0x3128] =	vst v63  }
0x94: {  	s31 =	sadd.s32 $0x1, s31;
	_ =	swait.ge [sflag:s23], $0x100  }
0x95: {  	p1 =	sne.s32 s31, s14;
	[sflag:s23] =	ssyncset.done $0x0  }
.Ltmp3:
0x96: {  	[sflag:s23] =	ssyncadd.s32 $0xFFFFFF00;
	(pc) =	sbr.rel @p1 .LBB2_1-.Ltmp3, $4  }
0x97: {  	[hbm4b:s15+s3] =	stream.linear.scatter [tilespmem:s30], [sflag:$0x3], $0x100, $0x38;
	[tilespmem:$0x3128] =	vst v63  }
0x98: {  	_ =	swait.ge [sflag:s21], $0x100  }
0x99: {  	[sflag:s21] =	ssyncset.done $0x0  }
0x9a: {  	[sflag:s21] =	ssyncadd.s32 $0xFFFFFF00  }
0x9b: {  	_ =	sfence.sel $0x180000  }
0x9c: {  	[bflag:$0x0] =	sbarrier.arrive $0xFFFF  }
0x9d: {  	_ =	strace $0x9000004A  }
0x9e: {  	s0 =	stileid.u32;
	[bflag:$0x2] =	sbarrier.arrive $0xFFFF  }
0x9f: {  	p0 =	sne.s32 s0, $0x0;
	s0 =	rddreg [dreg:$0x4]  }
0xa0: {  	s0 =	sadd.s32 @!p0 $0x100000, s0  }
0xa1: {  	[sflag:s0] =	ssyncadd.tile.s32 @!p0 $0x1;
	_ =	shalt  }
.Lfunc_end2:
_tile_overlayer_lowered:
.L_overlay_start_2:
0xa2: {  	(tag) =	ssettag $0x2  }
0xa3: {  	s0 =	rddreg [dreg:$0x0];
	s2 =	stileid.u32  }
0xa4: {  	s1 =	rddreg [dreg:$0x1];
	p0 =	sne.s32 s2, $0x0  }
0xa5: {  	s3 =	rddreg [dreg:$0x2];
	[bflag:$0x3] =	sbarrier.arrive $0xFFFF;
	s2 =	simm.s32 @!p0 $0x1C03  }
0xa6: {  	[timem:s3], [sflag:s2] =	dma.local @!p0 [hbm:s0], s1  }
0xa7: {  	s0 =	simm.s32 @!p0 $0x3  }
0xa8: {  	_ =	swait.ge @!p0 [sflag:s0], s1  }
0xa9: {  	s1 =	ssub.s32 @!p0 $0x0, s1;
	[sflag:s0] =	ssyncset.done @!p0 $0x0  }
0xaa: {  	[sflag:s0] =	ssyncadd.s32 @!p0 s1  }
0xab: {  	[bflag:$0x3] =	sbarrier.arrive $0xFFFF  }
0xac: {  	_ =	shalt  }

// kernel: kernel.16.cloned.1.call-start
scs
__scs_entry_jumppad:
0x0: {  	(pc) =	sbr.rel $0x88, $3  }
0x1: {  	(tag) =	ssettag $0x0;
	lr =	simm.s32 $0x1  }
0x2: {  	[smem:$0x3F96] =	sst lr;
	_ =	strace $0xD0000000  }
0x3: {  	_ = 	snop  }
0x4: {  	_ = 	snop  }
0x5: {  	_ = 	snop  }
0x6: {  	_ = 	snop  }
0x7: {  	_ = 	snop  }
__scs_overlays_trampoline_lowered:
0x8: {  	[smem:$0x3FA5] =	sst s0  }
0x9: {  	[smem:$0x3FA6] =	sst s1  }
0xa: {  	[smem:$0x3FA7] =	sst s2  }
0xb: {  	[smem:$0x3FA8] =	sst s3  }
0xc: {  	[smem:$0x3FA9] =	sst s4  }
0xd: {  	[smem:$0x3FAA] =	sst s5  }
0xe: {  	[smem:$0x3FAB] =	sst s6  }
0xf: {  	[smem:$0x3FAC] =	sst s7  }
0x10: {  	[smem:$0x3FAD] =	sst s8  }
0x11: {  	[smem:$0x3FAE] =	sst s9;
	s0 =	simm.s32 @!p0 $0x0  }
0x12: {  	s1 =	sld [smem:$0x3F94];
	s0 =	simm.s32 @p0 $0x1  }
0x13: {  	[smem:$0x3FAF] =	sst s0;
	s0 =	simm.s32 @!p1 $0x0  }
0x14: {  	s2 =	sld [smem:$0x3F93];
	s0 =	simm.s32 @p1 $0x1  }
0x15: {  	[smem:$0x3FB0] =	sst s0;
	s0 =	simm.s32 @!p2 $0x0  }
0x16: {  	s3 =	sld [smem:$0x3FDB];
	s0 =	simm.s32 @p2 $0x1  }
0x17: {  	s4 =	simm.s32 $0x1BF5;
	[smem:$0x3FB2] =	sst s0  }
0x18: {  	s0 =	sld [smem:$0x3F95];
	_ =	swait.ge [sflag:s4], $0x0  }
0x19: {  	s7 =	sld [smem:$0x3F96]  }
0x1a: {  	s8 =	sadd.s32 $0xFFFFE003, lr  }
0x1b: {  	s9 =	sadd.s32 $0xFFFFFEF7, lr;
	s5 =	simm.s32 $0xFFFFFFFF;
	p2 =	slt.u32 s8, $0xFFFFF086  }
0x1c: {  	p1 =	slt.u32 s9, $0xF7A;
	s5 =	simm.s32 @!p2 $0x0  }
0x1d: {  	s5 =	simm.s32 @p1 $0x1;
	p0 =	seq.s32 s7, s2  }
0x1e: {  	s7 =	smul.u32 @!p0 $0xF7A, s2;
	p2 =	seq.s32 @!p0 s5, $0x0  }
0x1f: {  	s9 =	smul.u32 $0xF7A, s1;
	s8 =	simm.s32 @!p0 $0x1BF5;
	p2 =	por !p2, p0  }
0x20: {  	[sflag:s8] =	ssyncset.s32 @!p0 $0xFFFFF086;
	s6 =	sadd.s32 @!p0 s3, s7;
	s7 =	simm.s32 @!p0 $0x108  }
0x21: {  	s3 =	sadd.s32 s3, s9;
	s6 =	sadd.s32 @!p0 $0x88, s6;
	s7 =	simm.s32 @p2 $0x1082  }
0x22: {  	[simem:s7], [sflag:s8] =	dma.local @!p0 [hbm:s6], $0xF7A  }
0x23: {  	s9 =	sor.u32 $0xD0000000, s2;
	s6 =	simm.s32 $0x108;
	_ =	swait.ge @!p0 [sflag:s8], $0x0  }
0x24: {  	s3 =	sadd.s32 $0x88, s3;
	s6 =	simm.s32 @!p1 $0x1082;
	[sflag:s4] =	ssyncset.s32 $0xFFFFF086  }
0x25: {  	[simem:s6], [sflag:s4] =	dma.local [hbm:s3], $0xF7A  }
0x26: {  	[smem:$0x3F96] =	sst s1;
	(tag) =	ssettag s2;
	_ =	strace s9  }
0x27: {  	s1 =	sld [smem:$0x3FA6]  }
0x28: {  	s2 =	sld [smem:$0x3FA7]  }
0x29: {  	s4 =	sld [smem:$0x3FA9]  }
0x2a: {  	p0 =	seq.s32 s5, $0x0;
	s5 =	sld [smem:$0x3FAA]  }
0x2b: {  	s6 =	sld [smem:$0x3FAB]  }
0x2c: {  	s7 =	sld [smem:$0x3FAC]  }
0x2d: {  	s3 =	simm.s32 $0x108;
	s8 =	sld [smem:$0x3FAD]  }
0x2e: {  	s3 =	simm.s32 @!p0 $0x1082;
	s9 =	sld [smem:$0x3FAE]  }
0x2f: {  	lr =	sadd.s32 s0, s3;
	s0 =	sld [smem:$0x3FA5]  }
0x30: {  	s3 =	sld [smem:$0x3FA8]  }
0x31: {  	[smem:$0x3FB1] =	sst s10  }
0x32: {  	s10 =	sld [smem:$0x3FAF];
	_ =	sdelay $0x3  }
0x33: {  	p0 =	seq.s32 s10, $0x1;
	s10 =	sld [smem:$0x3FB1];
	_ =	sdelay $0x3  }
0x34: {  	[smem:$0x3FB1] =	sst s10  }
0x35: {  	s10 =	sld [smem:$0x3FB0];
	_ =	sdelay $0x3  }
0x36: {  	p1 =	seq.s32 s10, $0x1;
	s10 =	sld [smem:$0x3FB1];
	_ =	sdelay $0x3  }
0x37: {  	[smem:$0x3FB1] =	sst s10  }
0x38: {  	s10 =	sld [smem:$0x3FB2]  }
0x39: {  	_ = 	snop;
	(pc) =	sbr.ind lr, $3  }
0x3a: {  	_ = 	snop  }
0x3b: {  	_ = 	snop  }
0x3c: {  	p2 =	seq.s32 s10, $0x1;
	s10 =	sld [smem:$0x3FB1]  }
0x3d: {  	_ =	shalt  }
0x3e: {  	_ =	shalt  }
0x3f: {  	_ =	shalt  }
0x40: {  	_ =	shalt  }
0x41: {  	_ =	shalt  }
0x42: {  	_ =	shalt  }
0x43: {  	_ =	shalt  }
0x44: {  	_ =	shalt  }
0x45: {  	_ =	shalt  }
0x46: {  	_ =	shalt  }
0x47: {  	_ =	shalt  }
0x48: {  	_ =	shalt  }
0x49: {  	_ =	shalt  }
0x4a: {  	_ =	shalt  }
0x4b: {  	_ =	shalt  }
0x4c: {  	_ =	shalt  }
0x4d: {  	_ =	shalt  }
0x4e: {  	_ =	shalt  }
0x4f: {  	_ =	shalt  }
0x50: {  	_ =	shalt  }
0x51: {  	_ =	shalt  }
0x52: {  	_ =	shalt  }
0x53: {  	_ =	shalt  }
0x54: {  	_ =	shalt  }
0x55: {  	_ =	shalt  }
0x56: {  	_ =	shalt  }
0x57: {  	_ =	shalt  }
0x58: {  	_ =	shalt  }
0x59: {  	_ =	shalt  }
0x5a: {  	_ =	shalt  }
0x5b: {  	_ =	shalt  }
0x5c: {  	_ =	shalt  }
0x5d: {  	_ =	shalt  }
0x5e: {  	_ =	shalt  }
0x5f: {  	_ =	shalt  }
0x60: {  	_ =	shalt  }
0x61: {  	_ =	shalt  }
0x62: {  	_ =	shalt  }
0x63: {  	_ =	shalt  }
0x64: {  	_ =	shalt  }
0x65: {  	_ =	shalt  }
0x66: {  	_ =	shalt  }
0x67: {  	_ =	shalt  }
0x68: {  	_ =	shalt  }
0x69: {  	_ =	shalt  }
0x6a: {  	_ =	shalt  }
0x6b: {  	_ =	shalt  }
0x6c: {  	_ =	shalt  }
0x6d: {  	_ =	shalt  }
0x6e: {  	_ =	shalt  }
0x6f: {  	_ =	shalt  }
0x70: {  	_ =	shalt  }
0x71: {  	_ =	shalt  }
0x72: {  	_ =	shalt  }
0x73: {  	_ =	shalt  }
0x74: {  	_ =	shalt  }
0x75: {  	_ =	shalt  }
0x76: {  	_ =	shalt  }
0x77: {  	_ =	shalt  }
0x78: {  	_ =	shalt  }
0x79: {  	_ =	shalt  }
0x7a: {  	_ =	shalt  }
0x7b: {  	_ =	shalt  }
0x7c: {  	_ =	shalt  }
0x7d: {  	_ =	shalt  }
0x7e: {  	_ =	shalt  }
0x7f: {  	_ =	shalt  }
0x80: {  	_ =	shalt  }
0x81: {  	_ =	shalt  }
0x82: {  	_ =	shalt  }
0x83: {  	_ =	shalt  }
0x84: {  	_ =	shalt  }
0x85: {  	_ =	shalt  }
0x86: {  	_ =	shalt  }
0x87: {  	_ =	shalt  }
.Lfunc_end0:
.L_simem_size_0:
called_computation.2_lowered:
.L_overlay_start_0:
0x88: {  	s2 =	sld [smem:$0x3FD9]  }
0x89: {  	s3 =	sld [smem:$0x3FFE];
	_ =	sdelay $0x1  }
0x8a: {  	s1 =	srdreg.scid  }
0x8b: {  	s0 =	sand.u32 $0x1, s1  }
0x8c: {  	s17 =	sshll.u32 s0, $0xA;
	s2 =	sadd.s32 s3, s2  }
0x8d: {  	s2 =	sadd.s32 s2, s17  }
0x8e: {  	[smem:$0x3FBD] =	sst s2  }
0x8f: {  	_ = 	snop  }
0x90: {  	s2 =	sld [smem:$0x3FC7];
	(tm) =	ssettm $0x1  }
0x91: {  	s18 =	sld [smem:$0x3FFB];
	_ =	sdelay $0x3  }
0x92: {  	_ =	strace s18  }
0x93: {  	s3 =	sld [smem:$0x3FFC];
	_ =	sdelay $0x3  }
0x94: {  	_ =	strace s3  }
0x95: {  	s3 =	sld [smem:$0x3FFD];
	_ =	sdelay $0x3  }
0x96: {  	_ =	strace s3  }
0x97: {  	_ =	strace $0x8FFFFFFF  }
0x98: {  	s19 =	sld [smem:$0x3FDB];
	_ =	sdelay $0x1  }
0x99: {  	s4 =	simm.s32 $_scs_section_size  }
0x9a: {  	s5 =	simm.s32 $_size__tile_overlayer_lowered;
	s6 =	simm.s32 $_tile_overlayer_lowered  }
0x9b: {  	s22 =	simm.s32 $0x1BFF;
	s21 =	sshll.u32 s6, $0x1;
	s3 =	sadd.s32 s4, s19  }
0x9c: {  	s7 =	simm.s32 $0x0;
	s20 =	sshll.u32 s5, $0x1;
	s5 =	sadd.s32 s21, s3  }
0x9d: {  	[timem:s7], [sflag:s22] =	dma.local [hbm:s5], s20  }
0x9e: {  	_ =	swait.ge [sflag:s22], s20  }
0x9f: {  	s4 =	ssub.s32 $0x0, s20;
	[sflag:s22] =	ssyncset.done $0x0  }
0xa0: {  	[sflag:s22] =	ssyncadd.s32 s4;
	_ =	sdelay $0x1  }
0xa1: {  	s23 =	simm.s32 $0x1B8B  }
0xa2: {  	_ =	swait.ge [sflag:s23], $0x1  }
0xa3: {  	[sflag:s23] =	ssyncset.done $0x0  }
0xa4: {  	s25 =	simm.s32 $0x1B8E;
	s24 =	sld [smem:$0x3FFE];
	[sflag:s23] =	ssyncadd.s32 $0xFFFFFFFF  }
0xa5: {  	s26 =	simm.s32 $execute0_lowered;
	[smem:$0x3FD2] =	sst s25  }
0xa6: {  	s5 =	sshll.u32 s26, $0x1;
	_ =	strace $0x8000004C;
	[dreg:$0x1] =	wrdreg $0xFFFFFFFF  }
0xa7: {  	s28 =	simm.s32 $_size_execute0_lowered;
	s3 =	sadd.s32 s3, s5;
	[dreg:$0x0] =	wrdreg $0x0  }
0xa8: {  	s5 =	sshll.u32 s28, $0x1;
	[dreg:$0x2] =	wrdreg s3  }
0xa9: {  	[dreg:$0x3] =	wrdreg s5  }
0xaa: {  	[dreg:$0x4] =	wrdreg $0xC0  }
0xab: {  	_ =	task [dreg:s7], $0x5FFFF  }
0xac: {  	[dreg:$0x1] =	wrdreg $0xFFFFFFFF  }
0xad: {  	[dreg:$0x0] =	wrdreg $0x60  }
0xae: {  	[dreg:$0x2] =	wrdreg s24  }
0xaf: {  	[dreg:$0x3] =	wrdreg s2  }
0xb0: {  	[dreg:$0x4] =	wrdreg $0x55880  }
0xb1: {  	[dreg:$0x5] =	wrdreg $0x9  }
0xb2: {  	_ =	task.clear_ibuf [dreg:s7], $0x6FFFF;
	_ =	strace $0x9000004C  }
0xb3: {  	s29 =	simm.s32 $0x9;
	_ =	strace $0x8000004E  }
0xb4: {  	_ =	swait.ge [sflag:s29], $0x1  }
0xb5: {  	[sflag:s29] =	ssyncadd.s32 $0xFFFFFFFF  }
0xb6: {  	_ =	strace $0x9000004E  }
0xb7: {  	_ =	sfence  }
0xb8: {  	s30 =	sld [smem:$0x0];
	_ =	sdelay $0x2  }
0xb9: {  	s31 =	sshll.u32 s1, $0xD;
	s1 =	sshrl.u32 s1, $0x2  }
0xba: {  	s3 =	sand.u32 $0x4000, s31;
	s1 =	sadd.s32 s1, s30  }
0xbb: {  	s0 =	sor.u32 s3, s0;
	s1 =	sshll.u32 s1, $0x11  }
0xbc: {  	s0 =	sor.u32 s1, s0  }
0xbd: {  	s0 =	sadd.s32 $0x8F2B, s0  }
0xbe: {  	[sflag:s0] =	ssyncadd.remote.s32 $0x1  }
0xbf: {  	_ =	sfence.sel $0xFFFF  }
0xc0: {  	[dreg:$0x0] =	wrdreg $0xFFFFFFFF;
	(pc) =	sbr.abs _section_cstart, $3  }
0xc1: {  	[dreg:$0x1] =	wrdreg $0xFFFFFFFF  }
0xc2: {  	_ =	task.clear_ibuf [dreg:s7], $0x2FFFF;
	_ =	strace $0x9FFFFFFF  }
0xc3: {  	(tm) =	ssettm $0x7FFFFFFF  }
tec
execute0_lowered:
.L_overlay_start_1:
0x0: {  	(tag) =	ssettag $0x1  }
0x1: {  	s4 =	rddreg [dreg:$0x0]  }
0x2: {  	s14 =	rddreg [dreg:$0x1]  }
0x3: {  	s1 =	srdreg.scid;
	s0 =	stileid.u32  }
0x4: {  	s2 =	rddreg [dreg:$0x2];
	s3 =	simm.s32 $0x0;
	s5 =	smul.u32 $0x30D4, s0  }
0x5: {  	s19 =	simm.s32 $0x5080;
	s20 =	simm.s32 $0x5088;
	s9 =	smul.u32 $0x61A80, s0  }
0x6: {  	s21 =	simm.s32 $0x8;
	s22 =	simm.s32 $0x0;
	s17 =	smul.u32 $0x1388, s0  }
0x7: {  	s8 =	sand.u32 $0x1, s1;
	s1 =	rddreg [dreg:$0x3];
	s18 =	smul.u32 $0x186A0, s0  }
0x8: {  	[smem:$0x7FF] =	sst s3;
	s12 =	sadd.s32 $0x3600, s4;
	s6 =	smul.u32 $0x30D40, s8  }
0x9: {  	s7 =	sshll.u32 s8, $0x4;
	_ =	strace $0x8000004D;
	s15 =	smul.u32 $0x186A00, s8  }
0xa: {  	s26 =	ssub.s32 $0x2, s8;
	s16 =	smul.u32 $0x13880, s8;
	s7 =	sor.u32 s0, s7  }
0xb: {  	s28 =	sshrl.u32 s9, $0x2;
	s30 =	sshrl.u32 s26, $0x1;
	s5 =	sadd.s32 s5, s6  }
0xc: {  	s25 =	smul.u32 $0x1388, s7;
	s13 =	ssub.s32 s26, s30;
	s15 =	sadd.s32 s15, s12  }
0xd: {  	s16 =	sadd.s32 s17, s16;
	s17 =	simm.s32 $0x1;
	s11 =	sadd.s32 s5, s4  }
0xe: {  	s4 =	sadd.s32 s28, s2;
	s31 =	sshrl.u32 s16, $0x3;
	s16 =	simm.s32 $0x3  }
0xf: {  	s29 =	sadd.s32 $0x1380, s25;
	s5 =	sadd.s32 $0x5000, s4;
	s6 =	sadd.s32 $0xA000, s4  }
0x10: {  	s7 =	sadd.s32 $0xF000, s4;
	s10 =	smul.u32 $0x14, s29;
	s9 =	sshrl.u32 s29, $0x3  }
0x11: {  	s8 =	sadd.s32 $0x14000, s4;
	s11 =	sadd.s32 $0x310A00, s11;
	s9 =	sadd.s32 s14, s9  }
0x12: {  	s14 =	sadd.s32 s31, s14;
	s10 =	sadd.s32 s12, s10;
	s12 =	smax.u32 s13, $0x1  }
0x13: {  	v0 =	vimm.f32 $0.0e+00;
	s13 =	sadd.s32 s18, s15;
	s15 =	simm.s32 $0x80;
	s18 =	simm.s32 $0x2  }
.LBB2_1:
0x14: {  	s23 =	simm.s32 $0x0;
	s24 =	simm.s32 $0x280  }
.LBB2_2:
0x15: {  	p0 =	sne.s32 s24, $0x13D80;
	[tilespmem:s23+$0x110] =	vst v0  }
0x16: {  	[tilespmem:s23+$0x80] =	vst v0  }
0x17: {  	[tilespmem:s23+$0x90] =	vst v0  }
0x18: {  	[tilespmem:s23+$0xA0] =	vst v0  }
0x19: {  	[tilespmem:s23+$0xB0] =	vst v0  }
.Ltmp0:
0x1a: {  	[tilespmem:s23+$0xC0] =	vst v0;
	(pc) =	sbr.rel @p0 .LBB2_2-.Ltmp0, $4  }
0x1b: {  	[tilespmem:s23+$0xD0] =	vst v0  }
0x1c: {  	[tilespmem:s23+$0xE0] =	vst v0  }
0x1d: {  	[tilespmem:s23+$0xF0] =	vst v0  }
0x1e: {  	[tilespmem:s23+$0x100] =	vst v0;
	s23 =	sshra.s32 s24, $0x2;
	s24 =	sadd.s32 $0x280, s24  }
0x1f: {  	[tilespmem:s23+$0x110] =	vst v0  }
0x20: {  	[tilespmem:s23+$0x80] =	vst v0  }
0x21: {  	[tilespmem:s23+$0x90] =	vst v0  }
0x22: {  	[tilespmem:s23+$0xA0] =	vst v0  }
0x23: {  	[tilespmem:s23+$0xB0] =	vst v0  }
0x24: {  	[tilespmem:s23+$0xC0] =	vst v0  }
0x25: {  	[tilespmem:s23+$0xD0] =	vst v0  }
0x26: {  	[tilespmem:s23+$0xE0] =	vst v0  }
0x27: {  	[tilespmem:s23+$0xF0] =	vst v0  }
0x28: {  	[tilespmem:s23+$0x100] =	vst v0  }
0x29: {  	[spmem:s4] =	stream.linear.scatter [tilespmem:s15], [sflag:$0x3], $0x5000, $0x38;
	[tilespmem:$0x1DC28] =	vst v63  }
0x2a: {  	_ =	swait.ge [sflag:s16], $0x5000  }
0x2b: {  	[sflag:s16] =	ssyncset.done $0x0  }
0x2c: {  	[sflag:s16] =	ssyncadd.s32 $0xFFFFB000  }
0x2d: {  	[spmem:s5] =	stream.linear.scatter [tilespmem:s15], [sflag:$0x3], $0x5000, $0x38;
	[tilespmem:$0x1DC28] =	vst v63  }
0x2e: {  	_ =	swait.ge [sflag:s16], $0x5000  }
0x2f: {  	[sflag:s16] =	ssyncset.done $0x0  }
0x30: {  	[sflag:s16] =	ssyncadd.s32 $0xFFFFB000  }
0x31: {  	[spmem:s6] =	stream.linear.scatter [tilespmem:s15], [sflag:$0x3], $0x5000, $0x38;
	[tilespmem:$0x1DC28] =	vst v63  }
0x32: {  	_ =	swait.ge [sflag:s16], $0x5000  }
0x33: {  	[sflag:s16] =	ssyncset.done $0x0  }
0x34: {  	[sflag:s16] =	ssyncadd.s32 $0xFFFFB000  }
0x35: {  	[spmem:s7] =	stream.linear.scatter [tilespmem:s15], [sflag:$0x3], $0x5000, $0x38;
	[tilespmem:$0x1DC28] =	vst v63  }
0x36: {  	_ =	swait.ge [sflag:s16], $0x5000  }
0x37: {  	[sflag:s16] =	ssyncset.done $0x0  }
0x38: {  	[sflag:s16] =	ssyncadd.s32 $0xFFFFB000  }
0x39: {  	[spmem:s8] =	stream.linear.scatter [tilespmem:s15], [sflag:$0x3], $0x46A0, $0x38;
	[tilespmem:$0x1DC28] =	vst v63  }
0x3a: {  	_ =	swait.ge [sflag:s16], $0x46A0  }
0x3b: {  	[sflag:s16] =	ssyncset.done $0x0  }
0x3c: {  	[sflag:s16] =	ssyncadd.s32 $0xFFFFB960  }
0x3d: {  	s31 =	sadd.s32 $0x0, s14;
	[bflag:$0x0] =	sbarrier.arrive $0xFFFF  }
0x3e: {  	[tilespmem:s3], [sflag:$0x1] =	stream.linear.gather [hbm4b:s31+s3], $0x80, $0x38;
	[tilespmem:$0x1DC28] =	vst v63  }
0x3f: {  	_ = 	snop  }
0x40: {  	[tilespmem:s15], [sflag:$0x2] =	stream.linear.gather [hbm4b:s13+s3], $0x5000, $0x38;
	[tilespmem:$0x1DC28] =	vst v63  }
0x41: {  	_ =	swait.ge [sflag:s17], $0x80  }
0x42: {  	[sflag:s17] =	ssyncset.done $0x0  }
0x43: {  	[sflag:s17] =	ssyncadd.s32 $0xFFFFFF80  }
0x44: {  	_ =	swait.ge [sflag:s18], $0x5000  }
0x45: {  	[sflag:s18] =	ssyncset.done $0x0  }
0x46: {  	[sflag:s18] =	ssyncadd.s32 $0xFFFFB000  }
0x47: {  	[spmem:s2] =	stream.indirect.scatter.add.f32 [tilespmem:s15], [sflag:$0x3], $0xA0, s3, s15, $0xb8;
	[tilespmem:$0x1DC28] =	vst v63  }
0x48: {  	s24 =	simm.s32 $0x10;
	_ =	swait.ge [sflag:s16], $0x5000  }
0x49: {  	s25 =	simm.s32 $0x20;
	s23 =	sadd.s32 $0xA00, s13;
	[sflag:s16] =	ssyncset.done $0x0  }
.LBB2_4:
0x4a: {  	s26 =	sadd.s32 s24, s14  }
0x4b: {  	[sflag:s16] =	ssyncadd.s32 $0xFFFFB000;
	s24 =	smov.u32 s25;
	s28 =	sadd.s32 $0x10, s25  }
0x4c: {  	[tilespmem:s3], [sflag:$0x1] =	stream.linear.gather [hbm4b:s26+s3], $0x80, $0x38;
	[tilespmem:$0x1DC28] =	vst v63  }
0x4d: {  	p0 =	sne.s32 s25, $0x260  }
0x4e: {  	[tilespmem:s15], [sflag:$0x2] =	stream.linear.gather [hbm4b:s23+s3], $0x5000, $0x38;
	[tilespmem:$0x1DC28] =	vst v63  }
0x4f: {  	_ =	swait.ge [sflag:s17], $0x80  }
0x50: {  	[sflag:s17] =	ssyncset.done $0x0  }
0x51: {  	[sflag:s17] =	ssyncadd.s32 $0xFFFFFF80  }
0x52: {  	_ =	swait.ge [sflag:s18], $0x5000  }
.Ltmp1:
0x53: {  	[sflag:s18] =	ssyncset.done $0x0;
	(pc) =	sbr.rel @p0 .LBB2_4-.Ltmp1, $4  }
0x54: {  	[sflag:s18] =	ssyncadd.s32 $0xFFFFB000  }
0x55: {  	[spmem:s2] =	stream.indirect.scatter.add.f32 [tilespmem:s15], [sflag:$0x3], $0xA0, s3, s15, $0xb8;
	[tilespmem:$0x1DC28] =	vst v63  }
0x56: {  	_ =	swait.ge [sflag:s16], $0x5000  }
0x57: {  	s25 =	smov.u32 s28;
	s23 =	sadd.s32 $0xA00, s23;
	[sflag:s16] =	ssyncset.done $0x0  }
0x58: {  	s24 =	sadd.s32 s24, s14;
	[sflag:s16] =	ssyncadd.s32 $0xFFFFB000  }
0x59: {  	[tilespmem:s3], [sflag:$0x1] =	stream.linear.gather [hbm4b:s24+s3], $0x80, $0x38;
	[tilespmem:$0x1DC28] =	vst v63  }
0x5a: {  	_ = 	snop  }
0x5b: {  	[tilespmem:s15], [sflag:$0x2] =	stream.linear.gather [hbm4b:s23+s3], $0x5000, $0x38;
	[tilespmem:$0x1DC28] =	vst v63  }
0x5c: {  	_ =	swait.ge [sflag:s17], $0x80  }
0x5d: {  	[sflag:s17] =	ssyncset.done $0x0  }
0x5e: {  	[sflag:s17] =	ssyncadd.s32 $0xFFFFFF80  }
0x5f: {  	_ =	swait.ge [sflag:s18], $0x5000  }
0x60: {  	[sflag:s18] =	ssyncset.done $0x0  }
0x61: {  	[sflag:s18] =	ssyncadd.s32 $0xFFFFB000  }
0x62: {  	[spmem:s2] =	stream.indirect.scatter.add.f32 [tilespmem:s15], [sflag:$0x3], $0xA0, s3, s15, $0xb8;
	[tilespmem:$0x1DC28] =	vst v63  }
0x63: {  	_ =	swait.ge [sflag:s16], $0x5000  }
0x64: {  	[sflag:s16] =	ssyncset.done $0x0  }
0x65: {  	[sflag:s16] =	ssyncadd.s32 $0xFFFFB000  }
0x66: {  	[tilespmem:s19], [sflag:$0x1] =	stream.linear.gather [hbm4b:s9+s3], $0x8, $0x38;
	[tilespmem:$0x1DC28] =	vst v63  }
0x67: {  	_ = 	snop  }
0x68: {  	[tilespmem:s20], [sflag:$0x2] =	stream.linear.gather [hbm4b:s10+s3], $0x500, $0x38;
	[tilespmem:$0x1DC28] =	vst v63  }
0x69: {  	_ =	swait.ge [sflag:s17], $0x8  }
0x6a: {  	[sflag:s17] =	ssyncset.done $0x0  }
0x6b: {  	[sflag:s17] =	ssyncadd.s32 $0xFFFFFFF8  }
0x6c: {  	_ =	swait.ge [sflag:s18], $0x500  }
0x6d: {  	[sflag:s18] =	ssyncset.done $0x0  }
0x6e: {  	[sflag:s18] =	ssyncadd.s32 $0xFFFFFB00  }
0x6f: {  	[spmem:s2] =	stream.indirect.scatter.add.f32 [tilespmem:s20], [sflag:$0x3], $0xA0, s19, s21, $0xb8;
	[tilespmem:$0x1DC28] =	vst v63  }
0x70: {  	_ =	swait.ge [sflag:s16], $0x500  }
0x71: {  	s30 =	sshll.u32 s0, $0x6;
	s22 =	sadd.s32 $0x1, s22;
	[sflag:s16] =	ssyncset.done $0x0  }
0x72: {  	s31 =	sshrl.u32 s4, $0x3;
	p0 =	sne.s32 s22, s12;
	[sflag:s16] =	ssyncadd.s32 $0xFFFFFB00  }
.Ltmp2:
0x73: {  	s23 =	sor.u32 $0x1C03, s30;
	[bflag:$0x0] =	sbarrier.arrive $0xFFFF;
	(pc) =	sbr.rel @p0 .LBB2_1-.Ltmp2, $4  }
0x74: {  	[hbm:s11], [sflag:s23] =	dma.local [spmem:s31], $0x30D4  }
0x75: {  	_ =	swait.ge [sflag:s16], $0x30D4  }
0x76: {  	[sflag:s16] =	ssyncset.done $0x0  }
0x77: {  	[sflag:s16] =	ssyncadd.s32 $0xFFFFCF2C  }
0x78: {  	_ =	sfence.sel $0x180000  }
0x79: {  	[bflag:$0x0] =	sbarrier.arrive $0xFFFF  }
0x7a: {  	p0 =	sne.s32 s0, $0x0;
	_ =	strace $0x9000004D  }
0x7b: {  	s0 =	sadd.s32 @!p0 $0x100000, s1;
	[bflag:$0x2] =	sbarrier.arrive $0xFFFF  }
0x7c: {  	[sflag:s0] =	ssyncadd.tile.s32 @!p0 $0x1;
	_ =	shalt  }
.Lfunc_end2:
_tile_overlayer_lowered:
.L_overlay_start_2:
0x7d: {  	(tag) =	ssettag $0x2  }
0x7e: {  	s0 =	rddreg [dreg:$0x0];
	s2 =	stileid.u32  }
0x7f: {  	s1 =	rddreg [dreg:$0x1];
	p0 =	sne.s32 s2, $0x0  }
0x80: {  	s3 =	rddreg [dreg:$0x2];
	[bflag:$0x3] =	sbarrier.arrive $0xFFFF;
	s2 =	simm.s32 @!p0 $0x1C03  }
0x81: {  	[timem:s3], [sflag:s2] =	dma.local @!p0 [hbm:s0], s1  }
0x82: {  	s0 =	simm.s32 @!p0 $0x3  }
0x83: {  	_ =	swait.ge @!p0 [sflag:s0], s1  }
0x84: {  	s1 =	ssub.s32 @!p0 $0x0, s1;
	[sflag:s0] =	ssyncset.done @!p0 $0x0  }
0x85: {  	[sflag:s0] =	ssyncadd.s32 @!p0 s1  }
0x86: {  	[bflag:$0x3] =	sbarrier.arrive $0xFFFF  }
0x87: {  	_ =	shalt  }

// kernel: kernel.19.cloned.1.call-start
scs
__scs_entry_jumppad:
0x0: {  	(pc) =	sbr.rel $0x88, $3  }
0x1: {  	(tag) =	ssettag $0x0;
	lr =	simm.s32 $0x1  }
0x2: {  	[smem:$0x3F96] =	sst lr;
	_ =	strace $0xD0000000  }
0x3: {  	_ = 	snop  }
0x4: {  	_ = 	snop  }
0x5: {  	_ = 	snop  }
0x6: {  	_ = 	snop  }
0x7: {  	_ = 	snop  }
__scs_overlays_trampoline_lowered:
0x8: {  	[smem:$0x3FA5] =	sst s0  }
0x9: {  	[smem:$0x3FA6] =	sst s1  }
0xa: {  	[smem:$0x3FA7] =	sst s2  }
0xb: {  	[smem:$0x3FA8] =	sst s3  }
0xc: {  	[smem:$0x3FA9] =	sst s4  }
0xd: {  	[smem:$0x3FAA] =	sst s5  }
0xe: {  	[smem:$0x3FAB] =	sst s6  }
0xf: {  	[smem:$0x3FAC] =	sst s7  }
0x10: {  	[smem:$0x3FAD] =	sst s8  }
0x11: {  	[smem:$0x3FAE] =	sst s9;
	s0 =	simm.s32 @!p0 $0x0  }
0x12: {  	s1 =	sld [smem:$0x3F94];
	s0 =	simm.s32 @p0 $0x1  }
0x13: {  	[smem:$0x3FAF] =	sst s0;
	s0 =	simm.s32 @!p1 $0x0  }
0x14: {  	s2 =	sld [smem:$0x3F93];
	s0 =	simm.s32 @p1 $0x1  }
0x15: {  	[smem:$0x3FB0] =	sst s0;
	s0 =	simm.s32 @!p2 $0x0  }
0x16: {  	s3 =	sld [smem:$0x3FDB];
	s0 =	simm.s32 @p2 $0x1  }
0x17: {  	s4 =	simm.s32 $0x1BF5;
	[smem:$0x3FB2] =	sst s0  }
0x18: {  	s0 =	sld [smem:$0x3F95];
	_ =	swait.ge [sflag:s4], $0x0  }
0x19: {  	s7 =	sld [smem:$0x3F96]  }
0x1a: {  	s8 =	sadd.s32 $0xFFFFE003, lr  }
0x1b: {  	s9 =	sadd.s32 $0xFFFFFEF7, lr;
	s5 =	simm.s32 $0xFFFFFFFF;
	p2 =	slt.u32 s8, $0xFFFFF086  }
0x1c: {  	p1 =	slt.u32 s9, $0xF7A;
	s5 =	simm.s32 @!p2 $0x0  }
0x1d: {  	s5 =	simm.s32 @p1 $0x1;
	p0 =	seq.s32 s7, s2  }
0x1e: {  	s7 =	smul.u32 @!p0 $0xF7A, s2;
	p2 =	seq.s32 @!p0 s5, $0x0  }
0x1f: {  	s9 =	smul.u32 $0xF7A, s1;
	s8 =	simm.s32 @!p0 $0x1BF5;
	p2 =	por !p2, p0  }
0x20: {  	[sflag:s8] =	ssyncset.s32 @!p0 $0xFFFFF086;
	s6 =	sadd.s32 @!p0 s3, s7;
	s7 =	simm.s32 @!p0 $0x108  }
0x21: {  	s3 =	sadd.s32 s3, s9;
	s6 =	sadd.s32 @!p0 $0x88, s6;
	s7 =	simm.s32 @p2 $0x1082  }
0x22: {  	[simem:s7], [sflag:s8] =	dma.local @!p0 [hbm:s6], $0xF7A  }
0x23: {  	s9 =	sor.u32 $0xD0000000, s2;
	s6 =	simm.s32 $0x108;
	_ =	swait.ge @!p0 [sflag:s8], $0x0  }
0x24: {  	s3 =	sadd.s32 $0x88, s3;
	s6 =	simm.s32 @!p1 $0x1082;
	[sflag:s4] =	ssyncset.s32 $0xFFFFF086  }
0x25: {  	[simem:s6], [sflag:s4] =	dma.local [hbm:s3], $0xF7A  }
0x26: {  	[smem:$0x3F96] =	sst s1;
	(tag) =	ssettag s2;
	_ =	strace s9  }
0x27: {  	s1 =	sld [smem:$0x3FA6]  }
0x28: {  	s2 =	sld [smem:$0x3FA7]  }
0x29: {  	s4 =	sld [smem:$0x3FA9]  }
0x2a: {  	p0 =	seq.s32 s5, $0x0;
	s5 =	sld [smem:$0x3FAA]  }
0x2b: {  	s6 =	sld [smem:$0x3FAB]  }
0x2c: {  	s7 =	sld [smem:$0x3FAC]  }
0x2d: {  	s3 =	simm.s32 $0x108;
	s8 =	sld [smem:$0x3FAD]  }
0x2e: {  	s3 =	simm.s32 @!p0 $0x1082;
	s9 =	sld [smem:$0x3FAE]  }
0x2f: {  	lr =	sadd.s32 s0, s3;
	s0 =	sld [smem:$0x3FA5]  }
0x30: {  	s3 =	sld [smem:$0x3FA8]  }
0x31: {  	[smem:$0x3FB1] =	sst s10  }
0x32: {  	s10 =	sld [smem:$0x3FAF];
	_ =	sdelay $0x3  }
0x33: {  	p0 =	seq.s32 s10, $0x1;
	s10 =	sld [smem:$0x3FB1];
	_ =	sdelay $0x3  }
0x34: {  	[smem:$0x3FB1] =	sst s10  }
0x35: {  	s10 =	sld [smem:$0x3FB0];
	_ =	sdelay $0x3  }
0x36: {  	p1 =	seq.s32 s10, $0x1;
	s10 =	sld [smem:$0x3FB1];
	_ =	sdelay $0x3  }
0x37: {  	[smem:$0x3FB1] =	sst s10  }
0x38: {  	s10 =	sld [smem:$0x3FB2]  }
0x39: {  	_ = 	snop;
	(pc) =	sbr.ind lr, $3  }
0x3a: {  	_ = 	snop  }
0x3b: {  	_ = 	snop  }
0x3c: {  	p2 =	seq.s32 s10, $0x1;
	s10 =	sld [smem:$0x3FB1]  }
0x3d: {  	_ =	shalt  }
0x3e: {  	_ =	shalt  }
0x3f: {  	_ =	shalt  }
0x40: {  	_ =	shalt  }
0x41: {  	_ =	shalt  }
0x42: {  	_ =	shalt  }
0x43: {  	_ =	shalt  }
0x44: {  	_ =	shalt  }
0x45: {  	_ =	shalt  }
0x46: {  	_ =	shalt  }
0x47: {  	_ =	shalt  }
0x48: {  	_ =	shalt  }
0x49: {  	_ =	shalt  }
0x4a: {  	_ =	shalt  }
0x4b: {  	_ =	shalt  }
0x4c: {  	_ =	shalt  }
0x4d: {  	_ =	shalt  }
0x4e: {  	_ =	shalt  }
0x4f: {  	_ =	shalt  }
0x50: {  	_ =	shalt  }
0x51: {  	_ =	shalt  }
0x52: {  	_ =	shalt  }
0x53: {  	_ =	shalt  }
0x54: {  	_ =	shalt  }
0x55: {  	_ =	shalt  }
0x56: {  	_ =	shalt  }
0x57: {  	_ =	shalt  }
0x58: {  	_ =	shalt  }
0x59: {  	_ =	shalt  }
0x5a: {  	_ =	shalt  }
0x5b: {  	_ =	shalt  }
0x5c: {  	_ =	shalt  }
0x5d: {  	_ =	shalt  }
0x5e: {  	_ =	shalt  }
0x5f: {  	_ =	shalt  }
0x60: {  	_ =	shalt  }
0x61: {  	_ =	shalt  }
0x62: {  	_ =	shalt  }
0x63: {  	_ =	shalt  }
0x64: {  	_ =	shalt  }
0x65: {  	_ =	shalt  }
0x66: {  	_ =	shalt  }
0x67: {  	_ =	shalt  }
0x68: {  	_ =	shalt  }
0x69: {  	_ =	shalt  }
0x6a: {  	_ =	shalt  }
0x6b: {  	_ =	shalt  }
0x6c: {  	_ =	shalt  }
0x6d: {  	_ =	shalt  }
0x6e: {  	_ =	shalt  }
0x6f: {  	_ =	shalt  }
0x70: {  	_ =	shalt  }
0x71: {  	_ =	shalt  }
0x72: {  	_ =	shalt  }
0x73: {  	_ =	shalt  }
0x74: {  	_ =	shalt  }
0x75: {  	_ =	shalt  }
0x76: {  	_ =	shalt  }
0x77: {  	_ =	shalt  }
0x78: {  	_ =	shalt  }
0x79: {  	_ =	shalt  }
0x7a: {  	_ =	shalt  }
0x7b: {  	_ =	shalt  }
0x7c: {  	_ =	shalt  }
0x7d: {  	_ =	shalt  }
0x7e: {  	_ =	shalt  }
0x7f: {  	_ =	shalt  }
0x80: {  	_ =	shalt  }
0x81: {  	_ =	shalt  }
0x82: {  	_ =	shalt  }
0x83: {  	_ =	shalt  }
0x84: {  	_ =	shalt  }
0x85: {  	_ =	shalt  }
0x86: {  	_ =	shalt  }
0x87: {  	_ =	shalt  }
.Lfunc_end0:
.L_simem_size_0:
called_computation.3_lowered:
.L_overlay_start_0:
0x88: {  	s2 =	sld [smem:$0x3FD9]  }
0x89: {  	s3 =	sld [smem:$0x3FFE];
	_ =	sdelay $0x1  }
0x8a: {  	s1 =	srdreg.scid  }
0x8b: {  	s0 =	sand.u32 $0x1, s1  }
0x8c: {  	s17 =	sshll.u32 s0, $0xA;
	s2 =	sadd.s32 s3, s2  }
0x8d: {  	s2 =	sadd.s32 s2, s17  }
0x8e: {  	[smem:$0x3FBD] =	sst s2  }
0x8f: {  	_ = 	snop  }
0x90: {  	s2 =	sld [smem:$0x3FC8]  }
0x91: {  	s18 =	sld [smem:$0x3FC7];
	(tm) =	ssettm $0x1  }
0x92: {  	s4 =	sld [smem:$0x3FFB];
	_ =	sdelay $0x3  }
0x93: {  	_ =	strace s4  }
0x94: {  	s4 =	sld [smem:$0x3FFC];
	_ =	sdelay $0x3  }
0x95: {  	_ =	strace s4  }
0x96: {  	s4 =	sld [smem:$0x3FFD];
	_ =	sdelay $0x3  }
0x97: {  	_ =	strace s4  }
0x98: {  	_ =	strace $0x8FFFFFFF  }
0x99: {  	s19 =	sld [smem:$0x3FDB];
	_ =	sdelay $0x1  }
0x9a: {  	s5 =	simm.s32 $_scs_section_size  }
0x9b: {  	s6 =	simm.s32 $_size__tile_overlayer_lowered;
	s7 =	simm.s32 $_tile_overlayer_lowered  }
0x9c: {  	s22 =	simm.s32 $0x1BFF;
	s21 =	sshll.u32 s7, $0x1;
	s4 =	sadd.s32 s5, s19  }
0x9d: {  	s8 =	simm.s32 $0x0;
	s20 =	sshll.u32 s6, $0x1;
	s6 =	sadd.s32 s21, s4  }
0x9e: {  	[timem:s8], [sflag:s22] =	dma.local [hbm:s6], s20  }
0x9f: {  	_ =	swait.ge [sflag:s22], s20  }
0xa0: {  	s5 =	ssub.s32 $0x0, s20;
	[sflag:s22] =	ssyncset.done $0x0  }
0xa1: {  	[sflag:s22] =	ssyncadd.s32 s5;
	_ =	sdelay $0x1  }
0xa2: {  	s23 =	simm.s32 $0x1B8B  }
0xa3: {  	_ =	swait.ge [sflag:s23], $0x1  }
0xa4: {  	[sflag:s23] =	ssyncset.done $0x0  }
0xa5: {  	s25 =	simm.s32 $0x1B8E;
	s24 =	sld [smem:$0x3FFE];
	[sflag:s23] =	ssyncadd.s32 $0xFFFFFFFF  }
0xa6: {  	s26 =	simm.s32 $execute0_lowered;
	[smem:$0x3FD2] =	sst s25  }
0xa7: {  	s6 =	sshll.u32 s26, $0x1;
	_ =	strace $0x8000004F;
	[dreg:$0x1] =	wrdreg $0xFFFFFFFF  }
0xa8: {  	s28 =	simm.s32 $_size_execute0_lowered;
	s4 =	sadd.s32 s4, s6;
	[dreg:$0x0] =	wrdreg $0x0  }
0xa9: {  	s6 =	sshll.u32 s28, $0x1;
	[dreg:$0x2] =	wrdreg s4  }
0xaa: {  	[dreg:$0x3] =	wrdreg s6  }
0xab: {  	[dreg:$0x4] =	wrdreg $0xC0  }
0xac: {  	_ =	task [dreg:s8], $0x5FFFF  }
0xad: {  	[dreg:$0x1] =	wrdreg $0xFFFFFFFF  }
0xae: {  	[dreg:$0x0] =	wrdreg $0x60  }
0xaf: {  	[dreg:$0x2] =	wrdreg s24  }
0xb0: {  	[dreg:$0x3] =	wrdreg s2  }
0xb1: {  	[dreg:$0x4] =	wrdreg s18  }
0xb2: {  	[dreg:$0x5] =	wrdreg $0x11880  }
0xb3: {  	[dreg:$0x6] =	wrdreg $0x9  }
0xb4: {  	_ =	task.clear_ibuf [dreg:s8], $0x7FFFF;
	_ =	strace $0x9000004F  }
0xb5: {  	s29 =	simm.s32 $0x9;
	_ =	strace $0x80000051  }
0xb6: {  	_ =	swait.ge [sflag:s29], $0x1  }
0xb7: {  	[sflag:s29] =	ssyncadd.s32 $0xFFFFFFFF  }
0xb8: {  	_ =	strace $0x90000051  }
0xb9: {  	_ =	sfence  }
0xba: {  	s30 =	sld [smem:$0x0];
	_ =	sdelay $0x2  }
0xbb: {  	s31 =	sshll.u32 s1, $0xD;
	s1 =	sshrl.u32 s1, $0x2  }
0xbc: {  	s3 =	sand.u32 $0x4000, s31;
	s1 =	sadd.s32 s1, s30  }
0xbd: {  	s0 =	sor.u32 s3, s0;
	s1 =	sshll.u32 s1, $0x11  }
0xbe: {  	s0 =	sor.u32 s1, s0  }
0xbf: {  	s0 =	sadd.s32 $0x8F2B, s0  }
0xc0: {  	[sflag:s0] =	ssyncadd.remote.s32 $0x1  }
0xc1: {  	_ =	sfence.sel $0xFFFF  }
0xc2: {  	[dreg:$0x0] =	wrdreg $0xFFFFFFFF;
	(pc) =	sbr.abs _section_cstart, $3  }
0xc3: {  	[dreg:$0x1] =	wrdreg $0xFFFFFFFF  }
0xc4: {  	_ =	task.clear_ibuf [dreg:s8], $0x2FFFF;
	_ =	strace $0x9FFFFFFF  }
0xc5: {  	(tm) =	ssettm $0x7FFFFFFF  }
tec
execute0_lowered:
.L_overlay_start_1:
0x0: {  	(tag) =	ssettag $0x1  }
0x1: {  	s0 =	rddreg [dreg:$0x0]  }
0x2: {  	s1 =	rddreg [dreg:$0x1]  }
0x3: {  	s2 =	rddreg [dreg:$0x2]  }
0x4: {  	s4 =	rddreg [dreg:$0x3]  }
0x5: {  	s5 =	simm.s32 $0x0;
	s3 =	srdreg.scid;
	s12 =	stileid.u32  }
0x6: {  	s19 =	simm.s32 $0x80;
	s20 =	simm.s32 $0x2;
	s21 =	simm.s32 $0x1  }
0x7: {  	s22 =	simm.s32 $0x880;
	s23 =	simm.s32 $0x1080;
	s24 =	simm.s32 $0x8  }
0x8: {  	s25 =	simm.s32 $0x1088;
	s28 =	simm.s32 $0x0;
	s29 =	simm.s32 $0x0  }
0x9: {  	[smem:$0x7FF] =	sst s5;
	s3 =	sand.u32 $0x1, s3;
	s8 =	smul.u32 $0x4E2, s12  }
0xa: {  	s6 =	sadd.s32 $0x3600, s0;
	s7 =	sadd.s32 $0x372600, s0;
	s10 =	smul.u32 $0x9C40, s12  }
0xb: {  	s9 =	smul.u32 $0x4E20, s3;
	s11 =	sshll.u32 s3, $0x4;
	s3 =	ssub.s32 $0x2, s3  }
0xc: {  	_ =	strace $0x80000050;
	s30 =	sor.u32 s12, s11;
	s31 =	sshrl.u32 s3, $0x1  }
0xd: {  	s10 =	sshrl.u32 s10, $0x2;
	s9 =	sadd.s32 s8, s9;
	s8 =	smul.u32 $0x1388, s30  }
0xe: {  	s3 =	ssub.s32 s3, s31;
	s0 =	sadd.s32 s9, s0;
	s9 =	sadd.s32 s10, s4  }
0xf: {  	s18 =	smax.u32 s3, $0x1;
	s10 =	sadd.s32 $0x800, s9;
	s11 =	sadd.s32 $0x1000, s9  }
0x10: {  	s13 =	sadd.s32 $0x1380, s8;
	s12 =	sadd.s32 $0x1800, s9;
	s17 =	sadd.s32 $0x8600, s0  }
0x11: {  	s16 =	sshrl.u32 s13, $0x3;
	s15 =	sshll.u32 s13, $0x1;
	s13 =	sadd.s32 $0x2000, s9  }
0x12: {  	v0 =	vimm.f32 $0.0e+00;
	s14 =	sadd.s32 s1, s16;
	s15 =	sadd.s32 s7, s15;
	s16 =	sadd.s32 s2, s16  }
.LBB2_1:
0x13: {  	s0 =	simm.s32 $0x40;
	s3 =	simm.s32 $0x0  }
.LBB2_2:
0x14: {  	p0 =	sne.s32 s0, $0x1FC0;
	[tilespmem:s3+$0x80] =	vst v0;
	s3 =	smov.u32 s0;
	s0 =	sadd.s32 $0x40, s0  }
.Ltmp0:
0x15: {  	(pc) =	sbr.rel @p0 .LBB2_2-.Ltmp0, $2  }
0x16: {  	_ =	sdelay $0x2  }
0x17: {  	s3 =	sshra.s32 s3, $0x2  }
0x18: {  	[tilespmem:s3+$0x80] =	vst v0  }
0x19: {  	[spmem:s9] =	stream.linear.scatter [tilespmem:s19], [sflag:$0x2], $0x800, $0x38;
	[tilespmem:$0x3898] =	vst v63  }
0x1a: {  	_ =	swait.ge [sflag:s20], $0x800  }
0x1b: {  	[sflag:s20] =	ssyncset.done $0x0  }
0x1c: {  	[sflag:s20] =	ssyncadd.s32 $0xFFFFF800  }
0x1d: {  	[spmem:s10] =	stream.linear.scatter [tilespmem:s19], [sflag:$0x2], $0x800, $0x38;
	[tilespmem:$0x3898] =	vst v63  }
0x1e: {  	_ =	swait.ge [sflag:s20], $0x800  }
0x1f: {  	[sflag:s20] =	ssyncset.done $0x0  }
0x20: {  	[sflag:s20] =	ssyncadd.s32 $0xFFFFF800  }
0x21: {  	[spmem:s11] =	stream.linear.scatter [tilespmem:s19], [sflag:$0x2], $0x800, $0x38;
	[tilespmem:$0x3898] =	vst v63  }
0x22: {  	_ =	swait.ge [sflag:s20], $0x800  }
0x23: {  	[sflag:s20] =	ssyncset.done $0x0  }
0x24: {  	[sflag:s20] =	ssyncadd.s32 $0xFFFFF800  }
0x25: {  	[spmem:s12] =	stream.linear.scatter [tilespmem:s19], [sflag:$0x2], $0x800, $0x38;
	[tilespmem:$0x3898] =	vst v63  }
0x26: {  	_ =	swait.ge [sflag:s20], $0x800  }
0x27: {  	[sflag:s20] =	ssyncset.done $0x0  }
0x28: {  	[sflag:s20] =	ssyncadd.s32 $0xFFFFF800  }
0x29: {  	[spmem:s13] =	stream.linear.scatter [tilespmem:s19], [sflag:$0x2], $0x710, $0x38;
	[tilespmem:$0x3898] =	vst v63  }
0x2a: {  	_ =	swait.ge [sflag:s20], $0x710  }
0x2b: {  	[sflag:s20] =	ssyncset.done $0x0  }
0x2c: {  	[sflag:s20] =	ssyncadd.s32 $0xFFFFF8F0  }
0x2d: {  	s30 =	simm.s32 $0x0;
	[bflag:$0x0] =	sbarrier.arrive $0xFFFF  }
.LBB2_4:
0x2e: {  	s0 =	sshll.u32 s30, $0x7  }
0x2f: {  	s0 =	sadd.s32 s8, s0  }
0x30: {  	s31 =	sshrl.u32 s0, $0x3  }
0x31: {  	s3 =	sadd.s32 s1, s31  }
0x32: {  	[tilespmem:s29], [sflag:$0x2] =	stream.linear.gather [hbm4b:s3+s29], $0x80, $0x38;
	[tilespmem:$0x3898] =	vst v63  }
0x33: {  	_ =	swait.ge [sflag:s20], $0x80  }
0x34: {  	[sflag:s20] =	ssyncset.done $0x0  }
0x35: {  	[sflag:s20] =	ssyncadd.s32 $0xFFFFFF80  }
0x36: {  	[tilespmem:s19], [sflag:$0x1] =	stream.indirect.gather [hbm4b:s6+s19], $0x10, s29, s19, $0xb8;
	[tilespmem:$0x3898] =	vst v63  }
0x37: {  	_ =	swait.ge [sflag:s21], $0x800  }
0x38: {  	s0 =	sshll.u32 s0, $0x1;
	[sflag:s21] =	ssyncset.done $0x0  }
0x39: {  	s0 =	sadd.s32 s7, s0;
	[sflag:s21] =	ssyncadd.s32 $0xFFFFF800  }
0x3a: {  	[tilespmem:s22], [sflag:$0x2] =	stream.linear.gather [hbm4b:s0+s29], $0x800, $0x38;
	[tilespmem:$0x3898] =	vst v63  }
0x3b: {  	_ =	swait.ge [sflag:s20], $0x800  }
0x3c: {  	[sflag:s20] =	ssyncset.done $0x0  }
0x3d: {  	s0 =	simm.s32 $0x0;
	[sflag:s20] =	ssyncadd.s32 $0xFFFFF800  }
0x3e: {  	s3 =	simm.s32 $0x40;
	v1 =	vld [tilespmem:s0+$0x880]  }
.LBB2_5:
0x3f: {  	p0 =	sne.s32 s3, $0x1FC0;
	v2 =	vld [tilespmem:s0+$0x80];
	_ =	sdelay $0x2  }
.Ltmp1:
0x40: {  	(pc) =	sbr.rel @p0 .LBB2_5-.Ltmp1, $4  }
0x41: {  	_ = 	snop  }
0x42: {  	v2 =	vmul.f32 v1, v2  }
0x43: {  	s26 =	sshra.s32 s3, $0x2  }
0x44: {  	s3 =	sadd.s32 $0x40, s3;
	v1 =	vld [tilespmem:s26+$0x880];
	[tilespmem:s0+$0x80] =	vst v2;
	s0 =	smov.u32 s26  }
0x45: {  	v2 =	vld [tilespmem:s0+$0x80];
	_ =	sdelay $0x4  }
0x46: {  	v1 =	vmul.f32 v1, v2;
	_ =	sdelay $0x1  }
0x47: {  	s31 =	sadd.s32 s2, s31;
	[tilespmem:s0+$0x80] =	vst v1  }
0x48: {  	[tilespmem:s5], [sflag:$0x2] =	stream.linear.gather [hbm4b:s31+s5], $0x80, $0x38;
	[tilespmem:$0x3898] =	vst v63  }
0x49: {  	s30 =	sadd.s32 $0x1, s30;
	_ =	swait.ge [sflag:s20], $0x80  }
0x4a: {  	p0 =	sne.s32 s30, $0x27;
	[sflag:s20] =	ssyncset.done $0x0  }
.Ltmp2:
0x4b: {  	[sflag:s20] =	ssyncadd.s32 $0xFFFFFF80;
	(pc) =	sbr.rel @p0 .LBB2_4-.Ltmp2, $4  }
0x4c: {  	[spmem:s4] =	stream.indirect.scatter.add.f32 [tilespmem:s19], [sflag:$0x2], $0x10, s5, s19, $0xb8;
	[tilespmem:$0x3898] =	vst v63  }
0x4d: {  	_ =	swait.ge [sflag:s20], $0x800  }
0x4e: {  	[sflag:s20] =	ssyncset.done $0x0  }
0x4f: {  	[sflag:s20] =	ssyncadd.s32 $0xFFFFF800  }
0x50: {  	[tilespmem:s23], [sflag:$0x2] =	stream.linear.gather [hbm4b:s14+s5], $0x8, $0x38;
	[tilespmem:$0x3898] =	vst v63  }
0x51: {  	_ =	swait.ge [sflag:s20], $0x8  }
0x52: {  	[sflag:s20] =	ssyncset.done $0x0  }
0x53: {  	[sflag:s20] =	ssyncadd.s32 $0xFFFFFFF8  }
0x54: {  	[tilespmem:s25], [sflag:$0x1] =	stream.indirect.gather [hbm4b:s6+s24], $0x10, s23, s24, $0xb8;
	[tilespmem:$0x3898] =	vst v63  }
0x55: {  	_ =	swait.ge [sflag:s21], $0x80  }
0x56: {  	[sflag:s21] =	ssyncset.done $0x0  }
0x57: {  	s0 =	simm.s32 $0x1108;
	[sflag:s21] =	ssyncadd.s32 $0xFFFFFF80  }
0x58: {  	[tilespmem:s0], [sflag:$0x2] =	stream.linear.gather [hbm4b:s15+s5], $0x80, $0x38;
	[tilespmem:$0x3898] =	vst v63  }
0x59: {  	_ =	swait.ge [sflag:s20], $0x80  }
0x5a: {  	[sflag:s20] =	ssyncset.done $0x0  }
0x5b: {  	[sflag:s20] =	ssyncadd.s32 $0xFFFFFF80  }
0x5c: {  	v1 =	vld [tilespmem:$0x1088]  }
0x5d: {  	v2 =	vld [tilespmem:$0x1108]  }
0x5e: {  	v3 =	vld [tilespmem:$0x1098]  }
0x5f: {  	v4 =	vld [tilespmem:$0x1118]  }
0x60: {  	v5 =	vld [tilespmem:$0x10A8]  }
0x61: {  	v6 =	vld [tilespmem:$0x1128]  }
0x62: {  	v7 =	vld [tilespmem:$0x10B8]  }
0x63: {  	v8 =	vld [tilespmem:$0x1138]  }
0x64: {  	v9 =	vld [tilespmem:$0x10C8]  }
0x65: {  	v10 =	vld [tilespmem:$0x1148]  }
0x66: {  	v11 =	vld [tilespmem:$0x10D8]  }
0x67: {  	v12 =	vld [tilespmem:$0x1158]  }
0x68: {  	v13 =	vld [tilespmem:$0x10E8]  }
0x69: {  	v62 =	vld [tilespmem:$0x10F8];
	v1 =	vmul.f32 v2, v1  }
0x6a: {  	v2 =	vld [tilespmem:$0x1168];
	v3 =	vmul.f32 v4, v3  }
0x6b: {  	v63 =	vld [tilespmem:$0x1178];
	[tilespmem:$0x1088] =	vst v1;
	v1 =	vmul.f32 v6, v5  }
0x6c: {  	[tilespmem:$0x1098] =	vst v3;
	v3 =	vmul.f32 v8, v7  }
0x6d: {  	[tilespmem:$0x10A8] =	vst v1;
	v1 =	vmul.f32 v10, v9  }
0x6e: {  	[tilespmem:$0x10B8] =	vst v3;
	v3 =	vmul.f32 v12, v11  }
0x6f: {  	[tilespmem:$0x10C8] =	vst v1;
	v1 =	vmul.f32 v2, v13  }
0x70: {  	[tilespmem:$0x10D8] =	vst v3;
	v2 =	vmul.f32 v63, v62  }
0x71: {  	[tilespmem:$0x10E8] =	vst v1  }
0x72: {  	[tilespmem:$0x10F8] =	vst v2  }
0x73: {  	[tilespmem:s23], [sflag:$0x2] =	stream.linear.gather [hbm4b:s16+s5], $0x8, $0x38;
	[tilespmem:$0x3898] =	vst v63  }
0x74: {  	_ =	swait.ge [sflag:s20], $0x8  }
0x75: {  	[sflag:s20] =	ssyncset.done $0x0  }
0x76: {  	[sflag:s20] =	ssyncadd.s32 $0xFFFFFFF8  }
0x77: {  	[spmem:s4] =	stream.indirect.scatter.add.f32 [tilespmem:s25], [sflag:$0x2], $0x10, s23, s24, $0xb8;
	[tilespmem:$0x3898] =	vst v63  }
0x78: {  	s31 =	stileid.u32;
	_ =	swait.ge [sflag:s20], $0x80  }
0x79: {  	s3 =	sshrl.u32 s9, $0x3;
	s28 =	sadd.s32 $0x1, s28;
	[sflag:s20] =	ssyncset.done $0x0  }
0x7a: {  	p0 =	sne.s32 s28, s18;
	s0 =	sshll.u32 s31, $0x6;
	[sflag:s20] =	ssyncadd.s32 $0xFFFFFF80  }
.Ltmp3:
0x7b: {  	s0 =	sor.u32 $0x1C02, s0;
	[bflag:$0x0] =	sbarrier.arrive $0xFFFF;
	(pc) =	sbr.rel @p0 .LBB2_1-.Ltmp3, $4  }
0x7c: {  	[hbm:s17], [sflag:s0] =	dma.local [spmem:s3], $0x4E2  }
0x7d: {  	_ =	swait.ge [sflag:s20], $0x4E2  }
0x7e: {  	[sflag:s20] =	ssyncset.done $0x0  }
0x7f: {  	[sflag:s20] =	ssyncadd.s32 $0xFFFFFB1E  }
0x80: {  	_ =	sfence.sel $0x180000  }
0x81: {  	[bflag:$0x0] =	sbarrier.arrive $0xFFFF  }
0x82: {  	_ =	strace $0x90000050  }
0x83: {  	s0 =	stileid.u32;
	[bflag:$0x2] =	sbarrier.arrive $0xFFFF  }
0x84: {  	p0 =	sne.s32 s0, $0x0;
	s0 =	rddreg [dreg:$0x4]  }
0x85: {  	s0 =	sadd.s32 @!p0 $0x100000, s0  }
0x86: {  	[sflag:s0] =	ssyncadd.tile.s32 @!p0 $0x1;
	_ =	shalt  }
.Lfunc_end2:
_tile_overlayer_lowered:
.L_overlay_start_2:
0x87: {  	(tag) =	ssettag $0x2  }
0x88: {  	s0 =	rddreg [dreg:$0x0];
	s2 =	stileid.u32  }
0x89: {  	s1 =	rddreg [dreg:$0x1];
	p0 =	sne.s32 s2, $0x0  }
0x8a: {  	s3 =	rddreg [dreg:$0x2];
	[bflag:$0x3] =	sbarrier.arrive $0xFFFF;
	s2 =	simm.s32 @!p0 $0x1C02  }
0x8b: {  	[timem:s3], [sflag:s2] =	dma.local @!p0 [hbm:s0], s1  }
0x8c: {  	s0 =	simm.s32 @!p0 $0x2  }
0x8d: {  	_ =	swait.ge @!p0 [sflag:s0], s1  }
0x8e: {  	s1 =	ssub.s32 @!p0 $0x0, s1;
	[sflag:s0] =	ssyncset.done @!p0 $0x0  }
0x8f: {  	[sflag:s0] =	ssyncadd.s32 @!p0 s1  }
0x90: {  	[bflag:$0x3] =	sbarrier.arrive $0xFFFF  }
0x91: {  	_ =	shalt  }

</sc_bundles>
